<compile_context>
chip_gen: v7x
topology: tpu7x:2x2x1
jax: 0.10.2.dev20260603
libtpu: 0.0.44.dev20260713+nightly
codegen_flags: <defaults>
</compile_context>

<pallas_src>
import functools

import jax
import jax.numpy as jnp
from jax.experimental import pallas as pl

RADIUS = 2
T = 2
FDIM = 39
BDIM = 10
FP = 64
B = 1024
MOL = 128
NB = 6

BS = 8

_HI = jax.lax.Precision.HIGHEST


def _dotT(x, w):
    return jax.lax.dot_general(x, w, (((1,), (1,)), ((), ())),
                               precision=_HI, preferred_element_type=jnp.float32)


def _dot(x, w):
    return jax.lax.dot_general(x, w, (((1,), (0,)), ((), ())),
                               precision=_HI, preferred_element_type=jnp.float32)


def _seg_sum(e_mat, x):
    return jax.lax.dot_general(e_mat, x, (((0,), (0,)), ((), ())),
                               precision=_HI, preferred_element_type=jnp.float32)


def _leaky(x):
    return jnp.where(x >= 0, x, 0.01 * x)


def _elu(x):
    return jnp.where(x > 0, x, jnp.exp(jnp.minimum(x, 0.0)) - 1.0)


def _gru(x, h, wih, whh, bih, bhh):
    gi = _dotT(x, wih) + bih
    gh = _dotT(h, whh) + bhh
    r = jax.nn.sigmoid(gi[:, 0:FP] + gh[:, 0:FP])
    z = jax.nn.sigmoid(gi[:, FP:2 * FP] + gh[:, FP:2 * FP])
    n = jnp.tanh(gi[:, 2 * FP:] + r * gh[:, 2 * FP:])
    return (1.0 - z) * n + z * h


def _gather_block(table, idx, j):
    iota = jax.lax.broadcasted_iota(jnp.int32, (MOL, MOL), 1)
    pieces = []
    for m in range(BS):
        col = idx[m * MOL:(m + 1) * MOL, j:j + 1]
        onehot = (col == iota).astype(jnp.float32)
        pieces.append(_dot(onehot, table[m * MOL:(m + 1) * MOL, :]))
    return jnp.concatenate(pieces, axis=0)


def _attention_round(af, nf_list, idxA, alw, alb, atw, atb):
    wa = alw[:, 0:FP]
    wn = alw[:, FP:2 * FP]
    base = jnp.sum(af * wa, axis=1, keepdims=True) + alb
    scores = []
    amasks = []
    for j in range(NB):
        pad = idxA[:, j:j + 1] == (MOL - 1)
        smask = jnp.where(pad, -9e8, 0.0).astype(jnp.float32)
        amasks.append(jnp.where(pad, 0.0, 1.0).astype(jnp.float32))
        scores.append(_leaky(base + jnp.sum(nf_list[j] * wn, axis=1,
                                            keepdims=True)) + smask)
    mx = scores[0]
    for j in range(1, NB):
        mx = jnp.maximum(mx, scores[j])
    es = [jnp.exp(s - mx) for s in scores]
    denom = es[0]
    for j in range(1, NB):
        denom = denom + es[j]
    ctx = jnp.zeros_like(af)
    for j in range(NB):
        aw = es[j] / denom * amasks[j]
        ctx = ctx + aw * (_dotT(nf_list[j], atw) + atb)
    return _elu(ctx)


def _fp_kernel(atom_ref, bond_ref, idxA_ref, idxB_ref, mask_ref,
               afc_w_ref, afc_b_ref, nfc_w_ref, nfc_b_ref,
               gwi_ref, gbi_ref, gwh_ref, gbh_ref,
               alw_ref, alb_ref, atw_ref, atb_ref,
               mgwi_ref, mgbi_ref, mgwh_ref, mgbh_ref,
               malw_ref, malb_ref, matw_ref, matb_ref,
               ow_ref, ob_ref,
               out_af_ref, out_pred_ref):
    R = BS * MOL
    atom = atom_ref[...]
    bond = bond_ref[...]
    idxA = idxA_ref[...]
    idxB = idxB_ref[...]
    mask = mask_ref[...]

    af = _leaky(_dotT(atom, afc_w_ref[...]) + afc_b_ref[...])

    nfc_w = nfc_w_ref[...]
    wA = nfc_w[:, 0:FDIM]
    wB = nfc_w[:, FDIM:FDIM + BDIM]
    nf0 = []
    for j in range(NB):
        ga = _gather_block(atom, idxA, j)
        gb = _gather_block(bond, idxB, j)
        nf0.append(_leaky(_dotT(ga, wA) + _dotT(gb, wB) + nfc_b_ref[...]))

    h = af
    for d in range(RADIUS):
        if d == 0:
            nf = nf0
            cur = af
        else:
            nf = [_gather_block(act, idxA, j) for j in range(NB)]
            cur = act
        ctx = _attention_round(
            cur, nf, idxA,
            alw_ref[d], alb_ref[d], atw_ref[d], atb_ref[d])
        h = _gru(ctx, h, gwi_ref[d], gwh_ref[d], gbi_ref[d], gbh_ref[d])
        act = jnp.maximum(h, 0.0)

    out_af_ref[...] = h

    e_mat = (jax.lax.broadcasted_iota(jnp.int32, (R, BS), 0) // MOL ==
             jax.lax.broadcasted_iota(jnp.int32, (R, BS), 1)).astype(jnp.float32)
    mol_feature = _seg_sum(e_mat, act * mask)
    act_mol = jnp.maximum(mol_feature, 0.0)
    mol_smask = jnp.where(mask == 0.0, -9e8, 0.0).astype(jnp.float32)

    malw = malw_ref[...]
    w_mol = malw[:, 0:FP]
    w_atom = malw[:, FP:2 * FP]
    aft = _dotT(act, matw_ref[...]) + matb_ref[...]
    for _ in range(T):
        act_mol_rows = _dot(e_mat, act_mol)
        mas = _leaky(jnp.sum(act_mol_rows * w_mol, axis=1, keepdims=True) +
                     jnp.sum(act * w_atom, axis=1, keepdims=True) +
                     malb_ref[...]) + mol_smask
        shifted = []
        for m in range(BS):
            sl = mas[m * MOL:(m + 1) * MOL, :]
            shifted.append(sl - jnp.max(sl))
        e = jnp.exp(jnp.concatenate(shifted, axis=0)) * mask
        num = _seg_sum(e_mat, e * aft)
        den = _seg_sum(e_mat, jnp.broadcast_to(e, (R, FP)))
        mc = _elu(num / den)
        mol_feature = _gru(mc, mol_feature, mgwi_ref[...], mgwh_ref[...],
                           mgbi_ref[...], mgbh_ref[...])
        act_mol = jnp.maximum(mol_feature, 0.0)

    out_pred_ref[...] = (jnp.sum(mol_feature * ow_ref[...], axis=1,
                                 keepdims=True) + ob_ref[...])


@functools.partial(jax.jit, static_argnames=("interpret",))
def _fingerprint(atom_list, bond_list, atom_degree_list, bond_degree_list,
                 atom_mask, params, interpret=False):
    b, mol, fdim = atom_list.shape
    assert mol == MOL and fdim == FDIM
    R = BS * MOL
    n_blocks = b // BS

    atom2d = atom_list.reshape(b * mol, FDIM)
    bond2d = bond_list.reshape(b * mol, BDIM)
    idxA2d = atom_degree_list.reshape(b * mol, NB).astype(jnp.int32)
    idxB2d = bond_degree_list.reshape(b * mol, NB).astype(jnp.int32)
    mask2d = atom_mask.reshape(b * mol, 1)

    p = params
    row = lambda v: v.reshape(1, -1)
    ins = [
        atom2d, bond2d, idxA2d, idxB2d, mask2d,
        p['atom_fc_w'], row(p['atom_fc_b']),
        p['neighbor_fc_w'], row(p['neighbor_fc_b']),
        p['gru_wih'], p['gru_bih'].reshape(RADIUS, 1, 3 * FP),
        p['gru_whh'], p['gru_bhh'].reshape(RADIUS, 1, 3 * FP),
        p['align_w'], p['align_b'].reshape(RADIUS, 1, 1),
        p['attend_w'], p['attend_b'].reshape(RADIUS, 1, FP),
        p['mol_gru_wih'], row(p['mol_gru_bih']),
        p['mol_gru_whh'], row(p['mol_gru_bhh']),
        p['mol_align_w'], p['mol_align_b'].reshape(1, 1),
        p['mol_attend_w'], row(p['mol_attend_b']),
        p['out_w'], p['out_b'].reshape(1, 1),
    ]

    def data_spec(ncol):
        return pl.BlockSpec((R, ncol), lambda i: (i, 0))

    def full_spec(a):
        nd = a.ndim
        return pl.BlockSpec(a.shape, lambda i, _n=nd: (0,) * _n)

    in_specs = [data_spec(FDIM), data_spec(BDIM), data_spec(NB), data_spec(NB),
                data_spec(1)] + [full_spec(a) for a in ins[5:]]

    out_shapes = (
        jax.ShapeDtypeStruct((b * mol, FP), jnp.float32),
        jax.ShapeDtypeStruct((b, 1), jnp.float32),
    )
    out_specs = (
        pl.BlockSpec((R, FP), lambda i: (i, 0)),
        pl.BlockSpec((BS, 1), lambda i: (i, 0)),
    )

    out_af, out_pred = pl.pallas_call(
        _fp_kernel,
        grid=(n_blocks,),
        in_specs=in_specs,
        out_specs=out_specs,
        out_shape=out_shapes,
        interpret=interpret,
    )(*ins)

    return out_af.reshape(b, mol, FP), out_pred


def kernel(atom_list, bond_list, atom_degree_list, bond_degree_list,
           atom_mask, params):
    return _fingerprint(atom_list, bond_list, atom_degree_list,
                        bond_degree_list, atom_mask, params)

# --- scband reference (transcript-rebuilt; emitter-appended) ---
"""Pipeline reference for scband-fingerprint-26731876450918 (READ-ONLY COPY).

The authoritative reference and input builder live on the scoring server;
editing this copy changes nothing except your own understanding.
"""

import jax, jax.numpy as jnp
import numpy as np

RADIUS = 2
T = 2
FDIM = 39
BDIM = 10
FP = 64
OUT = 1
B = 1024
MOL = 128
NB = 6


def _init_linear(key, out_dim, in_dim):
    k1, k2 = jax.random.split(key)
    bound = 1.0 / np.sqrt(in_dim)
    w = jax.random.uniform(k1, (out_dim, in_dim), jnp.float32, -bound, bound)
    b = jax.random.uniform(k2, (out_dim,), jnp.float32, -bound, bound)
    return w, b


def setup_inputs(seed: int = 0):
    key = jax.random.key(seed)
    ks = jax.random.split(key, 40)
    atom_list = jax.random.normal(ks[0], (B, MOL, FDIM), jnp.float32)
    bond_list = jax.random.normal(ks[1], (B, MOL, BDIM), jnp.float32)
    atom_degree_list = jax.random.randint(ks[2], (B, MOL, NB), 0, MOL)
    bond_degree_list = jax.random.randint(ks[3], (B, MOL, NB), 0, MOL)
    atom_mask = jnp.ones((B, MOL), jnp.float32)
    params = {}
    params['atom_fc_w'], params['atom_fc_b'] = _init_linear(ks[4], FP, FDIM)
    params['neighbor_fc_w'], params['neighbor_fc_b'] = _init_linear(ks[5], FP, FDIM + BDIM)
    gwi, gbi, gwh, gbh, alw, alb, atw, atb = [], [], [], [], [], [], [], []
    for r in range(RADIUS):
        w, b = _init_linear(ks[6 + r], 3 * FP, FP); gwi.append(w); gbi.append(b)
        w, b = _init_linear(ks[10 + r], 3 * FP, FP); gwh.append(w); gbh.append(b)
        w, b = _init_linear(ks[14 + r], 1, 2 * FP); alw.append(w); alb.append(b)
        w, b = _init_linear(ks[18 + r], FP, FP); atw.append(w); atb.append(b)
    params['gru_wih'] = jnp.stack(gwi); params['gru_bih'] = jnp.stack(gbi)
    params['gru_whh'] = jnp.stack(gwh); params['gru_bhh'] = jnp.stack(gbh)
    params['align_w'] = jnp.stack(alw); params['align_b'] = jnp.stack(alb)
    params['attend_w'] = jnp.stack(atw); params['attend_b'] = jnp.stack(atb)
    params['mol_gru_wih'], params['mol_gru_bih'] = _init_linear(ks[22], 3 * FP, FP)
    params['mol_gru_whh'], params['mol_gru_bhh'] = _init_linear(ks[23], 3 * FP, FP)
    params['mol_align_w'], params['mol_align_b'] = _init_linear(ks[24], 1, 2 * FP)
    params['mol_attend_w'], params['mol_attend_b'] = _init_linear(ks[25], FP, FP)
    params['out_w'], params['out_b'] = _init_linear(ks[26], OUT, FP)
    return {'atom_list': atom_list, 'bond_list': bond_list,
            'atom_degree_list': atom_degree_list, 'bond_degree_list': bond_degree_list,
            'atom_mask': atom_mask, 'params': params}


def _leaky(x):
    return jax.nn.leaky_relu(x, 0.01)


def _gru(x, h, wih, whh, bih, bhh):
    gi = x @ wih.T + bih
    gh = h @ whh.T + bhh
    ir, iz, inn = jnp.split(gi, 3, axis=-1)
    hr, hz, hn = jnp.split(gh, 3, axis=-1)
    r = jax.nn.sigmoid(ir + hr)
    z = jax.nn.sigmoid(iz + hz)
    n = jnp.tanh(inn + r * hn)
    return (1.0 - z) * n + z * h


def _gather(feat, idx):
    # per-batch gather: feat[i][idx[i]] (dropout is identity in eval mode)
    return jax.vmap(lambda f, i: f[i])(feat, idx)


def _forward(atom_list, bond_list, atom_mask, params, atom_degree_list, bond_degree_list):
    p = params
    mask_u = atom_mask[..., None]
    atom_feature = _leaky(atom_list @ p['atom_fc_w'].T + p['atom_fc_b'])
    bond_neighbor = _gather(bond_list, bond_degree_list)
    atom_neighbor = _gather(atom_list, atom_degree_list)
    neighbor_feature = _leaky(jnp.concatenate([atom_neighbor, bond_neighbor], axis=-1) @ p['neighbor_fc_w'].T + p['neighbor_fc_b'])
    pad = atom_degree_list == (MOL - 1)
    attend_mask = jnp.where(pad, 0.0, 1.0)[..., None].astype(jnp.float32)
    softmax_mask = jnp.where(pad, -9e8, 0.0)[..., None].astype(jnp.float32)
    bsz, ml, mn, fp = neighbor_feature.shape
    h = atom_feature.reshape(bsz * ml, fp)
    act = None
    for d in range(RADIUS):
        if d == 0:
            nf = neighbor_feature
            cur = atom_feature
        else:
            nf = _gather(act, atom_degree_list)
            cur = act
        afe = jnp.broadcast_to(cur[:, :, None, :], (bsz, ml, mn, fp))
        fa = jnp.concatenate([afe, nf], axis=-1)
        score = _leaky(fa @ p['align_w'][d].T + p['align_b'][d]) + softmax_mask
        aw = jax.nn.softmax(score, axis=-2) * attend_mask
        nft = nf @ p['attend_w'][d].T + p['attend_b'][d]
        context = jax.nn.elu(jnp.sum(aw * nft, axis=-2))
        h = _gru(context.reshape(bsz * ml, fp), h, p['gru_wih'][d], p['gru_whh'][d], p['gru_bih'][d], p['gru_bhh'][d])
        atom_feature = h.reshape(bsz, ml, fp)
        act = jax.nn.relu(atom_feature)
    mol_feature = jnp.sum(act * mask_u, axis=-2)
    act_mol = jax.nn.relu(mol_feature)
    mol_smask = jnp.where(mask_u == 0.0, -9e8, 0.0).astype(jnp.float32)
    for _ in range(T):
        mpe = jnp.broadcast_to(act_mol[:, None, :], (bsz, ml, fp))
        ma = jnp.concatenate([mpe, act], axis=-1)
        mas = _leaky(ma @ p['mol_align_w'].T + p['mol_align_b']) + mol_smask
        maw = jax.nn.softmax(mas, axis=-2) * mask_u
        aft = act @ p['mol_attend_w'].T + p['mol_attend_b']
        mc = jax.nn.elu(jnp.sum(maw * aft, axis=-2))
        mol_feature = _gru(mc, mol_feature, p['mol_gru_wih'], p['mol_gru_whh'], p['mol_gru_bih'], p['mol_gru_bhh'])
        act_mol = jax.nn.relu(mol_feature)
    mol_prediction = mol_feature @ p['out_w'].T + p['out_b']
    return (atom_feature, mol_prediction)


def reference(atom_list, bond_list, atom_degree_list, bond_degree_list, atom_mask, params):
    return _forward(atom_list, bond_list, atom_mask, params, atom_degree_list, bond_degree_list)

if __name__ == "__main__":
    import jax
    _d = setup_inputs()
    print(jax.jit(kernel)(*tuple(_d.values())))

</pallas_src>

<mosaic_0001>
module attributes {stable_mosaic.version = 14 : i64} {
  func.func @_fp_kernel(%arg0: i32, %arg1: memref<1024x39xf32, #tpu.memory_space<vmem>>, %arg2: memref<1024x10xf32, #tpu.memory_space<vmem>>, %arg3: memref<1024x6xi32, #tpu.memory_space<vmem>>, %arg4: memref<1024x6xi32, #tpu.memory_space<vmem>>, %arg5: memref<1024x1xf32, #tpu.memory_space<vmem>>, %arg6: memref<64x39xf32, #tpu.memory_space<vmem>>, %arg7: memref<1x64xf32, #tpu.memory_space<vmem>>, %arg8: memref<64x49xf32, #tpu.memory_space<vmem>>, %arg9: memref<1x64xf32, #tpu.memory_space<vmem>>, %arg10: memref<2x192x64xf32, #tpu.memory_space<vmem>>, %arg11: memref<2x1x192xf32, #tpu.memory_space<vmem>>, %arg12: memref<2x192x64xf32, #tpu.memory_space<vmem>>, %arg13: memref<2x1x192xf32, #tpu.memory_space<vmem>>, %arg14: memref<2x1x128xf32, #tpu.memory_space<vmem>>, %arg15: memref<2x1x1xf32, #tpu.memory_space<vmem>>, %arg16: memref<2x64x64xf32, #tpu.memory_space<vmem>>, %arg17: memref<2x1x64xf32, #tpu.memory_space<vmem>>, %arg18: memref<192x64xf32, #tpu.memory_space<vmem>>, %arg19: memref<1x192xf32, #tpu.memory_space<vmem>>, %arg20: memref<192x64xf32, #tpu.memory_space<vmem>>, %arg21: memref<1x192xf32, #tpu.memory_space<vmem>>, %arg22: memref<1x128xf32, #tpu.memory_space<vmem>>, %arg23: memref<1x1xf32, #tpu.memory_space<vmem>>, %arg24: memref<64x64xf32, #tpu.memory_space<vmem>>, %arg25: memref<1x64xf32, #tpu.memory_space<vmem>>, %arg26: memref<1x64xf32, #tpu.memory_space<vmem>>, %arg27: memref<1x1xf32, #tpu.memory_space<vmem>>, %arg28: memref<1024x64xf32, #tpu.memory_space<vmem>>, %arg29: memref<8x1xf32, #tpu.memory_space<vmem>>) attributes {dimension_semantics = [#tpu.dimension_semantics<arbitrary>], iteration_bounds = array<i64: 128>, scalar_prefetch = 0 : i64, scratch_operands = 0 : i64, tpu.core_type = #tpu.core_type<tc>, window_params = [{transform_indices = @transform_0, window_bounds = array<i64: 1024, 39>}, {transform_indices = @transform_1, window_bounds = array<i64: 1024, 10>}, {transform_indices = @transform_2, window_bounds = array<i64: 1024, 6>}, {transform_indices = @transform_3, window_bounds = array<i64: 1024, 6>}, {transform_indices = @transform_4, window_bounds = array<i64: 1024, 1>}, {pipeline_mode = #tpu.pipeline_mode<synchronous>, transform_indices = @transform_5, window_bounds = array<i64: 64, 39>}, {pipeline_mode = #tpu.pipeline_mode<synchronous>, transform_indices = @transform_6, window_bounds = array<i64: 1, 64>}, {pipeline_mode = #tpu.pipeline_mode<synchronous>, transform_indices = @transform_7, window_bounds = array<i64: 64, 49>}, {pipeline_mode = #tpu.pipeline_mode<synchronous>, transform_indices = @transform_8, window_bounds = array<i64: 1, 64>}, {pipeline_mode = #tpu.pipeline_mode<synchronous>, transform_indices = @transform_9, window_bounds = array<i64: 2, 192, 64>}, {pipeline_mode = #tpu.pipeline_mode<synchronous>, transform_indices = @transform_10, window_bounds = array<i64: 2, 1, 192>}, {pipeline_mode = #tpu.pipeline_mode<synchronous>, transform_indices = @transform_11, window_bounds = array<i64: 2, 192, 64>}, {pipeline_mode = #tpu.pipeline_mode<synchronous>, transform_indices = @transform_12, window_bounds = array<i64: 2, 1, 192>}, {pipeline_mode = #tpu.pipeline_mode<synchronous>, transform_indices = @transform_13, window_bounds = array<i64: 2, 1, 128>}, {pipeline_mode = #tpu.pipeline_mode<synchronous>, transform_indices = @transform_14, window_bounds = array<i64: 2, 1, 1>}, {pipeline_mode = #tpu.pipeline_mode<synchronous>, transform_indices = @transform_15, window_bounds = array<i64: 2, 64, 64>}, {pipeline_mode = #tpu.pipeline_mode<synchronous>, transform_indices = @transform_16, window_bounds = array<i64: 2, 1, 64>}, {pipeline_mode = #tpu.pipeline_mode<synchronous>, transform_indices = @transform_17, window_bounds = array<i64: 192, 64>}, {pipeline_mode = #tpu.pipeline_mode<synchronous>, transform_indices = @transform_18, window_bounds = array<i64: 1, 192>}, {pipeline_mode = #tpu.pipeline_mode<synchronous>, transform_indices = @transform_19, window_bounds = array<i64: 192, 64>}, {pipeline_mode = #tpu.pipeline_mode<synchronous>, transform_indices = @transform_20, window_bounds = array<i64: 1, 192>}, {pipeline_mode = #tpu.pipeline_mode<synchronous>, transform_indices = @transform_21, window_bounds = array<i64: 1, 128>}, {pipeline_mode = #tpu.pipeline_mode<synchronous>, transform_indices = @transform_22, window_bounds = array<i64: 1, 1>}, {pipeline_mode = #tpu.pipeline_mode<synchronous>, transform_indices = @transform_23, window_bounds = array<i64: 64, 64>}, {pipeline_mode = #tpu.pipeline_mode<synchronous>, transform_indices = @transform_24, window_bounds = array<i64: 1, 64>}, {pipeline_mode = #tpu.pipeline_mode<synchronous>, transform_indices = @transform_25, window_bounds = array<i64: 1, 64>}, {pipeline_mode = #tpu.pipeline_mode<synchronous>, transform_indices = @transform_26, window_bounds = array<i64: 1, 1>}, {transform_indices = @transform_27, window_bounds = array<i64: 1024, 64>}, {transform_indices = @transform_28, window_bounds = array<i64: 8, 1>}]} {
    %get3A = arith.constant 0 : index
    %get3A_0 = arith.constant 0 : index
    %get3A_1 = vector.load %arg1[%get3A, %get3A_0] : memref<1024x39xf32, #tpu.memory_space<vmem>>, vector<1024x39xf32>
    %get3A_2 = arith.constant 0 : index
    %get3A_3 = arith.constant 0 : index
    %get3A_4 = vector.load %arg2[%get3A_2, %get3A_3] : memref<1024x10xf32, #tpu.memory_space<vmem>>, vector<1024x10xf32>
    %get3A_5 = arith.constant 0 : index
    %get3A_6 = arith.constant 0 : index
    %get3A_7 = vector.load %arg3[%get3A_5, %get3A_6] : memref<1024x6xi32, #tpu.memory_space<vmem>>, vector<1024x6xi32>
    %get3A_8 = arith.constant 0 : index
    %get3A_9 = arith.constant 0 : index
    %get3A_10 = vector.load %arg4[%get3A_8, %get3A_9] : memref<1024x6xi32, #tpu.memory_space<vmem>>, vector<1024x6xi32>
    %get3A_11 = arith.constant 0 : index
    %get3A_12 = arith.constant 0 : index
    %get3A_13 = vector.load %arg5[%get3A_11, %get3A_12] : memref<1024x1xf32, #tpu.memory_space<vmem>>, vector<1024x1xf32>
    %get3A_14 = arith.constant 0 : index
    %get3A_15 = arith.constant 0 : index
    %get3A_16 = vector.load %arg6[%get3A_14, %get3A_15] : memref<64x39xf32, #tpu.memory_space<vmem>>, vector<64x39xf32>
    %dot_general3A = arith.constant dense<0.000000e+00> : vector<1024x64xf32>
    %dot_general3A_17 = tpu.matmul %get3A_1, %get3A_16, %dot_general3A {dimension_numbers = #tpu.dot_dimension_numbers<[1], [1], [0], [0], [0, 0, 1, 0], [], []>, precision = #tpu.contract_precision<fp32>, transpose_lhs_hint = false} : vector<1024x39xf32>, vector<64x39xf32>, vector<1024x64xf32> -> vector<1024x64xf32>
    %get3A_18 = arith.constant 0 : index
    %get3A_19 = arith.constant 0 : index
    %get3A_20 = vector.load %arg7[%get3A_18, %get3A_19] : memref<1x64xf32, #tpu.memory_space<vmem>>, vector<1x64xf32>
    %add3A = vector.broadcast %get3A_20 : vector<1x64xf32> to vector<1024x64xf32>
    %add3A_21 = arith.addf %dot_general3A_17, %add3A : vector<1024x64xf32>
    %jit3A = arith.constant 0.00999999977 : f32
    %ge3A = arith.constant 0.000000e+00 : f32
    %ge3A_22 = vector.broadcast %ge3A : f32 to vector<1024x64xf32>
    %ge3A_23 = arith.cmpf oge, %add3A_21, %ge3A_22 : vector<1024x64xf32>
    %mul3A = vector.broadcast %jit3A : f32 to vector<1024x64xf32>
    %mul3A_24 = arith.mulf %mul3A, %add3A_21 : vector<1024x64xf32>
    %select_n3A = arith.select %ge3A_23, %add3A_21, %mul3A_24 : vector<1024x64xi1>, vector<1024x64xf32>
    %get3A_25 = arith.constant 0 : index
    %get3A_26 = arith.constant 0 : index
    %get3A_27 = vector.load %arg8[%get3A_25, %get3A_26] : memref<64x49xf32, #tpu.memory_space<vmem>>, vector<64x49xf32>
    %slice3A = vector.extract_strided_slice %get3A_27 {offsets = [0, 0], sizes = [64, 39], strides = [1, 1]} : vector<64x49xf32> to vector<64x39xf32>
    %slice3A_28 = vector.extract_strided_slice %get3A_27 {offsets = [0, 39], sizes = [64, 10], strides = [1, 1]} : vector<64x49xf32> to vector<64x10xf32>
    %iota3A = tpu.iota {dimensions = array<i32: 1>} : vector<128x128xi32>
    %slice3A_29 = vector.extract_strided_slice %get3A_7 {offsets = [0, 0], sizes = [128, 1], strides = [1, 1]} : vector<1024x6xi32> to vector<128x1xi32>
    %eq3A = vector.broadcast %slice3A_29 : vector<128x1xi32> to vector<128x128xi32>
    %eq3A_30 = arith.cmpi eq, %eq3A, %iota3A : vector<128x128xi32>
    %convert_element_type3A = arith.extui %eq3A_30 : vector<128x128xi1> to vector<128x128xi32>
    %convert_element_type3A_31 = arith.sitofp %convert_element_type3A : vector<128x128xi32> to vector<128x128xf32>
    %slice3A_32 = vector.extract_strided_slice %get3A_1 {offsets = [0, 0], sizes = [128, 39], strides = [1, 1]} : vector<1024x39xf32> to vector<128x39xf32>
    %dot_general3A_33 = arith.constant dense<0.000000e+00> : vector<128x39xf32>
    %dot_general3A_34 = tpu.matmul %convert_element_type3A_31, %slice3A_32, %dot_general3A_33 {dimension_numbers = #tpu.dot_dimension_numbers<[1], [0], [0], [1], [0, 0, 1, 1], [], []>, precision = #tpu.contract_precision<fp32>, transpose_lhs_hint = false} : vector<128x128xf32>, vector<128x39xf32>, vector<128x39xf32> -> vector<128x39xf32>
    %slice3A_35 = vector.extract_strided_slice %get3A_7 {offsets = [128, 0], sizes = [128, 1], strides = [1, 1]} : vector<1024x6xi32> to vector<128x1xi32>
    %eq3A_36 = vector.broadcast %slice3A_35 : vector<128x1xi32> to vector<128x128xi32>
    %eq3A_37 = arith.cmpi eq, %eq3A_36, %iota3A : vector<128x128xi32>
    %convert_element_type3A_38 = arith.extui %eq3A_37 : vector<128x128xi1> to vector<128x128xi32>
    %convert_element_type3A_39 = arith.sitofp %convert_element_type3A_38 : vector<128x128xi32> to vector<128x128xf32>
    %slice3A_40 = vector.extract_strided_slice %get3A_1 {offsets = [128, 0], sizes = [128, 39], strides = [1, 1]} : vector<1024x39xf32> to vector<128x39xf32>
    %dot_general3A_41 = arith.constant dense<0.000000e+00> : vector<128x39xf32>
    %dot_general3A_42 = tpu.matmul %convert_element_type3A_39, %slice3A_40, %dot_general3A_41 {dimension_numbers = #tpu.dot_dimension_numbers<[1], [0], [0], [1], [0, 0, 1, 1], [], []>, precision = #tpu.contract_precision<fp32>, transpose_lhs_hint = false} : vector<128x128xf32>, vector<128x39xf32>, vector<128x39xf32> -> vector<128x39xf32>
    %slice3A_43 = vector.extract_strided_slice %get3A_7 {offsets = [256, 0], sizes = [128, 1], strides = [1, 1]} : vector<1024x6xi32> to vector<128x1xi32>
    %eq3A_44 = vector.broadcast %slice3A_43 : vector<128x1xi32> to vector<128x128xi32>
    %eq3A_45 = arith.cmpi eq, %eq3A_44, %iota3A : vector<128x128xi32>
    %convert_element_type3A_46 = arith.extui %eq3A_45 : vector<128x128xi1> to vector<128x128xi32>
    %convert_element_type3A_47 = arith.sitofp %convert_element_type3A_46 : vector<128x128xi32> to vector<128x128xf32>
    %slice3A_48 = vector.extract_strided_slice %get3A_1 {offsets = [256, 0], sizes = [128, 39], strides = [1, 1]} : vector<1024x39xf32> to vector<128x39xf32>
    %dot_general3A_49 = arith.constant dense<0.000000e+00> : vector<128x39xf32>
    %dot_general3A_50 = tpu.matmul %convert_element_type3A_47, %slice3A_48, %dot_general3A_49 {dimension_numbers = #tpu.dot_dimension_numbers<[1], [0], [0], [1], [0, 0, 1, 1], [], []>, precision = #tpu.contract_precision<fp32>, transpose_lhs_hint = false} : vector<128x128xf32>, vector<128x39xf32>, vector<128x39xf32> -> vector<128x39xf32>
    %slice3A_51 = vector.extract_strided_slice %get3A_7 {offsets = [384, 0], sizes = [128, 1], strides = [1, 1]} : vector<1024x6xi32> to vector<128x1xi32>
    %eq3A_52 = vector.broadcast %slice3A_51 : vector<128x1xi32> to vector<128x128xi32>
    %eq3A_53 = arith.cmpi eq, %eq3A_52, %iota3A : vector<128x128xi32>
    %convert_element_type3A_54 = arith.extui %eq3A_53 : vector<128x128xi1> to vector<128x128xi32>
    %convert_element_type3A_55 = arith.sitofp %convert_element_type3A_54 : vector<128x128xi32> to vector<128x128xf32>
    %slice3A_56 = vector.extract_strided_slice %get3A_1 {offsets = [384, 0], sizes = [128, 39], strides = [1, 1]} : vector<1024x39xf32> to vector<128x39xf32>
    %dot_general3A_57 = arith.constant dense<0.000000e+00> : vector<128x39xf32>
    %dot_general3A_58 = tpu.matmul %convert_element_type3A_55, %slice3A_56, %dot_general3A_57 {dimension_numbers = #tpu.dot_dimension_numbers<[1], [0], [0], [1], [0, 0, 1, 1], [], []>, precision = #tpu.contract_precision<fp32>, transpose_lhs_hint = false} : vector<128x128xf32>, vector<128x39xf32>, vector<128x39xf32> -> vector<128x39xf32>
    %slice3A_59 = vector.extract_strided_slice %get3A_7 {offsets = [512, 0], sizes = [128, 1], strides = [1, 1]} : vector<1024x6xi32> to vector<128x1xi32>
    %eq3A_60 = vector.broadcast %slice3A_59 : vector<128x1xi32> to vector<128x128xi32>
    %eq3A_61 = arith.cmpi eq, %eq3A_60, %iota3A : vector<128x128xi32>
    %convert_element_type3A_62 = arith.extui %eq3A_61 : vector<128x128xi1> to vector<128x128xi32>
    %convert_element_type3A_63 = arith.sitofp %convert_element_type3A_62 : vector<128x128xi32> to vector<128x128xf32>
    %slice3A_64 = vector.extract_strided_slice %get3A_1 {offsets = [512, 0], sizes = [128, 39], strides = [1, 1]} : vector<1024x39xf32> to vector<128x39xf32>
    %dot_general3A_65 = arith.constant dense<0.000000e+00> : vector<128x39xf32>
    %dot_general3A_66 = tpu.matmul %convert_element_type3A_63, %slice3A_64, %dot_general3A_65 {dimension_numbers = #tpu.dot_dimension_numbers<[1], [0], [0], [1], [0, 0, 1, 1], [], []>, precision = #tpu.contract_precision<fp32>, transpose_lhs_hint = false} : vector<128x128xf32>, vector<128x39xf32>, vector<128x39xf32> -> vector<128x39xf32>
    %slice3A_67 = vector.extract_strided_slice %get3A_7 {offsets = [640, 0], sizes = [128, 1], strides = [1, 1]} : vector<1024x6xi32> to vector<128x1xi32>
    %eq3A_68 = vector.broadcast %slice3A_67 : vector<128x1xi32> to vector<128x128xi32>
    %eq3A_69 = arith.cmpi eq, %eq3A_68, %iota3A : vector<128x128xi32>
    %convert_element_type3A_70 = arith.extui %eq3A_69 : vector<128x128xi1> to vector<128x128xi32>
    %convert_element_type3A_71 = arith.sitofp %convert_element_type3A_70 : vector<128x128xi32> to vector<128x128xf32>
    %slice3A_72 = vector.extract_strided_slice %get3A_1 {offsets = [640, 0], sizes = [128, 39], strides = [1, 1]} : vector<1024x39xf32> to vector<128x39xf32>
    %dot_general3A_73 = arith.constant dense<0.000000e+00> : vector<128x39xf32>
    %dot_general3A_74 = tpu.matmul %convert_element_type3A_71, %slice3A_72, %dot_general3A_73 {dimension_numbers = #tpu.dot_dimension_numbers<[1], [0], [0], [1], [0, 0, 1, 1], [], []>, precision = #tpu.contract_precision<fp32>, transpose_lhs_hint = false} : vector<128x128xf32>, vector<128x39xf32>, vector<128x39xf32> -> vector<128x39xf32>
    %slice3A_75 = vector.extract_strided_slice %get3A_7 {offsets = [768, 0], sizes = [128, 1], strides = [1, 1]} : vector<1024x6xi32> to vector<128x1xi32>
    %eq3A_76 = vector.broadcast %slice3A_75 : vector<128x1xi32> to vector<128x128xi32>
    %eq3A_77 = arith.cmpi eq, %eq3A_76, %iota3A : vector<128x128xi32>
    %convert_element_type3A_78 = arith.extui %eq3A_77 : vector<128x128xi1> to vector<128x128xi32>
    %convert_element_type3A_79 = arith.sitofp %convert_element_type3A_78 : vector<128x128xi32> to vector<128x128xf32>
    %slice3A_80 = vector.extract_strided_slice %get3A_1 {offsets = [768, 0], sizes = [128, 39], strides = [1, 1]} : vector<1024x39xf32> to vector<128x39xf32>
    %dot_general3A_81 = arith.constant dense<0.000000e+00> : vector<128x39xf32>
    %dot_general3A_82 = tpu.matmul %convert_element_type3A_79, %slice3A_80, %dot_general3A_81 {dimension_numbers = #tpu.dot_dimension_numbers<[1], [0], [0], [1], [0, 0, 1, 1], [], []>, precision = #tpu.contract_precision<fp32>, transpose_lhs_hint = false} : vector<128x128xf32>, vector<128x39xf32>, vector<128x39xf32> -> vector<128x39xf32>
    %slice3A_83 = vector.extract_strided_slice %get3A_7 {offsets = [896, 0], sizes = [128, 1], strides = [1, 1]} : vector<1024x6xi32> to vector<128x1xi32>
    %eq3A_84 = vector.broadcast %slice3A_83 : vector<128x1xi32> to vector<128x128xi32>
    %eq3A_85 = arith.cmpi eq, %eq3A_84, %iota3A : vector<128x128xi32>
    %convert_element_type3A_86 = arith.extui %eq3A_85 : vector<128x128xi1> to vector<128x128xi32>
    %convert_element_type3A_87 = arith.sitofp %convert_element_type3A_86 : vector<128x128xi32> to vector<128x128xf32>
    %slice3A_88 = vector.extract_strided_slice %get3A_1 {offsets = [896, 0], sizes = [128, 39], strides = [1, 1]} : vector<1024x39xf32> to vector<128x39xf32>
    %dot_general3A_89 = arith.constant dense<0.000000e+00> : vector<128x39xf32>
    %dot_general3A_90 = tpu.matmul %convert_element_type3A_87, %slice3A_88, %dot_general3A_89 {dimension_numbers = #tpu.dot_dimension_numbers<[1], [0], [0], [1], [0, 0, 1, 1], [], []>, precision = #tpu.contract_precision<fp32>, transpose_lhs_hint = false} : vector<128x128xf32>, vector<128x39xf32>, vector<128x39xf32> -> vector<128x39xf32>
    %concatenate3A = tpu.concatenate %dot_general3A_34, %dot_general3A_42, %dot_general3A_50, %dot_general3A_58, %dot_general3A_66, %dot_general3A_74, %dot_general3A_82, %dot_general3A_90 in 0 : vector<128x39xf32>, vector<128x39xf32>, vector<128x39xf32>, vector<128x39xf32>, vector<128x39xf32>, vector<128x39xf32>, vector<128x39xf32>, vector<128x39xf32> -> vector<1024x39xf32>
    %iota3A_91 = tpu.iota {dimensions = array<i32: 1>} : vector<128x128xi32>
    %slice3A_92 = vector.extract_strided_slice %get3A_10 {offsets = [0, 0], sizes = [128, 1], strides = [1, 1]} : vector<1024x6xi32> to vector<128x1xi32>
    %eq3A_93 = vector.broadcast %slice3A_92 : vector<128x1xi32> to vector<128x128xi32>
    %eq3A_94 = arith.cmpi eq, %eq3A_93, %iota3A_91 : vector<128x128xi32>
    %convert_element_type3A_95 = arith.extui %eq3A_94 : vector<128x128xi1> to vector<128x128xi32>
    %convert_element_type3A_96 = arith.sitofp %convert_element_type3A_95 : vector<128x128xi32> to vector<128x128xf32>
    %slice3A_97 = vector.extract_strided_slice %get3A_4 {offsets = [0, 0], sizes = [128, 10], strides = [1, 1]} : vector<1024x10xf32> to vector<128x10xf32>
    %dot_general3A_98 = arith.constant dense<0.000000e+00> : vector<128x10xf32>
    %dot_general3A_99 = tpu.matmul %convert_element_type3A_96, %slice3A_97, %dot_general3A_98 {dimension_numbers = #tpu.dot_dimension_numbers<[1], [0], [0], [1], [0, 0, 1, 1], [], []>, precision = #tpu.contract_precision<fp32>, transpose_lhs_hint = false} : vector<128x128xf32>, vector<128x10xf32>, vector<128x10xf32> -> vector<128x10xf32>
    %slice3A_100 = vector.extract_strided_slice %get3A_10 {offsets = [128, 0], sizes = [128, 1], strides = [1, 1]} : vector<1024x6xi32> to vector<128x1xi32>
    %eq3A_101 = vector.broadcast %slice3A_100 : vector<128x1xi32> to vector<128x128xi32>
    %eq3A_102 = arith.cmpi eq, %eq3A_101, %iota3A_91 : vector<128x128xi32>
    %convert_element_type3A_103 = arith.extui %eq3A_102 : vector<128x128xi1> to vector<128x128xi32>
    %convert_element_type3A_104 = arith.sitofp %convert_element_type3A_103 : vector<128x128xi32> to vector<128x128xf32>
    %slice3A_105 = vector.extract_strided_slice %get3A_4 {offsets = [128, 0], sizes = [128, 10], strides = [1, 1]} : vector<1024x10xf32> to vector<128x10xf32>
    %dot_general3A_106 = arith.constant dense<0.000000e+00> : vector<128x10xf32>
    %dot_general3A_107 = tpu.matmul %convert_element_type3A_104, %slice3A_105, %dot_general3A_106 {dimension_numbers = #tpu.dot_dimension_numbers<[1], [0], [0], [1], [0, 0, 1, 1], [], []>, precision = #tpu.contract_precision<fp32>, transpose_lhs_hint = false} : vector<128x128xf32>, vector<128x10xf32>, vector<128x10xf32> -> vector<128x10xf32>
    %slice3A_108 = vector.extract_strided_slice %get3A_10 {offsets = [256, 0], sizes = [128, 1], strides = [1, 1]} : vector<1024x6xi32> to vector<128x1xi32>
    %eq3A_109 = vector.broadcast %slice3A_108 : vector<128x1xi32> to vector<128x128xi32>
    %eq3A_110 = arith.cmpi eq, %eq3A_109, %iota3A_91 : vector<128x128xi32>
    %convert_element_type3A_111 = arith.extui %eq3A_110 : vector<128x128xi1> to vector<128x128xi32>
    %convert_element_type3A_112 = arith.sitofp %convert_element_type3A_111 : vector<128x128xi32> to vector<128x128xf32>
    %slice3A_113 = vector.extract_strided_slice %get3A_4 {offsets = [256, 0], sizes = [128, 10], strides = [1, 1]} : vector<1024x10xf32> to vector<128x10xf32>
    %dot_general3A_114 = arith.constant dense<0.000000e+00> : vector<128x10xf32>
    %dot_general3A_115 = tpu.matmul %convert_element_type3A_112, %slice3A_113, %dot_general3A_114 {dimension_numbers = #tpu.dot_dimension_numbers<[1], [0], [0], [1], [0, 0, 1, 1], [], []>, precision = #tpu.contract_precision<fp32>, transpose_lhs_hint = false} : vector<128x128xf32>, vector<128x10xf32>, vector<128x10xf32> -> vector<128x10xf32>
    %slice3A_116 = vector.extract_strided_slice %get3A_10 {offsets = [384, 0], sizes = [128, 1], strides = [1, 1]} : vector<1024x6xi32> to vector<128x1xi32>
    %eq3A_117 = vector.broadcast %slice3A_116 : vector<128x1xi32> to vector<128x128xi32>
    %eq3A_118 = arith.cmpi eq, %eq3A_117, %iota3A_91 : vector<128x128xi32>
    %convert_element_type3A_119 = arith.extui %eq3A_118 : vector<128x128xi1> to vector<128x128xi32>
    %convert_element_type3A_120 = arith.sitofp %convert_element_type3A_119 : vector<128x128xi32> to vector<128x128xf32>
    %slice3A_121 = vector.extract_strided_slice %get3A_4 {offsets = [384, 0], sizes = [128, 10], strides = [1, 1]} : vector<1024x10xf32> to vector<128x10xf32>
    %dot_general3A_122 = arith.constant dense<0.000000e+00> : vector<128x10xf32>
    %dot_general3A_123 = tpu.matmul %convert_element_type3A_120, %slice3A_121, %dot_general3A_122 {dimension_numbers = #tpu.dot_dimension_numbers<[1], [0], [0], [1], [0, 0, 1, 1], [], []>, precision = #tpu.contract_precision<fp32>, transpose_lhs_hint = false} : vector<128x128xf32>, vector<128x10xf32>, vector<128x10xf32> -> vector<128x10xf32>
    %slice3A_124 = vector.extract_strided_slice %get3A_10 {offsets = [512, 0], sizes = [128, 1], strides = [1, 1]} : vector<1024x6xi32> to vector<128x1xi32>
    %eq3A_125 = vector.broadcast %slice3A_124 : vector<128x1xi32> to vector<128x128xi32>
    %eq3A_126 = arith.cmpi eq, %eq3A_125, %iota3A_91 : vector<128x128xi32>
    %convert_element_type3A_127 = arith.extui %eq3A_126 : vector<128x128xi1> to vector<128x128xi32>
    %convert_element_type3A_128 = arith.sitofp %convert_element_type3A_127 : vector<128x128xi32> to vector<128x128xf32>
    %slice3A_129 = vector.extract_strided_slice %get3A_4 {offsets = [512, 0], sizes = [128, 10], strides = [1, 1]} : vector<1024x10xf32> to vector<128x10xf32>
    %dot_general3A_130 = arith.constant dense<0.000000e+00> : vector<128x10xf32>
    %dot_general3A_131 = tpu.matmul %convert_element_type3A_128, %slice3A_129, %dot_general3A_130 {dimension_numbers = #tpu.dot_dimension_numbers<[1], [0], [0], [1], [0, 0, 1, 1], [], []>, precision = #tpu.contract_precision<fp32>, transpose_lhs_hint = false} : vector<128x128xf32>, vector<128x10xf32>, vector<128x10xf32> -> vector<128x10xf32>
    %slice3A_132 = vector.extract_strided_slice %get3A_10 {offsets = [640, 0], sizes = [128, 1], strides = [1, 1]} : vector<1024x6xi32> to vector<128x1xi32>
    %eq3A_133 = vector.broadcast %slice3A_132 : vector<128x1xi32> to vector<128x128xi32>
    %eq3A_134 = arith.cmpi eq, %eq3A_133, %iota3A_91 : vector<128x128xi32>
    %convert_element_type3A_135 = arith.extui %eq3A_134 : vector<128x128xi1> to vector<128x128xi32>
    %convert_element_type3A_136 = arith.sitofp %convert_element_type3A_135 : vector<128x128xi32> to vector<128x128xf32>
    %slice3A_137 = vector.extract_strided_slice %get3A_4 {offsets = [640, 0], sizes = [128, 10], strides = [1, 1]} : vector<1024x10xf32> to vector<128x10xf32>
    %dot_general3A_138 = arith.constant dense<0.000000e+00> : vector<128x10xf32>
    %dot_general3A_139 = tpu.matmul %convert_element_type3A_136, %slice3A_137, %dot_general3A_138 {dimension_numbers = #tpu.dot_dimension_numbers<[1], [0], [0], [1], [0, 0, 1, 1], [], []>, precision = #tpu.contract_precision<fp32>, transpose_lhs_hint = false} : vector<128x128xf32>, vector<128x10xf32>, vector<128x10xf32> -> vector<128x10xf32>
    %slice3A_140 = vector.extract_strided_slice %get3A_10 {offsets = [768, 0], sizes = [128, 1], strides = [1, 1]} : vector<1024x6xi32> to vector<128x1xi32>
    %eq3A_141 = vector.broadcast %slice3A_140 : vector<128x1xi32> to vector<128x128xi32>
    %eq3A_142 = arith.cmpi eq, %eq3A_141, %iota3A_91 : vector<128x128xi32>
    %convert_element_type3A_143 = arith.extui %eq3A_142 : vector<128x128xi1> to vector<128x128xi32>
    %convert_element_type3A_144 = arith.sitofp %convert_element_type3A_143 : vector<128x128xi32> to vector<128x128xf32>
    %slice3A_145 = vector.extract_strided_slice %get3A_4 {offsets = [768, 0], sizes = [128, 10], strides = [1, 1]} : vector<1024x10xf32> to vector<128x10xf32>
    %dot_general3A_146 = arith.constant dense<0.000000e+00> : vector<128x10xf32>
    %dot_general3A_147 = tpu.matmul %convert_element_type3A_144, %slice3A_145, %dot_general3A_146 {dimension_numbers = #tpu.dot_dimension_numbers<[1], [0], [0], [1], [0, 0, 1, 1], [], []>, precision = #tpu.contract_precision<fp32>, transpose_lhs_hint = false} : vector<128x128xf32>, vector<128x10xf32>, vector<128x10xf32> -> vector<128x10xf32>
    %slice3A_148 = vector.extract_strided_slice %get3A_10 {offsets = [896, 0], sizes = [128, 1], strides = [1, 1]} : vector<1024x6xi32> to vector<128x1xi32>
    %eq3A_149 = vector.broadcast %slice3A_148 : vector<128x1xi32> to vector<128x128xi32>
    %eq3A_150 = arith.cmpi eq, %eq3A_149, %iota3A_91 : vector<128x128xi32>
    %convert_element_type3A_151 = arith.extui %eq3A_150 : vector<128x128xi1> to vector<128x128xi32>
    %convert_element_type3A_152 = arith.sitofp %convert_element_type3A_151 : vector<128x128xi32> to vector<128x128xf32>
    %slice3A_153 = vector.extract_strided_slice %get3A_4 {offsets = [896, 0], sizes = [128, 10], strides = [1, 1]} : vector<1024x10xf32> to vector<128x10xf32>
    %dot_general3A_154 = arith.constant dense<0.000000e+00> : vector<128x10xf32>
    %dot_general3A_155 = tpu.matmul %convert_element_type3A_152, %slice3A_153, %dot_general3A_154 {dimension_numbers = #tpu.dot_dimension_numbers<[1], [0], [0], [1], [0, 0, 1, 1], [], []>, precision = #tpu.contract_precision<fp32>, transpose_lhs_hint = false} : vector<128x128xf32>, vector<128x10xf32>, vector<128x10xf32> -> vector<128x10xf32>
    %concatenate3A_156 = tpu.concatenate %dot_general3A_99, %dot_general3A_107, %dot_general3A_115, %dot_general3A_123, %dot_general3A_131, %dot_general3A_139, %dot_general3A_147, %dot_general3A_155 in 0 : vector<128x10xf32>, vector<128x10xf32>, vector<128x10xf32>, vector<128x10xf32>, vector<128x10xf32>, vector<128x10xf32>, vector<128x10xf32>, vector<128x10xf32> -> vector<1024x10xf32>
    %dot_general3A_157 = arith.constant dense<0.000000e+00> : vector<1024x64xf32>
    %dot_general3A_158 = tpu.matmul %concatenate3A, %slice3A, %dot_general3A_157 {dimension_numbers = #tpu.dot_dimension_numbers<[1], [1], [0], [0], [0, 0, 1, 0], [], []>, precision = #tpu.contract_precision<fp32>, transpose_lhs_hint = false} : vector<1024x39xf32>, vector<64x39xf32>, vector<1024x64xf32> -> vector<1024x64xf32>
    %dot_general3A_159 = arith.constant dense<0.000000e+00> : vector<1024x64xf32>
    %dot_general3A_160 = tpu.matmul %concatenate3A_156, %slice3A_28, %dot_general3A_159 {dimension_numbers = #tpu.dot_dimension_numbers<[1], [1], [0], [0], [0, 0, 1, 0], [], []>, precision = #tpu.contract_precision<fp32>, transpose_lhs_hint = false} : vector<1024x10xf32>, vector<64x10xf32>, vector<1024x64xf32> -> vector<1024x64xf32>
    %add3A_161 = arith.addf %dot_general3A_158, %dot_general3A_160 : vector<1024x64xf32>
    %get3A_162 = arith.constant 0 : index
    %get3A_163 = arith.constant 0 : index
    %get3A_164 = vector.load %arg9[%get3A_162, %get3A_163] : memref<1x64xf32, #tpu.memory_space<vmem>>, vector<1x64xf32>
    %add3A_165 = vector.broadcast %get3A_164 : vector<1x64xf32> to vector<1024x64xf32>
    %add3A_166 = arith.addf %add3A_161, %add3A_165 : vector<1024x64xf32>
    %jit3A_167 = arith.constant 0.00999999977 : f32
    %ge3A_168 = arith.constant 0.000000e+00 : f32
    %ge3A_169 = vector.broadcast %ge3A_168 : f32 to vector<1024x64xf32>
    %ge3A_170 = arith.cmpf oge, %add3A_166, %ge3A_169 : vector<1024x64xf32>
    %mul3A_171 = vector.broadcast %jit3A_167 : f32 to vector<1024x64xf32>
    %mul3A_172 = arith.mulf %mul3A_171, %add3A_166 : vector<1024x64xf32>
    %select_n3A_173 = arith.select %ge3A_170, %add3A_166, %mul3A_172 : vector<1024x64xi1>, vector<1024x64xf32>
    %iota3A_174 = tpu.iota {dimensions = array<i32: 1>} : vector<128x128xi32>
    %slice3A_175 = vector.extract_strided_slice %get3A_7 {offsets = [0, 1], sizes = [128, 1], strides = [1, 1]} : vector<1024x6xi32> to vector<128x1xi32>
    %eq3A_176 = vector.broadcast %slice3A_175 : vector<128x1xi32> to vector<128x128xi32>
    %eq3A_177 = arith.cmpi eq, %eq3A_176, %iota3A_174 : vector<128x128xi32>
    %convert_element_type3A_178 = arith.extui %eq3A_177 : vector<128x128xi1> to vector<128x128xi32>
    %convert_element_type3A_179 = arith.sitofp %convert_element_type3A_178 : vector<128x128xi32> to vector<128x128xf32>
    %slice3A_180 = vector.extract_strided_slice %get3A_1 {offsets = [0, 0], sizes = [128, 39], strides = [1, 1]} : vector<1024x39xf32> to vector<128x39xf32>
    %dot_general3A_181 = arith.constant dense<0.000000e+00> : vector<128x39xf32>
    %dot_general3A_182 = tpu.matmul %convert_element_type3A_179, %slice3A_180, %dot_general3A_181 {dimension_numbers = #tpu.dot_dimension_numbers<[1], [0], [0], [1], [0, 0, 1, 1], [], []>, precision = #tpu.contract_precision<fp32>, transpose_lhs_hint = false} : vector<128x128xf32>, vector<128x39xf32>, vector<128x39xf32> -> vector<128x39xf32>
    %slice3A_183 = vector.extract_strided_slice %get3A_7 {offsets = [128, 1], sizes = [128, 1], strides = [1, 1]} : vector<1024x6xi32> to vector<128x1xi32>
    %eq3A_184 = vector.broadcast %slice3A_183 : vector<128x1xi32> to vector<128x128xi32>
    %eq3A_185 = arith.cmpi eq, %eq3A_184, %iota3A_174 : vector<128x128xi32>
    %convert_element_type3A_186 = arith.extui %eq3A_185 : vector<128x128xi1> to vector<128x128xi32>
    %convert_element_type3A_187 = arith.sitofp %convert_element_type3A_186 : vector<128x128xi32> to vector<128x128xf32>
    %slice3A_188 = vector.extract_strided_slice %get3A_1 {offsets = [128, 0], sizes = [128, 39], strides = [1, 1]} : vector<1024x39xf32> to vector<128x39xf32>
    %dot_general3A_189 = arith.constant dense<0.000000e+00> : vector<128x39xf32>
    %dot_general3A_190 = tpu.matmul %convert_element_type3A_187, %slice3A_188, %dot_general3A_189 {dimension_numbers = #tpu.dot_dimension_numbers<[1], [0], [0], [1], [0, 0, 1, 1], [], []>, precision = #tpu.contract_precision<fp32>, transpose_lhs_hint = false} : vector<128x128xf32>, vector<128x39xf32>, vector<128x39xf32> -> vector<128x39xf32>
    %slice3A_191 = vector.extract_strided_slice %get3A_7 {offsets = [256, 1], sizes = [128, 1], strides = [1, 1]} : vector<1024x6xi32> to vector<128x1xi32>
    %eq3A_192 = vector.broadcast %slice3A_191 : vector<128x1xi32> to vector<128x128xi32>
    %eq3A_193 = arith.cmpi eq, %eq3A_192, %iota3A_174 : vector<128x128xi32>
    %convert_element_type3A_194 = arith.extui %eq3A_193 : vector<128x128xi1> to vector<128x128xi32>
    %convert_element_type3A_195 = arith.sitofp %convert_element_type3A_194 : vector<128x128xi32> to vector<128x128xf32>
    %slice3A_196 = vector.extract_strided_slice %get3A_1 {offsets = [256, 0], sizes = [128, 39], strides = [1, 1]} : vector<1024x39xf32> to vector<128x39xf32>
    %dot_general3A_197 = arith.constant dense<0.000000e+00> : vector<128x39xf32>
    %dot_general3A_198 = tpu.matmul %convert_element_type3A_195, %slice3A_196, %dot_general3A_197 {dimension_numbers = #tpu.dot_dimension_numbers<[1], [0], [0], [1], [0, 0, 1, 1], [], []>, precision = #tpu.contract_precision<fp32>, transpose_lhs_hint = false} : vector<128x128xf32>, vector<128x39xf32>, vector<128x39xf32> -> vector<128x39xf32>
    %slice3A_199 = vector.extract_strided_slice %get3A_7 {offsets = [384, 1], sizes = [128, 1], strides = [1, 1]} : vector<1024x6xi32> to vector<128x1xi32>
    %eq3A_200 = vector.broadcast %slice3A_199 : vector<128x1xi32> to vector<128x128xi32>
    %eq3A_201 = arith.cmpi eq, %eq3A_200, %iota3A_174 : vector<128x128xi32>
    %convert_element_type3A_202 = arith.extui %eq3A_201 : vector<128x128xi1> to vector<128x128xi32>
    %convert_element_type3A_203 = arith.sitofp %convert_element_type3A_202 : vector<128x128xi32> to vector<128x128xf32>
    %slice3A_204 = vector.extract_strided_slice %get3A_1 {offsets = [384, 0], sizes = [128, 39], strides = [1, 1]} : vector<1024x39xf32> to vector<128x39xf32>
    %dot_general3A_205 = arith.constant dense<0.000000e+00> : vector<128x39xf32>
    %dot_general3A_206 = tpu.matmul %convert_element_type3A_203, %slice3A_204, %dot_general3A_205 {dimension_numbers = #tpu.dot_dimension_numbers<[1], [0], [0], [1], [0, 0, 1, 1], [], []>, precision = #tpu.contract_precision<fp32>, transpose_lhs_hint = false} : vector<128x128xf32>, vector<128x39xf32>, vector<128x39xf32> -> vector<128x39xf32>
    %slice3A_207 = vector.extract_strided_slice %get3A_7 {offsets = [512, 1], sizes = [128, 1], strides = [1, 1]} : vector<1024x6xi32> to vector<128x1xi32>
    %eq3A_208 = vector.broadcast %slice3A_207 : vector<128x1xi32> to vector<128x128xi32>
    %eq3A_209 = arith.cmpi eq, %eq3A_208, %iota3A_174 : vector<128x128xi32>
    %convert_element_type3A_210 = arith.extui %eq3A_209 : vector<128x128xi1> to vector<128x128xi32>
    %convert_element_type3A_211 = arith.sitofp %convert_element_type3A_210 : vector<128x128xi32> to vector<128x128xf32>
    %slice3A_212 = vector.extract_strided_slice %get3A_1 {offsets = [512, 0], sizes = [128, 39], strides = [1, 1]} : vector<1024x39xf32> to vector<128x39xf32>
    %dot_general3A_213 = arith.constant dense<0.000000e+00> : vector<128x39xf32>
    %dot_general3A_214 = tpu.matmul %convert_element_type3A_211, %slice3A_212, %dot_general3A_213 {dimension_numbers = #tpu.dot_dimension_numbers<[1], [0], [0], [1], [0, 0, 1, 1], [], []>, precision = #tpu.contract_precision<fp32>, transpose_lhs_hint = false} : vector<128x128xf32>, vector<128x39xf32>, vector<128x39xf32> -> vector<128x39xf32>
    %slice3A_215 = vector.extract_strided_slice %get3A_7 {offsets = [640, 1], sizes = [128, 1], strides = [1, 1]} : vector<1024x6xi32> to vector<128x1xi32>
    %eq3A_216 = vector.broadcast %slice3A_215 : vector<128x1xi32> to vector<128x128xi32>
    %eq3A_217 = arith.cmpi eq, %eq3A_216, %iota3A_174 : vector<128x128xi32>
    %convert_element_type3A_218 = arith.extui %eq3A_217 : vector<128x128xi1> to vector<128x128xi32>
    %convert_element_type3A_219 = arith.sitofp %convert_element_type3A_218 : vector<128x128xi32> to vector<128x128xf32>
    %slice3A_220 = vector.extract_strided_slice %get3A_1 {offsets = [640, 0], sizes = [128, 39], strides = [1, 1]} : vector<1024x39xf32> to vector<128x39xf32>
    %dot_general3A_221 = arith.constant dense<0.000000e+00> : vector<128x39xf32>
    %dot_general3A_222 = tpu.matmul %convert_element_type3A_219, %slice3A_220, %dot_general3A_221 {dimension_numbers = #tpu.dot_dimension_numbers<[1], [0], [0], [1], [0, 0, 1, 1], [], []>, precision = #tpu.contract_precision<fp32>, transpose_lhs_hint = false} : vector<128x128xf32>, vector<128x39xf32>, vector<128x39xf32> -> vector<128x39xf32>
    %slice3A_223 = vector.extract_strided_slice %get3A_7 {offsets = [768, 1], sizes = [128, 1], strides = [1, 1]} : vector<1024x6xi32> to vector<128x1xi32>
    %eq3A_224 = vector.broadcast %slice3A_223 : vector<128x1xi32> to vector<128x128xi32>
    %eq3A_225 = arith.cmpi eq, %eq3A_224, %iota3A_174 : vector<128x128xi32>
    %convert_element_type3A_226 = arith.extui %eq3A_225 : vector<128x128xi1> to vector<128x128xi32>
    %convert_element_type3A_227 = arith.sitofp %convert_element_type3A_226 : vector<128x128xi32> to vector<128x128xf32>
    %slice3A_228 = vector.extract_strided_slice %get3A_1 {offsets = [768, 0], sizes = [128, 39], strides = [1, 1]} : vector<1024x39xf32> to vector<128x39xf32>
    %dot_general3A_229 = arith.constant dense<0.000000e+00> : vector<128x39xf32>
    %dot_general3A_230 = tpu.matmul %convert_element_type3A_227, %slice3A_228, %dot_general3A_229 {dimension_numbers = #tpu.dot_dimension_numbers<[1], [0], [0], [1], [0, 0, 1, 1], [], []>, precision = #tpu.contract_precision<fp32>, transpose_lhs_hint = false} : vector<128x128xf32>, vector<128x39xf32>, vector<128x39xf32> -> vector<128x39xf32>
    %slice3A_231 = vector.extract_strided_slice %get3A_7 {offsets = [896, 1], sizes = [128, 1], strides = [1, 1]} : vector<1024x6xi32> to vector<128x1xi32>
    %eq3A_232 = vector.broadcast %slice3A_231 : vector<128x1xi32> to vector<128x128xi32>
    %eq3A_233 = arith.cmpi eq, %eq3A_232, %iota3A_174 : vector<128x128xi32>
    %convert_element_type3A_234 = arith.extui %eq3A_233 : vector<128x128xi1> to vector<128x128xi32>
    %convert_element_type3A_235 = arith.sitofp %convert_element_type3A_234 : vector<128x128xi32> to vector<128x128xf32>
    %slice3A_236 = vector.extract_strided_slice %get3A_1 {offsets = [896, 0], sizes = [128, 39], strides = [1, 1]} : vector<1024x39xf32> to vector<128x39xf32>
    %dot_general3A_237 = arith.constant dense<0.000000e+00> : vector<128x39xf32>
    %dot_general3A_238 = tpu.matmul %convert_element_type3A_235, %slice3A_236, %dot_general3A_237 {dimension_numbers = #tpu.dot_dimension_numbers<[1], [0], [0], [1], [0, 0, 1, 1], [], []>, precision = #tpu.contract_precision<fp32>, transpose_lhs_hint = false} : vector<128x128xf32>, vector<128x39xf32>, vector<128x39xf32> -> vector<128x39xf32>
    %concatenate3A_239 = tpu.concatenate %dot_general3A_182, %dot_general3A_190, %dot_general3A_198, %dot_general3A_206, %dot_general3A_214, %dot_general3A_222, %dot_general3A_230, %dot_general3A_238 in 0 : vector<128x39xf32>, vector<128x39xf32>, vector<128x39xf32>, vector<128x39xf32>, vector<128x39xf32>, vector<128x39xf32>, vector<128x39xf32>, vector<128x39xf32> -> vector<1024x39xf32>
    %iota3A_240 = tpu.iota {dimensions = array<i32: 1>} : vector<128x128xi32>
    %slice3A_241 = vector.extract_strided_slice %get3A_10 {offsets = [0, 1], sizes = [128, 1], strides = [1, 1]} : vector<1024x6xi32> to vector<128x1xi32>
    %eq3A_242 = vector.broadcast %slice3A_241 : vector<128x1xi32> to vector<128x128xi32>
    %eq3A_243 = arith.cmpi eq, %eq3A_242, %iota3A_240 : vector<128x128xi32>
    %convert_element_type3A_244 = arith.extui %eq3A_243 : vector<128x128xi1> to vector<128x128xi32>
    %convert_element_type3A_245 = arith.sitofp %convert_element_type3A_244 : vector<128x128xi32> to vector<128x128xf32>
    %slice3A_246 = vector.extract_strided_slice %get3A_4 {offsets = [0, 0], sizes = [128, 10], strides = [1, 1]} : vector<1024x10xf32> to vector<128x10xf32>
    %dot_general3A_247 = arith.constant dense<0.000000e+00> : vector<128x10xf32>
    %dot_general3A_248 = tpu.matmul %convert_element_type3A_245, %slice3A_246, %dot_general3A_247 {dimension_numbers = #tpu.dot_dimension_numbers<[1], [0], [0], [1], [0, 0, 1, 1], [], []>, precision = #tpu.contract_precision<fp32>, transpose_lhs_hint = false} : vector<128x128xf32>, vector<128x10xf32>, vector<128x10xf32> -> vector<128x10xf32>
    %slice3A_249 = vector.extract_strided_slice %get3A_10 {offsets = [128, 1], sizes = [128, 1], strides = [1, 1]} : vector<1024x6xi32> to vector<128x1xi32>
    %eq3A_250 = vector.broadcast %slice3A_249 : vector<128x1xi32> to vector<128x128xi32>
    %eq3A_251 = arith.cmpi eq, %eq3A_250, %iota3A_240 : vector<128x128xi32>
    %convert_element_type3A_252 = arith.extui %eq3A_251 : vector<128x128xi1> to vector<128x128xi32>
    %convert_element_type3A_253 = arith.sitofp %convert_element_type3A_252 : vector<128x128xi32> to vector<128x128xf32>
    %slice3A_254 = vector.extract_strided_slice %get3A_4 {offsets = [128, 0], sizes = [128, 10], strides = [1, 1]} : vector<1024x10xf32> to vector<128x10xf32>
    %dot_general3A_255 = arith.constant dense<0.000000e+00> : vector<128x10xf32>
    %dot_general3A_256 = tpu.matmul %convert_element_type3A_253, %slice3A_254, %dot_general3A_255 {dimension_numbers = #tpu.dot_dimension_numbers<[1], [0], [0], [1], [0, 0, 1, 1], [], []>, precision = #tpu.contract_precision<fp32>, transpose_lhs_hint = false} : vector<128x128xf32>, vector<128x10xf32>, vector<128x10xf32> -> vector<128x10xf32>
    %slice3A_257 = vector.extract_strided_slice %get3A_10 {offsets = [256, 1], sizes = [128, 1], strides = [1, 1]} : vector<1024x6xi32> to vector<128x1xi32>
    %eq3A_258 = vector.broadcast %slice3A_257 : vector<128x1xi32> to vector<128x128xi32>
    %eq3A_259 = arith.cmpi eq, %eq3A_258, %iota3A_240 : vector<128x128xi32>
    %convert_element_type3A_260 = arith.extui %eq3A_259 : vector<128x128xi1> to vector<128x128xi32>
    %convert_element_type3A_261 = arith.sitofp %convert_element_type3A_260 : vector<128x128xi32> to vector<128x128xf32>
    %slice3A_262 = vector.extract_strided_slice %get3A_4 {offsets = [256, 0], sizes = [128, 10], strides = [1, 1]} : vector<1024x10xf32> to vector<128x10xf32>
    %dot_general3A_263 = arith.constant dense<0.000000e+00> : vector<128x10xf32>
    %dot_general3A_264 = tpu.matmul %convert_element_type3A_261, %slice3A_262, %dot_general3A_263 {dimension_numbers = #tpu.dot_dimension_numbers<[1], [0], [0], [1], [0, 0, 1, 1], [], []>, precision = #tpu.contract_precision<fp32>, transpose_lhs_hint = false} : vector<128x128xf32>, vector<128x10xf32>, vector<128x10xf32> -> vector<128x10xf32>
    %slice3A_265 = vector.extract_strided_slice %get3A_10 {offsets = [384, 1], sizes = [128, 1], strides = [1, 1]} : vector<1024x6xi32> to vector<128x1xi32>
    %eq3A_266 = vector.broadcast %slice3A_265 : vector<128x1xi32> to vector<128x128xi32>
    %eq3A_267 = arith.cmpi eq, %eq3A_266, %iota3A_240 : vector<128x128xi32>
    %convert_element_type3A_268 = arith.extui %eq3A_267 : vector<128x128xi1> to vector<128x128xi32>
    %convert_element_type3A_269 = arith.sitofp %convert_element_type3A_268 : vector<128x128xi32> to vector<128x128xf32>
    %slice3A_270 = vector.extract_strided_slice %get3A_4 {offsets = [384, 0], sizes = [128, 10], strides = [1, 1]} : vector<1024x10xf32> to vector<128x10xf32>
    %dot_general3A_271 = arith.constant dense<0.000000e+00> : vector<128x10xf32>
    %dot_general3A_272 = tpu.matmul %convert_element_type3A_269, %slice3A_270, %dot_general3A_271 {dimension_numbers = #tpu.dot_dimension_numbers<[1], [0], [0], [1], [0, 0, 1, 1], [], []>, precision = #tpu.contract_precision<fp32>, transpose_lhs_hint = false} : vector<128x128xf32>, vector<128x10xf32>, vector<128x10xf32> -> vector<128x10xf32>
    %slice3A_273 = vector.extract_strided_slice %get3A_10 {offsets = [512, 1], sizes = [128, 1], strides = [1, 1]} : vector<1024x6xi32> to vector<128x1xi32>
    %eq3A_274 = vector.broadcast %slice3A_273 : vector<128x1xi32> to vector<128x128xi32>
    %eq3A_275 = arith.cmpi eq, %eq3A_274, %iota3A_240 : vector<128x128xi32>
    %convert_element_type3A_276 = arith.extui %eq3A_275 : vector<128x128xi1> to vector<128x128xi32>
    %convert_element_type3A_277 = arith.sitofp %convert_element_type3A_276 : vector<128x128xi32> to vector<128x128xf32>
    %slice3A_278 = vector.extract_strided_slice %get3A_4 {offsets = [512, 0], sizes = [128, 10], strides = [1, 1]} : vector<1024x10xf32> to vector<128x10xf32>
    %dot_general3A_279 = arith.constant dense<0.000000e+00> : vector<128x10xf32>
    %dot_general3A_280 = tpu.matmul %convert_element_type3A_277, %slice3A_278, %dot_general3A_279 {dimension_numbers = #tpu.dot_dimension_numbers<[1], [0], [0], [1], [0, 0, 1, 1], [], []>, precision = #tpu.contract_precision<fp32>, transpose_lhs_hint = false} : vector<128x128xf32>, vector<128x10xf32>, vector<128x10xf32> -> vector<128x10xf32>
    %slice3A_281 = vector.extract_strided_slice %get3A_10 {offsets = [640, 1], sizes = [128, 1], strides = [1, 1]} : vector<1024x6xi32> to vector<128x1xi32>
    %eq3A_282 = vector.broadcast %slice3A_281 : vector<128x1xi32> to vector<128x128xi32>
    %eq3A_283 = arith.cmpi eq, %eq3A_282, %iota3A_240 : vector<128x128xi32>
    %convert_element_type3A_284 = arith.extui %eq3A_283 : vector<128x128xi1> to vector<128x128xi32>
    %convert_element_type3A_285 = arith.sitofp %convert_element_type3A_284 : vector<128x128xi32> to vector<128x128xf32>
    %slice3A_286 = vector.extract_strided_slice %get3A_4 {offsets = [640, 0], sizes = [128, 10], strides = [1, 1]} : vector<1024x10xf32> to vector<128x10xf32>
    %dot_general3A_287 = arith.constant dense<0.000000e+00> : vector<128x10xf32>
    %dot_general3A_288 = tpu.matmul %convert_element_type3A_285, %slice3A_286, %dot_general3A_287 {dimension_numbers = #tpu.dot_dimension_numbers<[1], [0], [0], [1], [0, 0, 1, 1], [], []>, precision = #tpu.contract_precision<fp32>, transpose_lhs_hint = false} : vector<128x128xf32>, vector<128x10xf32>, vector<128x10xf32> -> vector<128x10xf32>
    %slice3A_289 = vector.extract_strided_slice %get3A_10 {offsets = [768, 1], sizes = [128, 1], strides = [1, 1]} : vector<1024x6xi32> to vector<128x1xi32>
    %eq3A_290 = vector.broadcast %slice3A_289 : vector<128x1xi32> to vector<128x128xi32>
    %eq3A_291 = arith.cmpi eq, %eq3A_290, %iota3A_240 : vector<128x128xi32>
    %convert_element_type3A_292 = arith.extui %eq3A_291 : vector<128x128xi1> to vector<128x128xi32>
    %convert_element_type3A_293 = arith.sitofp %convert_element_type3A_292 : vector<128x128xi32> to vector<128x128xf32>
    %slice3A_294 = vector.extract_strided_slice %get3A_4 {offsets = [768, 0], sizes = [128, 10], strides = [1, 1]} : vector<1024x10xf32> to vector<128x10xf32>
    %dot_general3A_295 = arith.constant dense<0.000000e+00> : vector<128x10xf32>
    %dot_general3A_296 = tpu.matmul %convert_element_type3A_293, %slice3A_294, %dot_general3A_295 {dimension_numbers = #tpu.dot_dimension_numbers<[1], [0], [0], [1], [0, 0, 1, 1], [], []>, precision = #tpu.contract_precision<fp32>, transpose_lhs_hint = false} : vector<128x128xf32>, vector<128x10xf32>, vector<128x10xf32> -> vector<128x10xf32>
    %slice3A_297 = vector.extract_strided_slice %get3A_10 {offsets = [896, 1], sizes = [128, 1], strides = [1, 1]} : vector<1024x6xi32> to vector<128x1xi32>
    %eq3A_298 = vector.broadcast %slice3A_297 : vector<128x1xi32> to vector<128x128xi32>
    %eq3A_299 = arith.cmpi eq, %eq3A_298, %iota3A_240 : vector<128x128xi32>
    %convert_element_type3A_300 = arith.extui %eq3A_299 : vector<128x128xi1> to vector<128x128xi32>
    %convert_element_type3A_301 = arith.sitofp %convert_element_type3A_300 : vector<128x128xi32> to vector<128x128xf32>
    %slice3A_302 = vector.extract_strided_slice %get3A_4 {offsets = [896, 0], sizes = [128, 10], strides = [1, 1]} : vector<1024x10xf32> to vector<128x10xf32>
    %dot_general3A_303 = arith.constant dense<0.000000e+00> : vector<128x10xf32>
    %dot_general3A_304 = tpu.matmul %convert_element_type3A_301, %slice3A_302, %dot_general3A_303 {dimension_numbers = #tpu.dot_dimension_numbers<[1], [0], [0], [1], [0, 0, 1, 1], [], []>, precision = #tpu.contract_precision<fp32>, transpose_lhs_hint = false} : vector<128x128xf32>, vector<128x10xf32>, vector<128x10xf32> -> vector<128x10xf32>
    %concatenate3A_305 = tpu.concatenate %dot_general3A_248, %dot_general3A_256, %dot_general3A_264, %dot_general3A_272, %dot_general3A_280, %dot_general3A_288, %dot_general3A_296, %dot_general3A_304 in 0 : vector<128x10xf32>, vector<128x10xf32>, vector<128x10xf32>, vector<128x10xf32>, vector<128x10xf32>, vector<128x10xf32>, vector<128x10xf32>, vector<128x10xf32> -> vector<1024x10xf32>
    %dot_general3A_306 = arith.constant dense<0.000000e+00> : vector<1024x64xf32>
    %dot_general3A_307 = tpu.matmul %concatenate3A_239, %slice3A, %dot_general3A_306 {dimension_numbers = #tpu.dot_dimension_numbers<[1], [1], [0], [0], [0, 0, 1, 0], [], []>, precision = #tpu.contract_precision<fp32>, transpose_lhs_hint = false} : vector<1024x39xf32>, vector<64x39xf32>, vector<1024x64xf32> -> vector<1024x64xf32>
    %dot_general3A_308 = arith.constant dense<0.000000e+00> : vector<1024x64xf32>
    %dot_general3A_309 = tpu.matmul %concatenate3A_305, %slice3A_28, %dot_general3A_308 {dimension_numbers = #tpu.dot_dimension_numbers<[1], [1], [0], [0], [0, 0, 1, 0], [], []>, precision = #tpu.contract_precision<fp32>, transpose_lhs_hint = false} : vector<1024x10xf32>, vector<64x10xf32>, vector<1024x64xf32> -> vector<1024x64xf32>
    %add3A_310 = arith.addf %dot_general3A_307, %dot_general3A_309 : vector<1024x64xf32>
    %get3A_311 = arith.constant 0 : index
    %get3A_312 = arith.constant 0 : index
    %get3A_313 = vector.load %arg9[%get3A_311, %get3A_312] : memref<1x64xf32, #tpu.memory_space<vmem>>, vector<1x64xf32>
    %add3A_314 = vector.broadcast %get3A_313 : vector<1x64xf32> to vector<1024x64xf32>
    %add3A_315 = arith.addf %add3A_310, %add3A_314 : vector<1024x64xf32>
    %jit3A_316 = arith.constant 0.00999999977 : f32
    %ge3A_317 = arith.constant 0.000000e+00 : f32
    %ge3A_318 = vector.broadcast %ge3A_317 : f32 to vector<1024x64xf32>
    %ge3A_319 = arith.cmpf oge, %add3A_315, %ge3A_318 : vector<1024x64xf32>
    %mul3A_320 = vector.broadcast %jit3A_316 : f32 to vector<1024x64xf32>
    %mul3A_321 = arith.mulf %mul3A_320, %add3A_315 : vector<1024x64xf32>
    %select_n3A_322 = arith.select %ge3A_319, %add3A_315, %mul3A_321 : vector<1024x64xi1>, vector<1024x64xf32>
    %iota3A_323 = tpu.iota {dimensions = array<i32: 1>} : vector<128x128xi32>
    %slice3A_324 = vector.extract_strided_slice %get3A_7 {offsets = [0, 2], sizes = [128, 1], strides = [1, 1]} : vector<1024x6xi32> to vector<128x1xi32>
    %eq3A_325 = vector.broadcast %slice3A_324 : vector<128x1xi32> to vector<128x128xi32>
    %eq3A_326 = arith.cmpi eq, %eq3A_325, %iota3A_323 : vector<128x128xi32>
    %convert_element_type3A_327 = arith.extui %eq3A_326 : vector<128x128xi1> to vector<128x128xi32>
    %convert_element_type3A_328 = arith.sitofp %convert_element_type3A_327 : vector<128x128xi32> to vector<128x128xf32>
    %slice3A_329 = vector.extract_strided_slice %get3A_1 {offsets = [0, 0], sizes = [128, 39], strides = [1, 1]} : vector<1024x39xf32> to vector<128x39xf32>
    %dot_general3A_330 = arith.constant dense<0.000000e+00> : vector<128x39xf32>
    %dot_general3A_331 = tpu.matmul %convert_element_type3A_328, %slice3A_329, %dot_general3A_330 {dimension_numbers = #tpu.dot_dimension_numbers<[1], [0], [0], [1], [0, 0, 1, 1], [], []>, precision = #tpu.contract_precision<fp32>, transpose_lhs_hint = false} : vector<128x128xf32>, vector<128x39xf32>, vector<128x39xf32> -> vector<128x39xf32>
    %slice3A_332 = vector.extract_strided_slice %get3A_7 {offsets = [128, 2], sizes = [128, 1], strides = [1, 1]} : vector<1024x6xi32> to vector<128x1xi32>
    %eq3A_333 = vector.broadcast %slice3A_332 : vector<128x1xi32> to vector<128x128xi32>
    %eq3A_334 = arith.cmpi eq, %eq3A_333, %iota3A_323 : vector<128x128xi32>
    %convert_element_type3A_335 = arith.extui %eq3A_334 : vector<128x128xi1> to vector<128x128xi32>
    %convert_element_type3A_336 = arith.sitofp %convert_element_type3A_335 : vector<128x128xi32> to vector<128x128xf32>
    %slice3A_337 = vector.extract_strided_slice %get3A_1 {offsets = [128, 0], sizes = [128, 39], strides = [1, 1]} : vector<1024x39xf32> to vector<128x39xf32>
    %dot_general3A_338 = arith.constant dense<0.000000e+00> : vector<128x39xf32>
    %dot_general3A_339 = tpu.matmul %convert_element_type3A_336, %slice3A_337, %dot_general3A_338 {dimension_numbers = #tpu.dot_dimension_numbers<[1], [0], [0], [1], [0, 0, 1, 1], [], []>, precision = #tpu.contract_precision<fp32>, transpose_lhs_hint = false} : vector<128x128xf32>, vector<128x39xf32>, vector<128x39xf32> -> vector<128x39xf32>
    %slice3A_340 = vector.extract_strided_slice %get3A_7 {offsets = [256, 2], sizes = [128, 1], strides = [1, 1]} : vector<1024x6xi32> to vector<128x1xi32>
    %eq3A_341 = vector.broadcast %slice3A_340 : vector<128x1xi32> to vector<128x128xi32>
    %eq3A_342 = arith.cmpi eq, %eq3A_341, %iota3A_323 : vector<128x128xi32>
    %convert_element_type3A_343 = arith.extui %eq3A_342 : vector<128x128xi1> to vector<128x128xi32>
    %convert_element_type3A_344 = arith.sitofp %convert_element_type3A_343 : vector<128x128xi32> to vector<128x128xf32>
    %slice3A_345 = vector.extract_strided_slice %get3A_1 {offsets = [256, 0], sizes = [128, 39], strides = [1, 1]} : vector<1024x39xf32> to vector<128x39xf32>
    %dot_general3A_346 = arith.constant dense<0.000000e+00> : vector<128x39xf32>
    %dot_general3A_347 = tpu.matmul %convert_element_type3A_344, %slice3A_345, %dot_general3A_346 {dimension_numbers = #tpu.dot_dimension_numbers<[1], [0], [0], [1], [0, 0, 1, 1], [], []>, precision = #tpu.contract_precision<fp32>, transpose_lhs_hint = false} : vector<128x128xf32>, vector<128x39xf32>, vector<128x39xf32> -> vector<128x39xf32>
    %slice3A_348 = vector.extract_strided_slice %get3A_7 {offsets = [384, 2], sizes = [128, 1], strides = [1, 1]} : vector<1024x6xi32> to vector<128x1xi32>
    %eq3A_349 = vector.broadcast %slice3A_348 : vector<128x1xi32> to vector<128x128xi32>
    %eq3A_350 = arith.cmpi eq, %eq3A_349, %iota3A_323 : vector<128x128xi32>
    %convert_element_type3A_351 = arith.extui %eq3A_350 : vector<128x128xi1> to vector<128x128xi32>
    %convert_element_type3A_352 = arith.sitofp %convert_element_type3A_351 : vector<128x128xi32> to vector<128x128xf32>
    %slice3A_353 = vector.extract_strided_slice %get3A_1 {offsets = [384, 0], sizes = [128, 39], strides = [1, 1]} : vector<1024x39xf32> to vector<128x39xf32>
    %dot_general3A_354 = arith.constant dense<0.000000e+00> : vector<128x39xf32>
    %dot_general3A_355 = tpu.matmul %convert_element_type3A_352, %slice3A_353, %dot_general3A_354 {dimension_numbers = #tpu.dot_dimension_numbers<[1], [0], [0], [1], [0, 0, 1, 1], [], []>, precision = #tpu.contract_precision<fp32>, transpose_lhs_hint = false} : vector<128x128xf32>, vector<128x39xf32>, vector<128x39xf32> -> vector<128x39xf32>
    %slice3A_356 = vector.extract_strided_slice %get3A_7 {offsets = [512, 2], sizes = [128, 1], strides = [1, 1]} : vector<1024x6xi32> to vector<128x1xi32>
    %eq3A_357 = vector.broadcast %slice3A_356 : vector<128x1xi32> to vector<128x128xi32>
    %eq3A_358 = arith.cmpi eq, %eq3A_357, %iota3A_323 : vector<128x128xi32>
    %convert_element_type3A_359 = arith.extui %eq3A_358 : vector<128x128xi1> to vector<128x128xi32>
    %convert_element_type3A_360 = arith.sitofp %convert_element_type3A_359 : vector<128x128xi32> to vector<128x128xf32>
    %slice3A_361 = vector.extract_strided_slice %get3A_1 {offsets = [512, 0], sizes = [128, 39], strides = [1, 1]} : vector<1024x39xf32> to vector<128x39xf32>
    %dot_general3A_362 = arith.constant dense<0.000000e+00> : vector<128x39xf32>
    %dot_general3A_363 = tpu.matmul %convert_element_type3A_360, %slice3A_361, %dot_general3A_362 {dimension_numbers = #tpu.dot_dimension_numbers<[1], [0], [0], [1], [0, 0, 1, 1], [], []>, precision = #tpu.contract_precision<fp32>, transpose_lhs_hint = false} : vector<128x128xf32>, vector<128x39xf32>, vector<128x39xf32> -> vector<128x39xf32>
    %slice3A_364 = vector.extract_strided_slice %get3A_7 {offsets = [640, 2], sizes = [128, 1], strides = [1, 1]} : vector<1024x6xi32> to vector<128x1xi32>
    %eq3A_365 = vector.broadcast %slice3A_364 : vector<128x1xi32> to vector<128x128xi32>
    %eq3A_366 = arith.cmpi eq, %eq3A_365, %iota3A_323 : vector<128x128xi32>
    %convert_element_type3A_367 = arith.extui %eq3A_366 : vector<128x128xi1> to vector<128x128xi32>
    %convert_element_type3A_368 = arith.sitofp %convert_element_type3A_367 : vector<128x128xi32> to vector<128x128xf32>
    %slice3A_369 = vector.extract_strided_slice %get3A_1 {offsets = [640, 0], sizes = [128, 39], strides = [1, 1]} : vector<1024x39xf32> to vector<128x39xf32>
    %dot_general3A_370 = arith.constant dense<0.000000e+00> : vector<128x39xf32>
    %dot_general3A_371 = tpu.matmul %convert_element_type3A_368, %slice3A_369, %dot_general3A_370 {dimension_numbers = #tpu.dot_dimension_numbers<[1], [0], [0], [1], [0, 0, 1, 1], [], []>, precision = #tpu.contract_precision<fp32>, transpose_lhs_hint = false} : vector<128x128xf32>, vector<128x39xf32>, vector<128x39xf32> -> vector<128x39xf32>
    %slice3A_372 = vector.extract_strided_slice %get3A_7 {offsets = [768, 2], sizes = [128, 1], strides = [1, 1]} : vector<1024x6xi32> to vector<128x1xi32>
    %eq3A_373 = vector.broadcast %slice3A_372 : vector<128x1xi32> to vector<128x128xi32>
    %eq3A_374 = arith.cmpi eq, %eq3A_373, %iota3A_323 : vector<128x128xi32>
    %convert_element_type3A_375 = arith.extui %eq3A_374 : vector<128x128xi1> to vector<128x128xi32>
    %convert_element_type3A_376 = arith.sitofp %convert_element_type3A_375 : vector<128x128xi32> to vector<128x128xf32>
    %slice3A_377 = vector.extract_strided_slice %get3A_1 {offsets = [768, 0], sizes = [128, 39], strides = [1, 1]} : vector<1024x39xf32> to vector<128x39xf32>
    %dot_general3A_378 = arith.constant dense<0.000000e+00> : vector<128x39xf32>
    %dot_general3A_379 = tpu.matmul %convert_element_type3A_376, %slice3A_377, %dot_general3A_378 {dimension_numbers = #tpu.dot_dimension_numbers<[1], [0], [0], [1], [0, 0, 1, 1], [], []>, precision = #tpu.contract_precision<fp32>, transpose_lhs_hint = false} : vector<128x128xf32>, vector<128x39xf32>, vector<128x39xf32> -> vector<128x39xf32>
    %slice3A_380 = vector.extract_strided_slice %get3A_7 {offsets = [896, 2], sizes = [128, 1], strides = [1, 1]} : vector<1024x6xi32> to vector<128x1xi32>
    %eq3A_381 = vector.broadcast %slice3A_380 : vector<128x1xi32> to vector<128x128xi32>
    %eq3A_382 = arith.cmpi eq, %eq3A_381, %iota3A_323 : vector<128x128xi32>
    %convert_element_type3A_383 = arith.extui %eq3A_382 : vector<128x128xi1> to vector<128x128xi32>
    %convert_element_type3A_384 = arith.sitofp %convert_element_type3A_383 : vector<128x128xi32> to vector<128x128xf32>
    %slice3A_385 = vector.extract_strided_slice %get3A_1 {offsets = [896, 0], sizes = [128, 39], strides = [1, 1]} : vector<1024x39xf32> to vector<128x39xf32>
    %dot_general3A_386 = arith.constant dense<0.000000e+00> : vector<128x39xf32>
    %dot_general3A_387 = tpu.matmul %convert_element_type3A_384, %slice3A_385, %dot_general3A_386 {dimension_numbers = #tpu.dot_dimension_numbers<[1], [0], [0], [1], [0, 0, 1, 1], [], []>, precision = #tpu.contract_precision<fp32>, transpose_lhs_hint = false} : vector<128x128xf32>, vector<128x39xf32>, vector<128x39xf32> -> vector<128x39xf32>
    %concatenate3A_388 = tpu.concatenate %dot_general3A_331, %dot_general3A_339, %dot_general3A_347, %dot_general3A_355, %dot_general3A_363, %dot_general3A_371, %dot_general3A_379, %dot_general3A_387 in 0 : vector<128x39xf32>, vector<128x39xf32>, vector<128x39xf32>, vector<128x39xf32>, vector<128x39xf32>, vector<128x39xf32>, vector<128x39xf32>, vector<128x39xf32> -> vector<1024x39xf32>
    %iota3A_389 = tpu.iota {dimensions = array<i32: 1>} : vector<128x128xi32>
    %slice3A_390 = vector.extract_strided_slice %get3A_10 {offsets = [0, 2], sizes = [128, 1], strides = [1, 1]} : vector<1024x6xi32> to vector<128x1xi32>
    %eq3A_391 = vector.broadcast %slice3A_390 : vector<128x1xi32> to vector<128x128xi32>
    %eq3A_392 = arith.cmpi eq, %eq3A_391, %iota3A_389 : vector<128x128xi32>
    %convert_element_type3A_393 = arith.extui %eq3A_392 : vector<128x128xi1> to vector<128x128xi32>
    %convert_element_type3A_394 = arith.sitofp %convert_element_type3A_393 : vector<128x128xi32> to vector<128x128xf32>
    %slice3A_395 = vector.extract_strided_slice %get3A_4 {offsets = [0, 0], sizes = [128, 10], strides = [1, 1]} : vector<1024x10xf32> to vector<128x10xf32>
    %dot_general3A_396 = arith.constant dense<0.000000e+00> : vector<128x10xf32>
    %dot_general3A_397 = tpu.matmul %convert_element_type3A_394, %slice3A_395, %dot_general3A_396 {dimension_numbers = #tpu.dot_dimension_numbers<[1], [0], [0], [1], [0, 0, 1, 1], [], []>, precision = #tpu.contract_precision<fp32>, transpose_lhs_hint = false} : vector<128x128xf32>, vector<128x10xf32>, vector<128x10xf32> -> vector<128x10xf32>
    %slice3A_398 = vector.extract_strided_slice %get3A_10 {offsets = [128, 2], sizes = [128, 1], strides = [1, 1]} : vector<1024x6xi32> to vector<128x1xi32>
    %eq3A_399 = vector.broadcast %slice3A_398 : vector<128x1xi32> to vector<128x128xi32>
    %eq3A_400 = arith.cmpi eq, %eq3A_399, %iota3A_389 : vector<128x128xi32>
    %convert_element_type3A_401 = arith.extui %eq3A_400 : vector<128x128xi1> to vector<128x128xi32>
    %convert_element_type3A_402 = arith.sitofp %convert_element_type3A_401 : vector<128x128xi32> to vector<128x128xf32>
    %slice3A_403 = vector.extract_strided_slice %get3A_4 {offsets = [128, 0], sizes = [128, 10], strides = [1, 1]} : vector<1024x10xf32> to vector<128x10xf32>
    %dot_general3A_404 = arith.constant dense<0.000000e+00> : vector<128x10xf32>
    %dot_general3A_405 = tpu.matmul %convert_element_type3A_402, %slice3A_403, %dot_general3A_404 {dimension_numbers = #tpu.dot_dimension_numbers<[1], [0], [0], [1], [0, 0, 1, 1], [], []>, precision = #tpu.contract_precision<fp32>, transpose_lhs_hint = false} : vector<128x128xf32>, vector<128x10xf32>, vector<128x10xf32> -> vector<128x10xf32>
    %slice3A_406 = vector.extract_strided_slice %get3A_10 {offsets = [256, 2], sizes = [128, 1], strides = [1, 1]} : vector<1024x6xi32> to vector<128x1xi32>
    %eq3A_407 = vector.broadcast %slice3A_406 : vector<128x1xi32> to vector<128x128xi32>
    %eq3A_408 = arith.cmpi eq, %eq3A_407, %iota3A_389 : vector<128x128xi32>
    %convert_element_type3A_409 = arith.extui %eq3A_408 : vector<128x128xi1> to vector<128x128xi32>
    %convert_element_type3A_410 = arith.sitofp %convert_element_type3A_409 : vector<128x128xi32> to vector<128x128xf32>
    %slice3A_411 = vector.extract_strided_slice %get3A_4 {offsets = [256, 0], sizes = [128, 10], strides = [1, 1]} : vector<1024x10xf32> to vector<128x10xf32>
    %dot_general3A_412 = arith.constant dense<0.000000e+00> : vector<128x10xf32>
    %dot_general3A_413 = tpu.matmul %convert_element_type3A_410, %slice3A_411, %dot_general3A_412 {dimension_numbers = #tpu.dot_dimension_numbers<[1], [0], [0], [1], [0, 0, 1, 1], [], []>, precision = #tpu.contract_precision<fp32>, transpose_lhs_hint = false} : vector<128x128xf32>, vector<128x10xf32>, vector<128x10xf32> -> vector<128x10xf32>
    %slice3A_414 = vector.extract_strided_slice %get3A_10 {offsets = [384, 2], sizes = [128, 1], strides = [1, 1]} : vector<1024x6xi32> to vector<128x1xi32>
    %eq3A_415 = vector.broadcast %slice3A_414 : vector<128x1xi32> to vector<128x128xi32>
    %eq3A_416 = arith.cmpi eq, %eq3A_415, %iota3A_389 : vector<128x128xi32>
    %convert_element_type3A_417 = arith.extui %eq3A_416 : vector<128x128xi1> to vector<128x128xi32>
    %convert_element_type3A_418 = arith.sitofp %convert_element_type3A_417 : vector<128x128xi32> to vector<128x128xf32>
    %slice3A_419 = vector.extract_strided_slice %get3A_4 {offsets = [384, 0], sizes = [128, 10], strides = [1, 1]} : vector<1024x10xf32> to vector<128x10xf32>
    %dot_general3A_420 = arith.constant dense<0.000000e+00> : vector<128x10xf32>
    %dot_general3A_421 = tpu.matmul %convert_element_type3A_418, %slice3A_419, %dot_general3A_420 {dimension_numbers = #tpu.dot_dimension_numbers<[1], [0], [0], [1], [0, 0, 1, 1], [], []>, precision = #tpu.contract_precision<fp32>, transpose_lhs_hint = false} : vector<128x128xf32>, vector<128x10xf32>, vector<128x10xf32> -> vector<128x10xf32>
    %slice3A_422 = vector.extract_strided_slice %get3A_10 {offsets = [512, 2], sizes = [128, 1], strides = [1, 1]} : vector<1024x6xi32> to vector<128x1xi32>
    %eq3A_423 = vector.broadcast %slice3A_422 : vector<128x1xi32> to vector<128x128xi32>
    %eq3A_424 = arith.cmpi eq, %eq3A_423, %iota3A_389 : vector<128x128xi32>
    %convert_element_type3A_425 = arith.extui %eq3A_424 : vector<128x128xi1> to vector<128x128xi32>
    %convert_element_type3A_426 = arith.sitofp %convert_element_type3A_425 : vector<128x128xi32> to vector<128x128xf32>
    %slice3A_427 = vector.extract_strided_slice %get3A_4 {offsets = [512, 0], sizes = [128, 10], strides = [1, 1]} : vector<1024x10xf32> to vector<128x10xf32>
    %dot_general3A_428 = arith.constant dense<0.000000e+00> : vector<128x10xf32>
    %dot_general3A_429 = tpu.matmul %convert_element_type3A_426, %slice3A_427, %dot_general3A_428 {dimension_numbers = #tpu.dot_dimension_numbers<[1], [0], [0], [1], [0, 0, 1, 1], [], []>, precision = #tpu.contract_precision<fp32>, transpose_lhs_hint = false} : vector<128x128xf32>, vector<128x10xf32>, vector<128x10xf32> -> vector<128x10xf32>
    %slice3A_430 = vector.extract_strided_slice %get3A_10 {offsets = [640, 2], sizes = [128, 1], strides = [1, 1]} : vector<1024x6xi32> to vector<128x1xi32>
    %eq3A_431 = vector.broadcast %slice3A_430 : vector<128x1xi32> to vector<128x128xi32>
    %eq3A_432 = arith.cmpi eq, %eq3A_431, %iota3A_389 : vector<128x128xi32>
    %convert_element_type3A_433 = arith.extui %eq3A_432 : vector<128x128xi1> to vector<128x128xi32>
    %convert_element_type3A_434 = arith.sitofp %convert_element_type3A_433 : vector<128x128xi32> to vector<128x128xf32>
    %slice3A_435 = vector.extract_strided_slice %get3A_4 {offsets = [640, 0], sizes = [128, 10], strides = [1, 1]} : vector<1024x10xf32> to vector<128x10xf32>
    %dot_general3A_436 = arith.constant dense<0.000000e+00> : vector<128x10xf32>
    %dot_general3A_437 = tpu.matmul %convert_element_type3A_434, %slice3A_435, %dot_general3A_436 {dimension_numbers = #tpu.dot_dimension_numbers<[1], [0], [0], [1], [0, 0, 1, 1], [], []>, precision = #tpu.contract_precision<fp32>, transpose_lhs_hint = false} : vector<128x128xf32>, vector<128x10xf32>, vector<128x10xf32> -> vector<128x10xf32>
    %slice3A_438 = vector.extract_strided_slice %get3A_10 {offsets = [768, 2], sizes = [128, 1], strides = [1, 1]} : vector<1024x6xi32> to vector<128x1xi32>
    %eq3A_439 = vector.broadcast %slice3A_438 : vector<128x1xi32> to vector<128x128xi32>
    %eq3A_440 = arith.cmpi eq, %eq3A_439, %iota3A_389 : vector<128x128xi32>
    %convert_element_type3A_441 = arith.extui %eq3A_440 : vector<128x128xi1> to vector<128x128xi32>
    %convert_element_type3A_442 = arith.sitofp %convert_element_type3A_441 : vector<128x128xi32> to vector<128x128xf32>
    %slice3A_443 = vector.extract_strided_slice %get3A_4 {offsets = [768, 0], sizes = [128, 10], strides = [1, 1]} : vector<1024x10xf32> to vector<128x10xf32>
    %dot_general3A_444 = arith.constant dense<0.000000e+00> : vector<128x10xf32>
    %dot_general3A_445 = tpu.matmul %convert_element_type3A_442, %slice3A_443, %dot_general3A_444 {dimension_numbers = #tpu.dot_dimension_numbers<[1], [0], [0], [1], [0, 0, 1, 1], [], []>, precision = #tpu.contract_precision<fp32>, transpose_lhs_hint = false} : vector<128x128xf32>, vector<128x10xf32>, vector<128x10xf32> -> vector<128x10xf32>
    %slice3A_446 = vector.extract_strided_slice %get3A_10 {offsets = [896, 2], sizes = [128, 1], strides = [1, 1]} : vector<1024x6xi32> to vector<128x1xi32>
    %eq3A_447 = vector.broadcast %slice3A_446 : vector<128x1xi32> to vector<128x128xi32>
    %eq3A_448 = arith.cmpi eq, %eq3A_447, %iota3A_389 : vector<128x128xi32>
    %convert_element_type3A_449 = arith.extui %eq3A_448 : vector<128x128xi1> to vector<128x128xi32>
    %convert_element_type3A_450 = arith.sitofp %convert_element_type3A_449 : vector<128x128xi32> to vector<128x128xf32>
    %slice3A_451 = vector.extract_strided_slice %get3A_4 {offsets = [896, 0], sizes = [128, 10], strides = [1, 1]} : vector<1024x10xf32> to vector<128x10xf32>
    %dot_general3A_452 = arith.constant dense<0.000000e+00> : vector<128x10xf32>
    %dot_general3A_453 = tpu.matmul %convert_element_type3A_450, %slice3A_451, %dot_general3A_452 {dimension_numbers = #tpu.dot_dimension_numbers<[1], [0], [0], [1], [0, 0, 1, 1], [], []>, precision = #tpu.contract_precision<fp32>, transpose_lhs_hint = false} : vector<128x128xf32>, vector<128x10xf32>, vector<128x10xf32> -> vector<128x10xf32>
    %concatenate3A_454 = tpu.concatenate %dot_general3A_397, %dot_general3A_405, %dot_general3A_413, %dot_general3A_421, %dot_general3A_429, %dot_general3A_437, %dot_general3A_445, %dot_general3A_453 in 0 : vector<128x10xf32>, vector<128x10xf32>, vector<128x10xf32>, vector<128x10xf32>, vector<128x10xf32>, vector<128x10xf32>, vector<128x10xf32>, vector<128x10xf32> -> vector<1024x10xf32>
    %dot_general3A_455 = arith.constant dense<0.000000e+00> : vector<1024x64xf32>
    %dot_general3A_456 = tpu.matmul %concatenate3A_388, %slice3A, %dot_general3A_455 {dimension_numbers = #tpu.dot_dimension_numbers<[1], [1], [0], [0], [0, 0, 1, 0], [], []>, precision = #tpu.contract_precision<fp32>, transpose_lhs_hint = false} : vector<1024x39xf32>, vector<64x39xf32>, vector<1024x64xf32> -> vector<1024x64xf32>
    %dot_general3A_457 = arith.constant dense<0.000000e+00> : vector<1024x64xf32>
    %dot_general3A_458 = tpu.matmul %concatenate3A_454, %slice3A_28, %dot_general3A_457 {dimension_numbers = #tpu.dot_dimension_numbers<[1], [1], [0], [0], [0, 0, 1, 0], [], []>, precision = #tpu.contract_precision<fp32>, transpose_lhs_hint = false} : vector<1024x10xf32>, vector<64x10xf32>, vector<1024x64xf32> -> vector<1024x64xf32>
    %add3A_459 = arith.addf %dot_general3A_456, %dot_general3A_458 : vector<1024x64xf32>
    %get3A_460 = arith.constant 0 : index
    %get3A_461 = arith.constant 0 : index
    %get3A_462 = vector.load %arg9[%get3A_460, %get3A_461] : memref<1x64xf32, #tpu.memory_space<vmem>>, vector<1x64xf32>
    %add3A_463 = vector.broadcast %get3A_462 : vector<1x64xf32> to vector<1024x64xf32>
    %add3A_464 = arith.addf %add3A_459, %add3A_463 : vector<1024x64xf32>
    %jit3A_465 = arith.constant 0.00999999977 : f32
    %ge3A_466 = arith.constant 0.000000e+00 : f32
    %ge3A_467 = vector.broadcast %ge3A_466 : f32 to vector<1024x64xf32>
    %ge3A_468 = arith.cmpf oge, %add3A_464, %ge3A_467 : vector<1024x64xf32>
    %mul3A_469 = vector.broadcast %jit3A_465 : f32 to vector<1024x64xf32>
    %mul3A_470 = arith.mulf %mul3A_469, %add3A_464 : vector<1024x64xf32>
    %select_n3A_471 = arith.select %ge3A_468, %add3A_464, %mul3A_470 : vector<1024x64xi1>, vector<1024x64xf32>
    %iota3A_472 = tpu.iota {dimensions = array<i32: 1>} : vector<128x128xi32>
    %slice3A_473 = vector.extract_strided_slice %get3A_7 {offsets = [0, 3], sizes = [128, 1], strides = [1, 1]} : vector<1024x6xi32> to vector<128x1xi32>
    %eq3A_474 = vector.broadcast %slice3A_473 : vector<128x1xi32> to vector<128x128xi32>
    %eq3A_475 = arith.cmpi eq, %eq3A_474, %iota3A_472 : vector<128x128xi32>
    %convert_element_type3A_476 = arith.extui %eq3A_475 : vector<128x128xi1> to vector<128x128xi32>
    %convert_element_type3A_477 = arith.sitofp %convert_element_type3A_476 : vector<128x128xi32> to vector<128x128xf32>
    %slice3A_478 = vector.extract_strided_slice %get3A_1 {offsets = [0, 0], sizes = [128, 39], strides = [1, 1]} : vector<1024x39xf32> to vector<128x39xf32>
    %dot_general3A_479 = arith.constant dense<0.000000e+00> : vector<128x39xf32>
    %dot_general3A_480 = tpu.matmul %convert_element_type3A_477, %slice3A_478, %dot_general3A_479 {dimension_numbers = #tpu.dot_dimension_numbers<[1], [0], [0], [1], [0, 0, 1, 1], [], []>, precision = #tpu.contract_precision<fp32>, transpose_lhs_hint = false} : vector<128x128xf32>, vector<128x39xf32>, vector<128x39xf32> -> vector<128x39xf32>
    %slice3A_481 = vector.extract_strided_slice %get3A_7 {offsets = [128, 3], sizes = [128, 1], strides = [1, 1]} : vector<1024x6xi32> to vector<128x1xi32>
    %eq3A_482 = vector.broadcast %slice3A_481 : vector<128x1xi32> to vector<128x128xi32>
    %eq3A_483 = arith.cmpi eq, %eq3A_482, %iota3A_472 : vector<128x128xi32>
    %convert_element_type3A_484 = arith.extui %eq3A_483 : vector<128x128xi1> to vector<128x128xi32>
    %convert_element_type3A_485 = arith.sitofp %convert_element_type3A_484 : vector<128x128xi32> to vector<128x128xf32>
    %slice3A_486 = vector.extract_strided_slice %get3A_1 {offsets = [128, 0], sizes = [128, 39], strides = [1, 1]} : vector<1024x39xf32> to vector<128x39xf32>
    %dot_general3A_487 = arith.constant dense<0.000000e+00> : vector<128x39xf32>
    %dot_general3A_488 = tpu.matmul %convert_element_type3A_485, %slice3A_486, %dot_general3A_487 {dimension_numbers = #tpu.dot_dimension_numbers<[1], [0], [0], [1], [0, 0, 1, 1], [], []>, precision = #tpu.contract_precision<fp32>, transpose_lhs_hint = false} : vector<128x128xf32>, vector<128x39xf32>, vector<128x39xf32> -> vector<128x39xf32>
    %slice3A_489 = vector.extract_strided_slice %get3A_7 {offsets = [256, 3], sizes = [128, 1], strides = [1, 1]} : vector<1024x6xi32> to vector<128x1xi32>
    %eq3A_490 = vector.broadcast %slice3A_489 : vector<128x1xi32> to vector<128x128xi32>
    %eq3A_491 = arith.cmpi eq, %eq3A_490, %iota3A_472 : vector<128x128xi32>
    %convert_element_type3A_492 = arith.extui %eq3A_491 : vector<128x128xi1> to vector<128x128xi32>
    %convert_element_type3A_493 = arith.sitofp %convert_element_type3A_492 : vector<128x128xi32> to vector<128x128xf32>
    %slice3A_494 = vector.extract_strided_slice %get3A_1 {offsets = [256, 0], sizes = [128, 39], strides = [1, 1]} : vector<1024x39xf32> to vector<128x39xf32>
    %dot_general3A_495 = arith.constant dense<0.000000e+00> : vector<128x39xf32>
    %dot_general3A_496 = tpu.matmul %convert_element_type3A_493, %slice3A_494, %dot_general3A_495 {dimension_numbers = #tpu.dot_dimension_numbers<[1], [0], [0], [1], [0, 0, 1, 1], [], []>, precision = #tpu.contract_precision<fp32>, transpose_lhs_hint = false} : vector<128x128xf32>, vector<128x39xf32>, vector<128x39xf32> -> vector<128x39xf32>
    %slice3A_497 = vector.extract_strided_slice %get3A_7 {offsets = [384, 3], sizes = [128, 1], strides = [1, 1]} : vector<1024x6xi32> to vector<128x1xi32>
    %eq3A_498 = vector.broadcast %slice3A_497 : vector<128x1xi32> to vector<128x128xi32>
    %eq3A_499 = arith.cmpi eq, %eq3A_498, %iota3A_472 : vector<128x128xi32>
    %convert_element_type3A_500 = arith.extui %eq3A_499 : vector<128x128xi1> to vector<128x128xi32>
    %convert_element_type3A_501 = arith.sitofp %convert_element_type3A_500 : vector<128x128xi32> to vector<128x128xf32>
    %slice3A_502 = vector.extract_strided_slice %get3A_1 {offsets = [384, 0], sizes = [128, 39], strides = [1, 1]} : vector<1024x39xf32> to vector<128x39xf32>
    %dot_general3A_503 = arith.constant dense<0.000000e+00> : vector<128x39xf32>
    %dot_general3A_504 = tpu.matmul %convert_element_type3A_501, %slice3A_502, %dot_general3A_503 {dimension_numbers = #tpu.dot_dimension_numbers<[1], [0], [0], [1], [0, 0, 1, 1], [], []>, precision = #tpu.contract_precision<fp32>, transpose_lhs_hint = false} : vector<128x128xf32>, vector<128x39xf32>, vector<128x39xf32> -> vector<128x39xf32>
    %slice3A_505 = vector.extract_strided_slice %get3A_7 {offsets = [512, 3], sizes = [128, 1], strides = [1, 1]} : vector<1024x6xi32> to vector<128x1xi32>
    %eq3A_506 = vector.broadcast %slice3A_505 : vector<128x1xi32> to vector<128x128xi32>
    %eq3A_507 = arith.cmpi eq, %eq3A_506, %iota3A_472 : vector<128x128xi32>
    %convert_element_type3A_508 = arith.extui %eq3A_507 : vector<128x128xi1> to vector<128x128xi32>
    %convert_element_type3A_509 = arith.sitofp %convert_element_type3A_508 : vector<128x128xi32> to vector<128x128xf32>
    %slice3A_510 = vector.extract_strided_slice %get3A_1 {offsets = [512, 0], sizes = [128, 39], strides = [1, 1]} : vector<1024x39xf32> to vector<128x39xf32>
    %dot_general3A_511 = arith.constant dense<0.000000e+00> : vector<128x39xf32>
    %dot_general3A_512 = tpu.matmul %convert_element_type3A_509, %slice3A_510, %dot_general3A_511 {dimension_numbers = #tpu.dot_dimension_numbers<[1], [0], [0], [1], [0, 0, 1, 1], [], []>, precision = #tpu.contract_precision<fp32>, transpose_lhs_hint = false} : vector<128x128xf32>, vector<128x39xf32>, vector<128x39xf32> -> vector<128x39xf32>
    %slice3A_513 = vector.extract_strided_slice %get3A_7 {offsets = [640, 3], sizes = [128, 1], strides = [1, 1]} : vector<1024x6xi32> to vector<128x1xi32>
    %eq3A_514 = vector.broadcast %slice3A_513 : vector<128x1xi32> to vector<128x128xi32>
    %eq3A_515 = arith.cmpi eq, %eq3A_514, %iota3A_472 : vector<128x128xi32>
    %convert_element_type3A_516 = arith.extui %eq3A_515 : vector<128x128xi1> to vector<128x128xi32>
    %convert_element_type3A_517 = arith.sitofp %convert_element_type3A_516 : vector<128x128xi32> to vector<128x128xf32>
    %slice3A_518 = vector.extract_strided_slice %get3A_1 {offsets = [640, 0], sizes = [128, 39], strides = [1, 1]} : vector<1024x39xf32> to vector<128x39xf32>
    %dot_general3A_519 = arith.constant dense<0.000000e+00> : vector<128x39xf32>
    %dot_general3A_520 = tpu.matmul %convert_element_type3A_517, %slice3A_518, %dot_general3A_519 {dimension_numbers = #tpu.dot_dimension_numbers<[1], [0], [0], [1], [0, 0, 1, 1], [], []>, precision = #tpu.contract_precision<fp32>, transpose_lhs_hint = false} : vector<128x128xf32>, vector<128x39xf32>, vector<128x39xf32> -> vector<128x39xf32>
    %slice3A_521 = vector.extract_strided_slice %get3A_7 {offsets = [768, 3], sizes = [128, 1], strides = [1, 1]} : vector<1024x6xi32> to vector<128x1xi32>
    %eq3A_522 = vector.broadcast %slice3A_521 : vector<128x1xi32> to vector<128x128xi32>
    %eq3A_523 = arith.cmpi eq, %eq3A_522, %iota3A_472 : vector<128x128xi32>
    %convert_element_type3A_524 = arith.extui %eq3A_523 : vector<128x128xi1> to vector<128x128xi32>
    %convert_element_type3A_525 = arith.sitofp %convert_element_type3A_524 : vector<128x128xi32> to vector<128x128xf32>
    %slice3A_526 = vector.extract_strided_slice %get3A_1 {offsets = [768, 0], sizes = [128, 39], strides = [1, 1]} : vector<1024x39xf32> to vector<128x39xf32>
    %dot_general3A_527 = arith.constant dense<0.000000e+00> : vector<128x39xf32>
    %dot_general3A_528 = tpu.matmul %convert_element_type3A_525, %slice3A_526, %dot_general3A_527 {dimension_numbers = #tpu.dot_dimension_numbers<[1], [0], [0], [1], [0, 0, 1, 1], [], []>, precision = #tpu.contract_precision<fp32>, transpose_lhs_hint = false} : vector<128x128xf32>, vector<128x39xf32>, vector<128x39xf32> -> vector<128x39xf32>
    %slice3A_529 = vector.extract_strided_slice %get3A_7 {offsets = [896, 3], sizes = [128, 1], strides = [1, 1]} : vector<1024x6xi32> to vector<128x1xi32>
    %eq3A_530 = vector.broadcast %slice3A_529 : vector<128x1xi32> to vector<128x128xi32>
    %eq3A_531 = arith.cmpi eq, %eq3A_530, %iota3A_472 : vector<128x128xi32>
    %convert_element_type3A_532 = arith.extui %eq3A_531 : vector<128x128xi1> to vector<128x128xi32>
    %convert_element_type3A_533 = arith.sitofp %convert_element_type3A_532 : vector<128x128xi32> to vector<128x128xf32>
    %slice3A_534 = vector.extract_strided_slice %get3A_1 {offsets = [896, 0], sizes = [128, 39], strides = [1, 1]} : vector<1024x39xf32> to vector<128x39xf32>
    %dot_general3A_535 = arith.constant dense<0.000000e+00> : vector<128x39xf32>
    %dot_general3A_536 = tpu.matmul %convert_element_type3A_533, %slice3A_534, %dot_general3A_535 {dimension_numbers = #tpu.dot_dimension_numbers<[1], [0], [0], [1], [0, 0, 1, 1], [], []>, precision = #tpu.contract_precision<fp32>, transpose_lhs_hint = false} : vector<128x128xf32>, vector<128x39xf32>, vector<128x39xf32> -> vector<128x39xf32>
    %concatenate3A_537 = tpu.concatenate %dot_general3A_480, %dot_general3A_488, %dot_general3A_496, %dot_general3A_504, %dot_general3A_512, %dot_general3A_520, %dot_general3A_528, %dot_general3A_536 in 0 : vector<128x39xf32>, vector<128x39xf32>, vector<128x39xf32>, vector<128x39xf32>, vector<128x39xf32>, vector<128x39xf32>, vector<128x39xf32>, vector<128x39xf32> -> vector<1024x39xf32>
    %iota3A_538 = tpu.iota {dimensions = array<i32: 1>} : vector<128x128xi32>
    %slice3A_539 = vector.extract_strided_slice %get3A_10 {offsets = [0, 3], sizes = [128, 1], strides = [1, 1]} : vector<1024x6xi32> to vector<128x1xi32>
    %eq3A_540 = vector.broadcast %slice3A_539 : vector<128x1xi32> to vector<128x128xi32>
    %eq3A_541 = arith.cmpi eq, %eq3A_540, %iota3A_538 : vector<128x128xi32>
    %convert_element_type3A_542 = arith.extui %eq3A_541 : vector<128x128xi1> to vector<128x128xi32>
    %convert_element_type3A_543 = arith.sitofp %convert_element_type3A_542 : vector<128x128xi32> to vector<128x128xf32>
    %slice3A_544 = vector.extract_strided_slice %get3A_4 {offsets = [0, 0], sizes = [128, 10], strides = [1, 1]} : vector<1024x10xf32> to vector<128x10xf32>
    %dot_general3A_545 = arith.constant dense<0.000000e+00> : vector<128x10xf32>
    %dot_general3A_546 = tpu.matmul %convert_element_type3A_543, %slice3A_544, %dot_general3A_545 {dimension_numbers = #tpu.dot_dimension_numbers<[1], [0], [0], [1], [0, 0, 1, 1], [], []>, precision = #tpu.contract_precision<fp32>, transpose_lhs_hint = false} : vector<128x128xf32>, vector<128x10xf32>, vector<128x10xf32> -> vector<128x10xf32>
    %slice3A_547 = vector.extract_strided_slice %get3A_10 {offsets = [128, 3], sizes = [128, 1], strides = [1, 1]} : vector<1024x6xi32> to vector<128x1xi32>
    %eq3A_548 = vector.broadcast %slice3A_547 : vector<128x1xi32> to vector<128x128xi32>
    %eq3A_549 = arith.cmpi eq, %eq3A_548, %iota3A_538 : vector<128x128xi32>
    %convert_element_type3A_550 = arith.extui %eq3A_549 : vector<128x128xi1> to vector<128x128xi32>
    %convert_element_type3A_551 = arith.sitofp %convert_element_type3A_550 : vector<128x128xi32> to vector<128x128xf32>
    %slice3A_552 = vector.extract_strided_slice %get3A_4 {offsets = [128, 0], sizes = [128, 10], strides = [1, 1]} : vector<1024x10xf32> to vector<128x10xf32>
    %dot_general3A_553 = arith.constant dense<0.000000e+00> : vector<128x10xf32>
    %dot_general3A_554 = tpu.matmul %convert_element_type3A_551, %slice3A_552, %dot_general3A_553 {dimension_numbers = #tpu.dot_dimension_numbers<[1], [0], [0], [1], [0, 0, 1, 1], [], []>, precision = #tpu.contract_precision<fp32>, transpose_lhs_hint = false} : vector<128x128xf32>, vector<128x10xf32>, vector<128x10xf32> -> vector<128x10xf32>
    %slice3A_555 = vector.extract_strided_slice %get3A_10 {offsets = [256, 3], sizes = [128, 1], strides = [1, 1]} : vector<1024x6xi32> to vector<128x1xi32>
    %eq3A_556 = vector.broadcast %slice3A_555 : vector<128x1xi32> to vector<128x128xi32>
    %eq3A_557 = arith.cmpi eq, %eq3A_556, %iota3A_538 : vector<128x128xi32>
    %convert_element_type3A_558 = arith.extui %eq3A_557 : vector<128x128xi1> to vector<128x128xi32>
    %convert_element_type3A_559 = arith.sitofp %convert_element_type3A_558 : vector<128x128xi32> to vector<128x128xf32>
    %slice3A_560 = vector.extract_strided_slice %get3A_4 {offsets = [256, 0], sizes = [128, 10], strides = [1, 1]} : vector<1024x10xf32> to vector<128x10xf32>
    %dot_general3A_561 = arith.constant dense<0.000000e+00> : vector<128x10xf32>
    %dot_general3A_562 = tpu.matmul %convert_element_type3A_559, %slice3A_560, %dot_general3A_561 {dimension_numbers = #tpu.dot_dimension_numbers<[1], [0], [0], [1], [0, 0, 1, 1], [], []>, precision = #tpu.contract_precision<fp32>, transpose_lhs_hint = false} : vector<128x128xf32>, vector<128x10xf32>, vector<128x10xf32> -> vector<128x10xf32>
    %slice3A_563 = vector.extract_strided_slice %get3A_10 {offsets = [384, 3], sizes = [128, 1], strides = [1, 1]} : vector<1024x6xi32> to vector<128x1xi32>
    %eq3A_564 = vector.broadcast %slice3A_563 : vector<128x1xi32> to vector<128x128xi32>
    %eq3A_565 = arith.cmpi eq, %eq3A_564, %iota3A_538 : vector<128x128xi32>
    %convert_element_type3A_566 = arith.extui %eq3A_565 : vector<128x128xi1> to vector<128x128xi32>
    %convert_element_type3A_567 = arith.sitofp %convert_element_type3A_566 : vector<128x128xi32> to vector<128x128xf32>
    %slice3A_568 = vector.extract_strided_slice %get3A_4 {offsets = [384, 0], sizes = [128, 10], strides = [1, 1]} : vector<1024x10xf32> to vector<128x10xf32>
    %dot_general3A_569 = arith.constant dense<0.000000e+00> : vector<128x10xf32>
    %dot_general3A_570 = tpu.matmul %convert_element_type3A_567, %slice3A_568, %dot_general3A_569 {dimension_numbers = #tpu.dot_dimension_numbers<[1], [0], [0], [1], [0, 0, 1, 1], [], []>, precision = #tpu.contract_precision<fp32>, transpose_lhs_hint = false} : vector<128x128xf32>, vector<128x10xf32>, vector<128x10xf32> -> vector<128x10xf32>
    %slice3A_571 = vector.extract_strided_slice %get3A_10 {offsets = [512, 3], sizes = [128, 1], strides = [1, 1]} : vector<1024x6xi32> to vector<128x1xi32>
    %eq3A_572 = vector.broadcast %slice3A_571 : vector<128x1xi32> to vector<128x128xi32>
    %eq3A_573 = arith.cmpi eq, %eq3A_572, %iota3A_538 : vector<128x128xi32>
    %convert_element_type3A_574 = arith.extui %eq3A_573 : vector<128x128xi1> to vector<128x128xi32>
    %convert_element_type3A_575 = arith.sitofp %convert_element_type3A_574 : vector<128x128xi32> to vector<128x128xf32>
    %slice3A_576 = vector.extract_strided_slice %get3A_4 {offsets = [512, 0], sizes = [128, 10], strides = [1, 1]} : vector<1024x10xf32> to vector<128x10xf32>
    %dot_general3A_577 = arith.constant dense<0.000000e+00> : vector<128x10xf32>
    %dot_general3A_578 = tpu.matmul %convert_element_type3A_575, %slice3A_576, %dot_general3A_577 {dimension_numbers = #tpu.dot_dimension_numbers<[1], [0], [0], [1], [0, 0, 1, 1], [], []>, precision = #tpu.contract_precision<fp32>, transpose_lhs_hint = false} : vector<128x128xf32>, vector<128x10xf32>, vector<128x10xf32> -> vector<128x10xf32>
    %slice3A_579 = vector.extract_strided_slice %get3A_10 {offsets = [640, 3], sizes = [128, 1], strides = [1, 1]} : vector<1024x6xi32> to vector<128x1xi32>
    %eq3A_580 = vector.broadcast %slice3A_579 : vector<128x1xi32> to vector<128x128xi32>
    %eq3A_581 = arith.cmpi eq, %eq3A_580, %iota3A_538 : vector<128x128xi32>
    %convert_element_type3A_582 = arith.extui %eq3A_581 : vector<128x128xi1> to vector<128x128xi32>
    %convert_element_type3A_583 = arith.sitofp %convert_element_type3A_582 : vector<128x128xi32> to vector<128x128xf32>
    %slice3A_584 = vector.extract_strided_slice %get3A_4 {offsets = [640, 0], sizes = [128, 10], strides = [1, 1]} : vector<1024x10xf32> to vector<128x10xf32>
    %dot_general3A_585 = arith.constant dense<0.000000e+00> : vector<128x10xf32>
    %dot_general3A_586 = tpu.matmul %convert_element_type3A_583, %slice3A_584, %dot_general3A_585 {dimension_numbers = #tpu.dot_dimension_numbers<[1], [0], [0], [1], [0, 0, 1, 1], [], []>, precision = #tpu.contract_precision<fp32>, transpose_lhs_hint = false} : vector<128x128xf32>, vector<128x10xf32>, vector<128x10xf32> -> vector<128x10xf32>
    %slice3A_587 = vector.extract_strided_slice %get3A_10 {offsets = [768, 3], sizes = [128, 1], strides = [1, 1]} : vector<1024x6xi32> to vector<128x1xi32>
    %eq3A_588 = vector.broadcast %slice3A_587 : vector<128x1xi32> to vector<128x128xi32>
    %eq3A_589 = arith.cmpi eq, %eq3A_588, %iota3A_538 : vector<128x128xi32>
    %convert_element_type3A_590 = arith.extui %eq3A_589 : vector<128x128xi1> to vector<128x128xi32>
    %convert_element_type3A_591 = arith.sitofp %convert_element_type3A_590 : vector<128x128xi32> to vector<128x128xf32>
    %slice3A_592 = vector.extract_strided_slice %get3A_4 {offsets = [768, 0], sizes = [128, 10], strides = [1, 1]} : vector<1024x10xf32> to vector<128x10xf32>
    %dot_general3A_593 = arith.constant dense<0.000000e+00> : vector<128x10xf32>
    %dot_general3A_594 = tpu.matmul %convert_element_type3A_591, %slice3A_592, %dot_general3A_593 {dimension_numbers = #tpu.dot_dimension_numbers<[1], [0], [0], [1], [0, 0, 1, 1], [], []>, precision = #tpu.contract_precision<fp32>, transpose_lhs_hint = false} : vector<128x128xf32>, vector<128x10xf32>, vector<128x10xf32> -> vector<128x10xf32>
    %slice3A_595 = vector.extract_strided_slice %get3A_10 {offsets = [896, 3], sizes = [128, 1], strides = [1, 1]} : vector<1024x6xi32> to vector<128x1xi32>
    %eq3A_596 = vector.broadcast %slice3A_595 : vector<128x1xi32> to vector<128x128xi32>
    %eq3A_597 = arith.cmpi eq, %eq3A_596, %iota3A_538 : vector<128x128xi32>
    %convert_element_type3A_598 = arith.extui %eq3A_597 : vector<128x128xi1> to vector<128x128xi32>
    %convert_element_type3A_599 = arith.sitofp %convert_element_type3A_598 : vector<128x128xi32> to vector<128x128xf32>
    %slice3A_600 = vector.extract_strided_slice %get3A_4 {offsets = [896, 0], sizes = [128, 10], strides = [1, 1]} : vector<1024x10xf32> to vector<128x10xf32>
    %dot_general3A_601 = arith.constant dense<0.000000e+00> : vector<128x10xf32>
    %dot_general3A_602 = tpu.matmul %convert_element_type3A_599, %slice3A_600, %dot_general3A_601 {dimension_numbers = #tpu.dot_dimension_numbers<[1], [0], [0], [1], [0, 0, 1, 1], [], []>, precision = #tpu.contract_precision<fp32>, transpose_lhs_hint = false} : vector<128x128xf32>, vector<128x10xf32>, vector<128x10xf32> -> vector<128x10xf32>
    %concatenate3A_603 = tpu.concatenate %dot_general3A_546, %dot_general3A_554, %dot_general3A_562, %dot_general3A_570, %dot_general3A_578, %dot_general3A_586, %dot_general3A_594, %dot_general3A_602 in 0 : vector<128x10xf32>, vector<128x10xf32>, vector<128x10xf32>, vector<128x10xf32>, vector<128x10xf32>, vector<128x10xf32>, vector<128x10xf32>, vector<128x10xf32> -> vector<1024x10xf32>
    %dot_general3A_604 = arith.constant dense<0.000000e+00> : vector<1024x64xf32>
    %dot_general3A_605 = tpu.matmul %concatenate3A_537, %slice3A, %dot_general3A_604 {dimension_numbers = #tpu.dot_dimension_numbers<[1], [1], [0], [0], [0, 0, 1, 0], [], []>, precision = #tpu.contract_precision<fp32>, transpose_lhs_hint = false} : vector<1024x39xf32>, vector<64x39xf32>, vector<1024x64xf32> -> vector<1024x64xf32>
    %dot_general3A_606 = arith.constant dense<0.000000e+00> : vector<1024x64xf32>
    %dot_general3A_607 = tpu.matmul %concatenate3A_603, %slice3A_28, %dot_general3A_606 {dimension_numbers = #tpu.dot_dimension_numbers<[1], [1], [0], [0], [0, 0, 1, 0], [], []>, precision = #tpu.contract_precision<fp32>, transpose_lhs_hint = false} : vector<1024x10xf32>, vector<64x10xf32>, vector<1024x64xf32> -> vector<1024x64xf32>
    %add3A_608 = arith.addf %dot_general3A_605, %dot_general3A_607 : vector<1024x64xf32>
    %get3A_609 = arith.constant 0 : index
    %get3A_610 = arith.constant 0 : index
    %get3A_611 = vector.load %arg9[%get3A_609, %get3A_610] : memref<1x64xf32, #tpu.memory_space<vmem>>, vector<1x64xf32>
    %add3A_612 = vector.broadcast %get3A_611 : vector<1x64xf32> to vector<1024x64xf32>
    %add3A_613 = arith.addf %add3A_608, %add3A_612 : vector<1024x64xf32>
    %jit3A_614 = arith.constant 0.00999999977 : f32
    %ge3A_615 = arith.constant 0.000000e+00 : f32
    %ge3A_616 = vector.broadcast %ge3A_615 : f32 to vector<1024x64xf32>
    %ge3A_617 = arith.cmpf oge, %add3A_613, %ge3A_616 : vector<1024x64xf32>
    %mul3A_618 = vector.broadcast %jit3A_614 : f32 to vector<1024x64xf32>
    %mul3A_619 = arith.mulf %mul3A_618, %add3A_613 : vector<1024x64xf32>
    %select_n3A_620 = arith.select %ge3A_617, %add3A_613, %mul3A_619 : vector<1024x64xi1>, vector<1024x64xf32>
    %iota3A_621 = tpu.iota {dimensions = array<i32: 1>} : vector<128x128xi32>
    %slice3A_622 = vector.extract_strided_slice %get3A_7 {offsets = [0, 4], sizes = [128, 1], strides = [1, 1]} : vector<1024x6xi32> to vector<128x1xi32>
    %eq3A_623 = vector.broadcast %slice3A_622 : vector<128x1xi32> to vector<128x128xi32>
    %eq3A_624 = arith.cmpi eq, %eq3A_623, %iota3A_621 : vector<128x128xi32>
    %convert_element_type3A_625 = arith.extui %eq3A_624 : vector<128x128xi1> to vector<128x128xi32>
    %convert_element_type3A_626 = arith.sitofp %convert_element_type3A_625 : vector<128x128xi32> to vector<128x128xf32>
    %slice3A_627 = vector.extract_strided_slice %get3A_1 {offsets = [0, 0], sizes = [128, 39], strides = [1, 1]} : vector<1024x39xf32> to vector<128x39xf32>
    %dot_general3A_628 = arith.constant dense<0.000000e+00> : vector<128x39xf32>
    %dot_general3A_629 = tpu.matmul %convert_element_type3A_626, %slice3A_627, %dot_general3A_628 {dimension_numbers = #tpu.dot_dimension_numbers<[1], [0], [0], [1], [0, 0, 1, 1], [], []>, precision = #tpu.contract_precision<fp32>, transpose_lhs_hint = false} : vector<128x128xf32>, vector<128x39xf32>, vector<128x39xf32> -> vector<128x39xf32>
    %slice3A_630 = vector.extract_strided_slice %get3A_7 {offsets = [128, 4], sizes = [128, 1], strides = [1, 1]} : vector<1024x6xi32> to vector<128x1xi32>
    %eq3A_631 = vector.broadcast %slice3A_630 : vector<128x1xi32> to vector<128x128xi32>
    %eq3A_632 = arith.cmpi eq, %eq3A_631, %iota3A_621 : vector<128x128xi32>
    %convert_element_type3A_633 = arith.extui %eq3A_632 : vector<128x128xi1> to vector<128x128xi32>
    %convert_element_type3A_634 = arith.sitofp %convert_element_type3A_633 : vector<128x128xi32> to vector<128x128xf32>
    %slice3A_635 = vector.extract_strided_slice %get3A_1 {offsets = [128, 0], sizes = [128, 39], strides = [1, 1]} : vector<1024x39xf32> to vector<128x39xf32>
    %dot_general3A_636 = arith.constant dense<0.000000e+00> : vector<128x39xf32>
    %dot_general3A_637 = tpu.matmul %convert_element_type3A_634, %slice3A_635, %dot_general3A_636 {dimension_numbers = #tpu.dot_dimension_numbers<[1], [0], [0], [1], [0, 0, 1, 1], [], []>, precision = #tpu.contract_precision<fp32>, transpose_lhs_hint = false} : vector<128x128xf32>, vector<128x39xf32>, vector<128x39xf32> -> vector<128x39xf32>
    %slice3A_638 = vector.extract_strided_slice %get3A_7 {offsets = [256, 4], sizes = [128, 1], strides = [1, 1]} : vector<1024x6xi32> to vector<128x1xi32>
    %eq3A_639 = vector.broadcast %slice3A_638 : vector<128x1xi32> to vector<128x128xi32>
    %eq3A_640 = arith.cmpi eq, %eq3A_639, %iota3A_621 : vector<128x128xi32>
    %convert_element_type3A_641 = arith.extui %eq3A_640 : vector<128x128xi1> to vector<128x128xi32>
    %convert_element_type3A_642 = arith.sitofp %convert_element_type3A_641 : vector<128x128xi32> to vector<128x128xf32>
    %slice3A_643 = vector.extract_strided_slice %get3A_1 {offsets = [256, 0], sizes = [128, 39], strides = [1, 1]} : vector<1024x39xf32> to vector<128x39xf32>
    %dot_general3A_644 = arith.constant dense<0.000000e+00> : vector<128x39xf32>
    %dot_general3A_645 = tpu.matmul %convert_element_type3A_642, %slice3A_643, %dot_general3A_644 {dimension_numbers = #tpu.dot_dimension_numbers<[1], [0], [0], [1], [0, 0, 1, 1], [], []>, precision = #tpu.contract_precision<fp32>, transpose_lhs_hint = false} : vector<128x128xf32>, vector<128x39xf32>, vector<128x39xf32> -> vector<128x39xf32>
    %slice3A_646 = vector.extract_strided_slice %get3A_7 {offsets = [384, 4], sizes = [128, 1], strides = [1, 1]} : vector<1024x6xi32> to vector<128x1xi32>
    %eq3A_647 = vector.broadcast %slice3A_646 : vector<128x1xi32> to vector<128x128xi32>
    %eq3A_648 = arith.cmpi eq, %eq3A_647, %iota3A_621 : vector<128x128xi32>
    %convert_element_type3A_649 = arith.extui %eq3A_648 : vector<128x128xi1> to vector<128x128xi32>
    %convert_element_type3A_650 = arith.sitofp %convert_element_type3A_649 : vector<128x128xi32> to vector<128x128xf32>
    %slice3A_651 = vector.extract_strided_slice %get3A_1 {offsets = [384, 0], sizes = [128, 39], strides = [1, 1]} : vector<1024x39xf32> to vector<128x39xf32>
    %dot_general3A_652 = arith.constant dense<0.000000e+00> : vector<128x39xf32>
    %dot_general3A_653 = tpu.matmul %convert_element_type3A_650, %slice3A_651, %dot_general3A_652 {dimension_numbers = #tpu.dot_dimension_numbers<[1], [0], [0], [1], [0, 0, 1, 1], [], []>, precision = #tpu.contract_precision<fp32>, transpose_lhs_hint = false} : vector<128x128xf32>, vector<128x39xf32>, vector<128x39xf32> -> vector<128x39xf32>
    %slice3A_654 = vector.extract_strided_slice %get3A_7 {offsets = [512, 4], sizes = [128, 1], strides = [1, 1]} : vector<1024x6xi32> to vector<128x1xi32>
    %eq3A_655 = vector.broadcast %slice3A_654 : vector<128x1xi32> to vector<128x128xi32>
    %eq3A_656 = arith.cmpi eq, %eq3A_655, %iota3A_621 : vector<128x128xi32>
    %convert_element_type3A_657 = arith.extui %eq3A_656 : vector<128x128xi1> to vector<128x128xi32>
    %convert_element_type3A_658 = arith.sitofp %convert_element_type3A_657 : vector<128x128xi32> to vector<128x128xf32>
    %slice3A_659 = vector.extract_strided_slice %get3A_1 {offsets = [512, 0], sizes = [128, 39], strides = [1, 1]} : vector<1024x39xf32> to vector<128x39xf32>
    %dot_general3A_660 = arith.constant dense<0.000000e+00> : vector<128x39xf32>
    %dot_general3A_661 = tpu.matmul %convert_element_type3A_658, %slice3A_659, %dot_general3A_660 {dimension_numbers = #tpu.dot_dimension_numbers<[1], [0], [0], [1], [0, 0, 1, 1], [], []>, precision = #tpu.contract_precision<fp32>, transpose_lhs_hint = false} : vector<128x128xf32>, vector<128x39xf32>, vector<128x39xf32> -> vector<128x39xf32>
    %slice3A_662 = vector.extract_strided_slice %get3A_7 {offsets = [640, 4], sizes = [128, 1], strides = [1, 1]} : vector<1024x6xi32> to vector<128x1xi32>
    %eq3A_663 = vector.broadcast %slice3A_662 : vector<128x1xi32> to vector<128x128xi32>
    %eq3A_664 = arith.cmpi eq, %eq3A_663, %iota3A_621 : vector<128x128xi32>
    %convert_element_type3A_665 = arith.extui %eq3A_664 : vector<128x128xi1> to vector<128x128xi32>
    %convert_element_type3A_666 = arith.sitofp %convert_element_type3A_665 : vector<128x128xi32> to vector<128x128xf32>
    %slice3A_667 = vector.extract_strided_slice %get3A_1 {offsets = [640, 0], sizes = [128, 39], strides = [1, 1]} : vector<1024x39xf32> to vector<128x39xf32>
    %dot_general3A_668 = arith.constant dense<0.000000e+00> : vector<128x39xf32>
    %dot_general3A_669 = tpu.matmul %convert_element_type3A_666, %slice3A_667, %dot_general3A_668 {dimension_numbers = #tpu.dot_dimension_numbers<[1], [0], [0], [1], [0, 0, 1, 1], [], []>, precision = #tpu.contract_precision<fp32>, transpose_lhs_hint = false} : vector<128x128xf32>, vector<128x39xf32>, vector<128x39xf32> -> vector<128x39xf32>
    %slice3A_670 = vector.extract_strided_slice %get3A_7 {offsets = [768, 4], sizes = [128, 1], strides = [1, 1]} : vector<1024x6xi32> to vector<128x1xi32>
    %eq3A_671 = vector.broadcast %slice3A_670 : vector<128x1xi32> to vector<128x128xi32>
    %eq3A_672 = arith.cmpi eq, %eq3A_671, %iota3A_621 : vector<128x128xi32>
    %convert_element_type3A_673 = arith.extui %eq3A_672 : vector<128x128xi1> to vector<128x128xi32>
    %convert_element_type3A_674 = arith.sitofp %convert_element_type3A_673 : vector<128x128xi32> to vector<128x128xf32>
    %slice3A_675 = vector.extract_strided_slice %get3A_1 {offsets = [768, 0], sizes = [128, 39], strides = [1, 1]} : vector<1024x39xf32> to vector<128x39xf32>
    %dot_general3A_676 = arith.constant dense<0.000000e+00> : vector<128x39xf32>
    %dot_general3A_677 = tpu.matmul %convert_element_type3A_674, %slice3A_675, %dot_general3A_676 {dimension_numbers = #tpu.dot_dimension_numbers<[1], [0], [0], [1], [0, 0, 1, 1], [], []>, precision = #tpu.contract_precision<fp32>, transpose_lhs_hint = false} : vector<128x128xf32>, vector<128x39xf32>, vector<128x39xf32> -> vector<128x39xf32>
    %slice3A_678 = vector.extract_strided_slice %get3A_7 {offsets = [896, 4], sizes = [128, 1], strides = [1, 1]} : vector<1024x6xi32> to vector<128x1xi32>
    %eq3A_679 = vector.broadcast %slice3A_678 : vector<128x1xi32> to vector<128x128xi32>
    %eq3A_680 = arith.cmpi eq, %eq3A_679, %iota3A_621 : vector<128x128xi32>
    %convert_element_type3A_681 = arith.extui %eq3A_680 : vector<128x128xi1> to vector<128x128xi32>
    %convert_element_type3A_682 = arith.sitofp %convert_element_type3A_681 : vector<128x128xi32> to vector<128x128xf32>
    %slice3A_683 = vector.extract_strided_slice %get3A_1 {offsets = [896, 0], sizes = [128, 39], strides = [1, 1]} : vector<1024x39xf32> to vector<128x39xf32>
    %dot_general3A_684 = arith.constant dense<0.000000e+00> : vector<128x39xf32>
    %dot_general3A_685 = tpu.matmul %convert_element_type3A_682, %slice3A_683, %dot_general3A_684 {dimension_numbers = #tpu.dot_dimension_numbers<[1], [0], [0], [1], [0, 0, 1, 1], [], []>, precision = #tpu.contract_precision<fp32>, transpose_lhs_hint = false} : vector<128x128xf32>, vector<128x39xf32>, vector<128x39xf32> -> vector<128x39xf32>
    %concatenate3A_686 = tpu.concatenate %dot_general3A_629, %dot_general3A_637, %dot_general3A_645, %dot_general3A_653, %dot_general3A_661, %dot_general3A_669, %dot_general3A_677, %dot_general3A_685 in 0 : vector<128x39xf32>, vector<128x39xf32>, vector<128x39xf32>, vector<128x39xf32>, vector<128x39xf32>, vector<128x39xf32>, vector<128x39xf32>, vector<128x39xf32> -> vector<1024x39xf32>
    %iota3A_687 = tpu.iota {dimensions = array<i32: 1>} : vector<128x128xi32>
    %slice3A_688 = vector.extract_strided_slice %get3A_10 {offsets = [0, 4], sizes = [128, 1], strides = [1, 1]} : vector<1024x6xi32> to vector<128x1xi32>
    %eq3A_689 = vector.broadcast %slice3A_688 : vector<128x1xi32> to vector<128x128xi32>
    %eq3A_690 = arith.cmpi eq, %eq3A_689, %iota3A_687 : vector<128x128xi32>
    %convert_element_type3A_691 = arith.extui %eq3A_690 : vector<128x128xi1> to vector<128x128xi32>
    %convert_element_type3A_692 = arith.sitofp %convert_element_type3A_691 : vector<128x128xi32> to vector<128x128xf32>
    %slice3A_693 = vector.extract_strided_slice %get3A_4 {offsets = [0, 0], sizes = [128, 10], strides = [1, 1]} : vector<1024x10xf32> to vector<128x10xf32>
    %dot_general3A_694 = arith.constant dense<0.000000e+00> : vector<128x10xf32>
    %dot_general3A_695 = tpu.matmul %convert_element_type3A_692, %slice3A_693, %dot_general3A_694 {dimension_numbers = #tpu.dot_dimension_numbers<[1], [0], [0], [1], [0, 0, 1, 1], [], []>, precision = #tpu.contract_precision<fp32>, transpose_lhs_hint = false} : vector<128x128xf32>, vector<128x10xf32>, vector<128x10xf32> -> vector<128x10xf32>
    %slice3A_696 = vector.extract_strided_slice %get3A_10 {offsets = [128, 4], sizes = [128, 1], strides = [1, 1]} : vector<1024x6xi32> to vector<128x1xi32>
    %eq3A_697 = vector.broadcast %slice3A_696 : vector<128x1xi32> to vector<128x128xi32>
    %eq3A_698 = arith.cmpi eq, %eq3A_697, %iota3A_687 : vector<128x128xi32>
    %convert_element_type3A_699 = arith.extui %eq3A_698 : vector<128x128xi1> to vector<128x128xi32>
    %convert_element_type3A_700 = arith.sitofp %convert_element_type3A_699 : vector<128x128xi32> to vector<128x128xf32>
    %slice3A_701 = vector.extract_strided_slice %get3A_4 {offsets = [128, 0], sizes = [128, 10], strides = [1, 1]} : vector<1024x10xf32> to vector<128x10xf32>
    %dot_general3A_702 = arith.constant dense<0.000000e+00> : vector<128x10xf32>
    %dot_general3A_703 = tpu.matmul %convert_element_type3A_700, %slice3A_701, %dot_general3A_702 {dimension_numbers = #tpu.dot_dimension_numbers<[1], [0], [0], [1], [0, 0, 1, 1], [], []>, precision = #tpu.contract_precision<fp32>, transpose_lhs_hint = false} : vector<128x128xf32>, vector<128x10xf32>, vector<128x10xf32> -> vector<128x10xf32>
    %slice3A_704 = vector.extract_strided_slice %get3A_10 {offsets = [256, 4], sizes = [128, 1], strides = [1, 1]} : vector<1024x6xi32> to vector<128x1xi32>
    %eq3A_705 = vector.broadcast %slice3A_704 : vector<128x1xi32> to vector<128x128xi32>
    %eq3A_706 = arith.cmpi eq, %eq3A_705, %iota3A_687 : vector<128x128xi32>
    %convert_element_type3A_707 = arith.extui %eq3A_706 : vector<128x128xi1> to vector<128x128xi32>
    %convert_element_type3A_708 = arith.sitofp %convert_element_type3A_707 : vector<128x128xi32> to vector<128x128xf32>
    %slice3A_709 = vector.extract_strided_slice %get3A_4 {offsets = [256, 0], sizes = [128, 10], strides = [1, 1]} : vector<1024x10xf32> to vector<128x10xf32>
    %dot_general3A_710 = arith.constant dense<0.000000e+00> : vector<128x10xf32>
    %dot_general3A_711 = tpu.matmul %convert_element_type3A_708, %slice3A_709, %dot_general3A_710 {dimension_numbers = #tpu.dot_dimension_numbers<[1], [0], [0], [1], [0, 0, 1, 1], [], []>, precision = #tpu.contract_precision<fp32>, transpose_lhs_hint = false} : vector<128x128xf32>, vector<128x10xf32>, vector<128x10xf32> -> vector<128x10xf32>
    %slice3A_712 = vector.extract_strided_slice %get3A_10 {offsets = [384, 4], sizes = [128, 1], strides = [1, 1]} : vector<1024x6xi32> to vector<128x1xi32>
    %eq3A_713 = vector.broadcast %slice3A_712 : vector<128x1xi32> to vector<128x128xi32>
    %eq3A_714 = arith.cmpi eq, %eq3A_713, %iota3A_687 : vector<128x128xi32>
    %convert_element_type3A_715 = arith.extui %eq3A_714 : vector<128x128xi1> to vector<128x128xi32>
    %convert_element_type3A_716 = arith.sitofp %convert_element_type3A_715 : vector<128x128xi32> to vector<128x128xf32>
    %slice3A_717 = vector.extract_strided_slice %get3A_4 {offsets = [384, 0], sizes = [128, 10], strides = [1, 1]} : vector<1024x10xf32> to vector<128x10xf32>
    %dot_general3A_718 = arith.constant dense<0.000000e+00> : vector<128x10xf32>
    %dot_general3A_719 = tpu.matmul %convert_element_type3A_716, %slice3A_717, %dot_general3A_718 {dimension_numbers = #tpu.dot_dimension_numbers<[1], [0], [0], [1], [0, 0, 1, 1], [], []>, precision = #tpu.contract_precision<fp32>, transpose_lhs_hint = false} : vector<128x128xf32>, vector<128x10xf32>, vector<128x10xf32> -> vector<128x10xf32>
    %slice3A_720 = vector.extract_strided_slice %get3A_10 {offsets = [512, 4], sizes = [128, 1], strides = [1, 1]} : vector<1024x6xi32> to vector<128x1xi32>
    %eq3A_721 = vector.broadcast %slice3A_720 : vector<128x1xi32> to vector<128x128xi32>
    %eq3A_722 = arith.cmpi eq, %eq3A_721, %iota3A_687 : vector<128x128xi32>
    %convert_element_type3A_723 = arith.extui %eq3A_722 : vector<128x128xi1> to vector<128x128xi32>
    %convert_element_type3A_724 = arith.sitofp %convert_element_type3A_723 : vector<128x128xi32> to vector<128x128xf32>
    %slice3A_725 = vector.extract_strided_slice %get3A_4 {offsets = [512, 0], sizes = [128, 10], strides = [1, 1]} : vector<1024x10xf32> to vector<128x10xf32>
    %dot_general3A_726 = arith.constant dense<0.000000e+00> : vector<128x10xf32>
    %dot_general3A_727 = tpu.matmul %convert_element_type3A_724, %slice3A_725, %dot_general3A_726 {dimension_numbers = #tpu.dot_dimension_numbers<[1], [0], [0], [1], [0, 0, 1, 1], [], []>, precision = #tpu.contract_precision<fp32>, transpose_lhs_hint = false} : vector<128x128xf32>, vector<128x10xf32>, vector<128x10xf32> -> vector<128x10xf32>
    %slice3A_728 = vector.extract_strided_slice %get3A_10 {offsets = [640, 4], sizes = [128, 1], strides = [1, 1]} : vector<1024x6xi32> to vector<128x1xi32>
    %eq3A_729 = vector.broadcast %slice3A_728 : vector<128x1xi32> to vector<128x128xi32>
    %eq3A_730 = arith.cmpi eq, %eq3A_729, %iota3A_687 : vector<128x128xi32>
    %convert_element_type3A_731 = arith.extui %eq3A_730 : vector<128x128xi1> to vector<128x128xi32>
    %convert_element_type3A_732 = arith.sitofp %convert_element_type3A_731 : vector<128x128xi32> to vector<128x128xf32>
    %slice3A_733 = vector.extract_strided_slice %get3A_4 {offsets = [640, 0], sizes = [128, 10], strides = [1, 1]} : vector<1024x10xf32> to vector<128x10xf32>
    %dot_general3A_734 = arith.constant dense<0.000000e+00> : vector<128x10xf32>
    %dot_general3A_735 = tpu.matmul %convert_element_type3A_732, %slice3A_733, %dot_general3A_734 {dimension_numbers = #tpu.dot_dimension_numbers<[1], [0], [0], [1], [0, 0, 1, 1], [], []>, precision = #tpu.contract_precision<fp32>, transpose_lhs_hint = false} : vector<128x128xf32>, vector<128x10xf32>, vector<128x10xf32> -> vector<128x10xf32>
    %slice3A_736 = vector.extract_strided_slice %get3A_10 {offsets = [768, 4], sizes = [128, 1], strides = [1, 1]} : vector<1024x6xi32> to vector<128x1xi32>
    %eq3A_737 = vector.broadcast %slice3A_736 : vector<128x1xi32> to vector<128x128xi32>
    %eq3A_738 = arith.cmpi eq, %eq3A_737, %iota3A_687 : vector<128x128xi32>
    %convert_element_type3A_739 = arith.extui %eq3A_738 : vector<128x128xi1> to vector<128x128xi32>
    %convert_element_type3A_740 = arith.sitofp %convert_element_type3A_739 : vector<128x128xi32> to vector<128x128xf32>
    %slice3A_741 = vector.extract_strided_slice %get3A_4 {offsets = [768, 0], sizes = [128, 10], strides = [1, 1]} : vector<1024x10xf32> to vector<128x10xf32>
    %dot_general3A_742 = arith.constant dense<0.000000e+00> : vector<128x10xf32>
    %dot_general3A_743 = tpu.matmul %convert_element_type3A_740, %slice3A_741, %dot_general3A_742 {dimension_numbers = #tpu.dot_dimension_numbers<[1], [0], [0], [1], [0, 0, 1, 1], [], []>, precision = #tpu.contract_precision<fp32>, transpose_lhs_hint = false} : vector<128x128xf32>, vector<128x10xf32>, vector<128x10xf32> -> vector<128x10xf32>
    %slice3A_744 = vector.extract_strided_slice %get3A_10 {offsets = [896, 4], sizes = [128, 1], strides = [1, 1]} : vector<1024x6xi32> to vector<128x1xi32>
    %eq3A_745 = vector.broadcast %slice3A_744 : vector<128x1xi32> to vector<128x128xi32>
    %eq3A_746 = arith.cmpi eq, %eq3A_745, %iota3A_687 : vector<128x128xi32>
    %convert_element_type3A_747 = arith.extui %eq3A_746 : vector<128x128xi1> to vector<128x128xi32>
    %convert_element_type3A_748 = arith.sitofp %convert_element_type3A_747 : vector<128x128xi32> to vector<128x128xf32>
    %slice3A_749 = vector.extract_strided_slice %get3A_4 {offsets = [896, 0], sizes = [128, 10], strides = [1, 1]} : vector<1024x10xf32> to vector<128x10xf32>
    %dot_general3A_750 = arith.constant dense<0.000000e+00> : vector<128x10xf32>
    %dot_general3A_751 = tpu.matmul %convert_element_type3A_748, %slice3A_749, %dot_general3A_750 {dimension_numbers = #tpu.dot_dimension_numbers<[1], [0], [0], [1], [0, 0, 1, 1], [], []>, precision = #tpu.contract_precision<fp32>, transpose_lhs_hint = false} : vector<128x128xf32>, vector<128x10xf32>, vector<128x10xf32> -> vector<128x10xf32>
    %concatenate3A_752 = tpu.concatenate %dot_general3A_695, %dot_general3A_703, %dot_general3A_711, %dot_general3A_719, %dot_general3A_727, %dot_general3A_735, %dot_general3A_743, %dot_general3A_751 in 0 : vector<128x10xf32>, vector<128x10xf32>, vector<128x10xf32>, vector<128x10xf32>, vector<128x10xf32>, vector<128x10xf32>, vector<128x10xf32>, vector<128x10xf32> -> vector<1024x10xf32>
    %dot_general3A_753 = arith.constant dense<0.000000e+00> : vector<1024x64xf32>
    %dot_general3A_754 = tpu.matmul %concatenate3A_686, %slice3A, %dot_general3A_753 {dimension_numbers = #tpu.dot_dimension_numbers<[1], [1], [0], [0], [0, 0, 1, 0], [], []>, precision = #tpu.contract_precision<fp32>, transpose_lhs_hint = false} : vector<1024x39xf32>, vector<64x39xf32>, vector<1024x64xf32> -> vector<1024x64xf32>
    %dot_general3A_755 = arith.constant dense<0.000000e+00> : vector<1024x64xf32>
    %dot_general3A_756 = tpu.matmul %concatenate3A_752, %slice3A_28, %dot_general3A_755 {dimension_numbers = #tpu.dot_dimension_numbers<[1], [1], [0], [0], [0, 0, 1, 0], [], []>, precision = #tpu.contract_precision<fp32>, transpose_lhs_hint = false} : vector<1024x10xf32>, vector<64x10xf32>, vector<1024x64xf32> -> vector<1024x64xf32>
    %add3A_757 = arith.addf %dot_general3A_754, %dot_general3A_756 : vector<1024x64xf32>
    %get3A_758 = arith.constant 0 : index
    %get3A_759 = arith.constant 0 : index
    %get3A_760 = vector.load %arg9[%get3A_758, %get3A_759] : memref<1x64xf32, #tpu.memory_space<vmem>>, vector<1x64xf32>
    %add3A_761 = vector.broadcast %get3A_760 : vector<1x64xf32> to vector<1024x64xf32>
    %add3A_762 = arith.addf %add3A_757, %add3A_761 : vector<1024x64xf32>
    %jit3A_763 = arith.constant 0.00999999977 : f32
    %ge3A_764 = arith.constant 0.000000e+00 : f32
    %ge3A_765 = vector.broadcast %ge3A_764 : f32 to vector<1024x64xf32>
    %ge3A_766 = arith.cmpf oge, %add3A_762, %ge3A_765 : vector<1024x64xf32>
    %mul3A_767 = vector.broadcast %jit3A_763 : f32 to vector<1024x64xf32>
    %mul3A_768 = arith.mulf %mul3A_767, %add3A_762 : vector<1024x64xf32>
    %select_n3A_769 = arith.select %ge3A_766, %add3A_762, %mul3A_768 : vector<1024x64xi1>, vector<1024x64xf32>
    %iota3A_770 = tpu.iota {dimensions = array<i32: 1>} : vector<128x128xi32>
    %slice3A_771 = vector.extract_strided_slice %get3A_7 {offsets = [0, 5], sizes = [128, 1], strides = [1, 1]} : vector<1024x6xi32> to vector<128x1xi32>
    %eq3A_772 = vector.broadcast %slice3A_771 : vector<128x1xi32> to vector<128x128xi32>
    %eq3A_773 = arith.cmpi eq, %eq3A_772, %iota3A_770 : vector<128x128xi32>
    %convert_element_type3A_774 = arith.extui %eq3A_773 : vector<128x128xi1> to vector<128x128xi32>
    %convert_element_type3A_775 = arith.sitofp %convert_element_type3A_774 : vector<128x128xi32> to vector<128x128xf32>
    %slice3A_776 = vector.extract_strided_slice %get3A_1 {offsets = [0, 0], sizes = [128, 39], strides = [1, 1]} : vector<1024x39xf32> to vector<128x39xf32>
    %dot_general3A_777 = arith.constant dense<0.000000e+00> : vector<128x39xf32>
    %dot_general3A_778 = tpu.matmul %convert_element_type3A_775, %slice3A_776, %dot_general3A_777 {dimension_numbers = #tpu.dot_dimension_numbers<[1], [0], [0], [1], [0, 0, 1, 1], [], []>, precision = #tpu.contract_precision<fp32>, transpose_lhs_hint = false} : vector<128x128xf32>, vector<128x39xf32>, vector<128x39xf32> -> vector<128x39xf32>
    %slice3A_779 = vector.extract_strided_slice %get3A_7 {offsets = [128, 5], sizes = [128, 1], strides = [1, 1]} : vector<1024x6xi32> to vector<128x1xi32>
    %eq3A_780 = vector.broadcast %slice3A_779 : vector<128x1xi32> to vector<128x128xi32>
    %eq3A_781 = arith.cmpi eq, %eq3A_780, %iota3A_770 : vector<128x128xi32>
    %convert_element_type3A_782 = arith.extui %eq3A_781 : vector<128x128xi1> to vector<128x128xi32>
    %convert_element_type3A_783 = arith.sitofp %convert_element_type3A_782 : vector<128x128xi32> to vector<128x128xf32>
    %slice3A_784 = vector.extract_strided_slice %get3A_1 {offsets = [128, 0], sizes = [128, 39], strides = [1, 1]} : vector<1024x39xf32> to vector<128x39xf32>
    %dot_general3A_785 = arith.constant dense<0.000000e+00> : vector<128x39xf32>
    %dot_general3A_786 = tpu.matmul %convert_element_type3A_783, %slice3A_784, %dot_general3A_785 {dimension_numbers = #tpu.dot_dimension_numbers<[1], [0], [0], [1], [0, 0, 1, 1], [], []>, precision = #tpu.contract_precision<fp32>, transpose_lhs_hint = false} : vector<128x128xf32>, vector<128x39xf32>, vector<128x39xf32> -> vector<128x39xf32>
    %slice3A_787 = vector.extract_strided_slice %get3A_7 {offsets = [256, 5], sizes = [128, 1], strides = [1, 1]} : vector<1024x6xi32> to vector<128x1xi32>
    %eq3A_788 = vector.broadcast %slice3A_787 : vector<128x1xi32> to vector<128x128xi32>
    %eq3A_789 = arith.cmpi eq, %eq3A_788, %iota3A_770 : vector<128x128xi32>
    %convert_element_type3A_790 = arith.extui %eq3A_789 : vector<128x128xi1> to vector<128x128xi32>
    %convert_element_type3A_791 = arith.sitofp %convert_element_type3A_790 : vector<128x128xi32> to vector<128x128xf32>
    %slice3A_792 = vector.extract_strided_slice %get3A_1 {offsets = [256, 0], sizes = [128, 39], strides = [1, 1]} : vector<1024x39xf32> to vector<128x39xf32>
    %dot_general3A_793 = arith.constant dense<0.000000e+00> : vector<128x39xf32>
    %dot_general3A_794 = tpu.matmul %convert_element_type3A_791, %slice3A_792, %dot_general3A_793 {dimension_numbers = #tpu.dot_dimension_numbers<[1], [0], [0], [1], [0, 0, 1, 1], [], []>, precision = #tpu.contract_precision<fp32>, transpose_lhs_hint = false} : vector<128x128xf32>, vector<128x39xf32>, vector<128x39xf32> -> vector<128x39xf32>
    %slice3A_795 = vector.extract_strided_slice %get3A_7 {offsets = [384, 5], sizes = [128, 1], strides = [1, 1]} : vector<1024x6xi32> to vector<128x1xi32>
    %eq3A_796 = vector.broadcast %slice3A_795 : vector<128x1xi32> to vector<128x128xi32>
    %eq3A_797 = arith.cmpi eq, %eq3A_796, %iota3A_770 : vector<128x128xi32>
    %convert_element_type3A_798 = arith.extui %eq3A_797 : vector<128x128xi1> to vector<128x128xi32>
    %convert_element_type3A_799 = arith.sitofp %convert_element_type3A_798 : vector<128x128xi32> to vector<128x128xf32>
    %slice3A_800 = vector.extract_strided_slice %get3A_1 {offsets = [384, 0], sizes = [128, 39], strides = [1, 1]} : vector<1024x39xf32> to vector<128x39xf32>
    %dot_general3A_801 = arith.constant dense<0.000000e+00> : vector<128x39xf32>
    %dot_general3A_802 = tpu.matmul %convert_element_type3A_799, %slice3A_800, %dot_general3A_801 {dimension_numbers = #tpu.dot_dimension_numbers<[1], [0], [0], [1], [0, 0, 1, 1], [], []>, precision = #tpu.contract_precision<fp32>, transpose_lhs_hint = false} : vector<128x128xf32>, vector<128x39xf32>, vector<128x39xf32> -> vector<128x39xf32>
    %slice3A_803 = vector.extract_strided_slice %get3A_7 {offsets = [512, 5], sizes = [128, 1], strides = [1, 1]} : vector<1024x6xi32> to vector<128x1xi32>
    %eq3A_804 = vector.broadcast %slice3A_803 : vector<128x1xi32> to vector<128x128xi32>
    %eq3A_805 = arith.cmpi eq, %eq3A_804, %iota3A_770 : vector<128x128xi32>
    %convert_element_type3A_806 = arith.extui %eq3A_805 : vector<128x128xi1> to vector<128x128xi32>
    %convert_element_type3A_807 = arith.sitofp %convert_element_type3A_806 : vector<128x128xi32> to vector<128x128xf32>
    %slice3A_808 = vector.extract_strided_slice %get3A_1 {offsets = [512, 0], sizes = [128, 39], strides = [1, 1]} : vector<1024x39xf32> to vector<128x39xf32>
    %dot_general3A_809 = arith.constant dense<0.000000e+00> : vector<128x39xf32>
    %dot_general3A_810 = tpu.matmul %convert_element_type3A_807, %slice3A_808, %dot_general3A_809 {dimension_numbers = #tpu.dot_dimension_numbers<[1], [0], [0], [1], [0, 0, 1, 1], [], []>, precision = #tpu.contract_precision<fp32>, transpose_lhs_hint = false} : vector<128x128xf32>, vector<128x39xf32>, vector<128x39xf32> -> vector<128x39xf32>
    %slice3A_811 = vector.extract_strided_slice %get3A_7 {offsets = [640, 5], sizes = [128, 1], strides = [1, 1]} : vector<1024x6xi32> to vector<128x1xi32>
    %eq3A_812 = vector.broadcast %slice3A_811 : vector<128x1xi32> to vector<128x128xi32>
    %eq3A_813 = arith.cmpi eq, %eq3A_812, %iota3A_770 : vector<128x128xi32>
    %convert_element_type3A_814 = arith.extui %eq3A_813 : vector<128x128xi1> to vector<128x128xi32>
    %convert_element_type3A_815 = arith.sitofp %convert_element_type3A_814 : vector<128x128xi32> to vector<128x128xf32>
    %slice3A_816 = vector.extract_strided_slice %get3A_1 {offsets = [640, 0], sizes = [128, 39], strides = [1, 1]} : vector<1024x39xf32> to vector<128x39xf32>
    %dot_general3A_817 = arith.constant dense<0.000000e+00> : vector<128x39xf32>
    %dot_general3A_818 = tpu.matmul %convert_element_type3A_815, %slice3A_816, %dot_general3A_817 {dimension_numbers = #tpu.dot_dimension_numbers<[1], [0], [0], [1], [0, 0, 1, 1], [], []>, precision = #tpu.contract_precision<fp32>, transpose_lhs_hint = false} : vector<128x128xf32>, vector<128x39xf32>, vector<128x39xf32> -> vector<128x39xf32>
    %slice3A_819 = vector.extract_strided_slice %get3A_7 {offsets = [768, 5], sizes = [128, 1], strides = [1, 1]} : vector<1024x6xi32> to vector<128x1xi32>
    %eq3A_820 = vector.broadcast %slice3A_819 : vector<128x1xi32> to vector<128x128xi32>
    %eq3A_821 = arith.cmpi eq, %eq3A_820, %iota3A_770 : vector<128x128xi32>
    %convert_element_type3A_822 = arith.extui %eq3A_821 : vector<128x128xi1> to vector<128x128xi32>
    %convert_element_type3A_823 = arith.sitofp %convert_element_type3A_822 : vector<128x128xi32> to vector<128x128xf32>
    %slice3A_824 = vector.extract_strided_slice %get3A_1 {offsets = [768, 0], sizes = [128, 39], strides = [1, 1]} : vector<1024x39xf32> to vector<128x39xf32>
    %dot_general3A_825 = arith.constant dense<0.000000e+00> : vector<128x39xf32>
    %dot_general3A_826 = tpu.matmul %convert_element_type3A_823, %slice3A_824, %dot_general3A_825 {dimension_numbers = #tpu.dot_dimension_numbers<[1], [0], [0], [1], [0, 0, 1, 1], [], []>, precision = #tpu.contract_precision<fp32>, transpose_lhs_hint = false} : vector<128x128xf32>, vector<128x39xf32>, vector<128x39xf32> -> vector<128x39xf32>
    %slice3A_827 = vector.extract_strided_slice %get3A_7 {offsets = [896, 5], sizes = [128, 1], strides = [1, 1]} : vector<1024x6xi32> to vector<128x1xi32>
    %eq3A_828 = vector.broadcast %slice3A_827 : vector<128x1xi32> to vector<128x128xi32>
    %eq3A_829 = arith.cmpi eq, %eq3A_828, %iota3A_770 : vector<128x128xi32>
    %convert_element_type3A_830 = arith.extui %eq3A_829 : vector<128x128xi1> to vector<128x128xi32>
    %convert_element_type3A_831 = arith.sitofp %convert_element_type3A_830 : vector<128x128xi32> to vector<128x128xf32>
    %slice3A_832 = vector.extract_strided_slice %get3A_1 {offsets = [896, 0], sizes = [128, 39], strides = [1, 1]} : vector<1024x39xf32> to vector<128x39xf32>
    %dot_general3A_833 = arith.constant dense<0.000000e+00> : vector<128x39xf32>
    %dot_general3A_834 = tpu.matmul %convert_element_type3A_831, %slice3A_832, %dot_general3A_833 {dimension_numbers = #tpu.dot_dimension_numbers<[1], [0], [0], [1], [0, 0, 1, 1], [], []>, precision = #tpu.contract_precision<fp32>, transpose_lhs_hint = false} : vector<128x128xf32>, vector<128x39xf32>, vector<128x39xf32> -> vector<128x39xf32>
    %concatenate3A_835 = tpu.concatenate %dot_general3A_778, %dot_general3A_786, %dot_general3A_794, %dot_general3A_802, %dot_general3A_810, %dot_general3A_818, %dot_general3A_826, %dot_general3A_834 in 0 : vector<128x39xf32>, vector<128x39xf32>, vector<128x39xf32>, vector<128x39xf32>, vector<128x39xf32>, vector<128x39xf32>, vector<128x39xf32>, vector<128x39xf32> -> vector<1024x39xf32>
    %iota3A_836 = tpu.iota {dimensions = array<i32: 1>} : vector<128x128xi32>
    %slice3A_837 = vector.extract_strided_slice %get3A_10 {offsets = [0, 5], sizes = [128, 1], strides = [1, 1]} : vector<1024x6xi32> to vector<128x1xi32>
    %eq3A_838 = vector.broadcast %slice3A_837 : vector<128x1xi32> to vector<128x128xi32>
    %eq3A_839 = arith.cmpi eq, %eq3A_838, %iota3A_836 : vector<128x128xi32>
    %convert_element_type3A_840 = arith.extui %eq3A_839 : vector<128x128xi1> to vector<128x128xi32>
    %convert_element_type3A_841 = arith.sitofp %convert_element_type3A_840 : vector<128x128xi32> to vector<128x128xf32>
    %slice3A_842 = vector.extract_strided_slice %get3A_4 {offsets = [0, 0], sizes = [128, 10], strides = [1, 1]} : vector<1024x10xf32> to vector<128x10xf32>
    %dot_general3A_843 = arith.constant dense<0.000000e+00> : vector<128x10xf32>
    %dot_general3A_844 = tpu.matmul %convert_element_type3A_841, %slice3A_842, %dot_general3A_843 {dimension_numbers = #tpu.dot_dimension_numbers<[1], [0], [0], [1], [0, 0, 1, 1], [], []>, precision = #tpu.contract_precision<fp32>, transpose_lhs_hint = false} : vector<128x128xf32>, vector<128x10xf32>, vector<128x10xf32> -> vector<128x10xf32>
    %slice3A_845 = vector.extract_strided_slice %get3A_10 {offsets = [128, 5], sizes = [128, 1], strides = [1, 1]} : vector<1024x6xi32> to vector<128x1xi32>
    %eq3A_846 = vector.broadcast %slice3A_845 : vector<128x1xi32> to vector<128x128xi32>
    %eq3A_847 = arith.cmpi eq, %eq3A_846, %iota3A_836 : vector<128x128xi32>
    %convert_element_type3A_848 = arith.extui %eq3A_847 : vector<128x128xi1> to vector<128x128xi32>
    %convert_element_type3A_849 = arith.sitofp %convert_element_type3A_848 : vector<128x128xi32> to vector<128x128xf32>
    %slice3A_850 = vector.extract_strided_slice %get3A_4 {offsets = [128, 0], sizes = [128, 10], strides = [1, 1]} : vector<1024x10xf32> to vector<128x10xf32>
    %dot_general3A_851 = arith.constant dense<0.000000e+00> : vector<128x10xf32>
    %dot_general3A_852 = tpu.matmul %convert_element_type3A_849, %slice3A_850, %dot_general3A_851 {dimension_numbers = #tpu.dot_dimension_numbers<[1], [0], [0], [1], [0, 0, 1, 1], [], []>, precision = #tpu.contract_precision<fp32>, transpose_lhs_hint = false} : vector<128x128xf32>, vector<128x10xf32>, vector<128x10xf32> -> vector<128x10xf32>
    %slice3A_853 = vector.extract_strided_slice %get3A_10 {offsets = [256, 5], sizes = [128, 1], strides = [1, 1]} : vector<1024x6xi32> to vector<128x1xi32>
    %eq3A_854 = vector.broadcast %slice3A_853 : vector<128x1xi32> to vector<128x128xi32>
    %eq3A_855 = arith.cmpi eq, %eq3A_854, %iota3A_836 : vector<128x128xi32>
    %convert_element_type3A_856 = arith.extui %eq3A_855 : vector<128x128xi1> to vector<128x128xi32>
    %convert_element_type3A_857 = arith.sitofp %convert_element_type3A_856 : vector<128x128xi32> to vector<128x128xf32>
    %slice3A_858 = vector.extract_strided_slice %get3A_4 {offsets = [256, 0], sizes = [128, 10], strides = [1, 1]} : vector<1024x10xf32> to vector<128x10xf32>
    %dot_general3A_859 = arith.constant dense<0.000000e+00> : vector<128x10xf32>
    %dot_general3A_860 = tpu.matmul %convert_element_type3A_857, %slice3A_858, %dot_general3A_859 {dimension_numbers = #tpu.dot_dimension_numbers<[1], [0], [0], [1], [0, 0, 1, 1], [], []>, precision = #tpu.contract_precision<fp32>, transpose_lhs_hint = false} : vector<128x128xf32>, vector<128x10xf32>, vector<128x10xf32> -> vector<128x10xf32>
    %slice3A_861 = vector.extract_strided_slice %get3A_10 {offsets = [384, 5], sizes = [128, 1], strides = [1, 1]} : vector<1024x6xi32> to vector<128x1xi32>
    %eq3A_862 = vector.broadcast %slice3A_861 : vector<128x1xi32> to vector<128x128xi32>
    %eq3A_863 = arith.cmpi eq, %eq3A_862, %iota3A_836 : vector<128x128xi32>
    %convert_element_type3A_864 = arith.extui %eq3A_863 : vector<128x128xi1> to vector<128x128xi32>
    %convert_element_type3A_865 = arith.sitofp %convert_element_type3A_864 : vector<128x128xi32> to vector<128x128xf32>
    %slice3A_866 = vector.extract_strided_slice %get3A_4 {offsets = [384, 0], sizes = [128, 10], strides = [1, 1]} : vector<1024x10xf32> to vector<128x10xf32>
    %dot_general3A_867 = arith.constant dense<0.000000e+00> : vector<128x10xf32>
    %dot_general3A_868 = tpu.matmul %convert_element_type3A_865, %slice3A_866, %dot_general3A_867 {dimension_numbers = #tpu.dot_dimension_numbers<[1], [0], [0], [1], [0, 0, 1, 1], [], []>, precision = #tpu.contract_precision<fp32>, transpose_lhs_hint = false} : vector<128x128xf32>, vector<128x10xf32>, vector<128x10xf32> -> vector<128x10xf32>
    %slice3A_869 = vector.extract_strided_slice %get3A_10 {offsets = [512, 5], sizes = [128, 1], strides = [1, 1]} : vector<1024x6xi32> to vector<128x1xi32>
    %eq3A_870 = vector.broadcast %slice3A_869 : vector<128x1xi32> to vector<128x128xi32>
    %eq3A_871 = arith.cmpi eq, %eq3A_870, %iota3A_836 : vector<128x128xi32>
    %convert_element_type3A_872 = arith.extui %eq3A_871 : vector<128x128xi1> to vector<128x128xi32>
    %convert_element_type3A_873 = arith.sitofp %convert_element_type3A_872 : vector<128x128xi32> to vector<128x128xf32>
    %slice3A_874 = vector.extract_strided_slice %get3A_4 {offsets = [512, 0], sizes = [128, 10], strides = [1, 1]} : vector<1024x10xf32> to vector<128x10xf32>
    %dot_general3A_875 = arith.constant dense<0.000000e+00> : vector<128x10xf32>
    %dot_general3A_876 = tpu.matmul %convert_element_type3A_873, %slice3A_874, %dot_general3A_875 {dimension_numbers = #tpu.dot_dimension_numbers<[1], [0], [0], [1], [0, 0, 1, 1], [], []>, precision = #tpu.contract_precision<fp32>, transpose_lhs_hint = false} : vector<128x128xf32>, vector<128x10xf32>, vector<128x10xf32> -> vector<128x10xf32>
    %slice3A_877 = vector.extract_strided_slice %get3A_10 {offsets = [640, 5], sizes = [128, 1], strides = [1, 1]} : vector<1024x6xi32> to vector<128x1xi32>
    %eq3A_878 = vector.broadcast %slice3A_877 : vector<128x1xi32> to vector<128x128xi32>
    %eq3A_879 = arith.cmpi eq, %eq3A_878, %iota3A_836 : vector<128x128xi32>
    %convert_element_type3A_880 = arith.extui %eq3A_879 : vector<128x128xi1> to vector<128x128xi32>
    %convert_element_type3A_881 = arith.sitofp %convert_element_type3A_880 : vector<128x128xi32> to vector<128x128xf32>
    %slice3A_882 = vector.extract_strided_slice %get3A_4 {offsets = [640, 0], sizes = [128, 10], strides = [1, 1]} : vector<1024x10xf32> to vector<128x10xf32>
    %dot_general3A_883 = arith.constant dense<0.000000e+00> : vector<128x10xf32>
    %dot_general3A_884 = tpu.matmul %convert_element_type3A_881, %slice3A_882, %dot_general3A_883 {dimension_numbers = #tpu.dot_dimension_numbers<[1], [0], [0], [1], [0, 0, 1, 1], [], []>, precision = #tpu.contract_precision<fp32>, transpose_lhs_hint = false} : vector<128x128xf32>, vector<128x10xf32>, vector<128x10xf32> -> vector<128x10xf32>
    %slice3A_885 = vector.extract_strided_slice %get3A_10 {offsets = [768, 5], sizes = [128, 1], strides = [1, 1]} : vector<1024x6xi32> to vector<128x1xi32>
    %eq3A_886 = vector.broadcast %slice3A_885 : vector<128x1xi32> to vector<128x128xi32>
    %eq3A_887 = arith.cmpi eq, %eq3A_886, %iota3A_836 : vector<128x128xi32>
    %convert_element_type3A_888 = arith.extui %eq3A_887 : vector<128x128xi1> to vector<128x128xi32>
    %convert_element_type3A_889 = arith.sitofp %convert_element_type3A_888 : vector<128x128xi32> to vector<128x128xf32>
    %slice3A_890 = vector.extract_strided_slice %get3A_4 {offsets = [768, 0], sizes = [128, 10], strides = [1, 1]} : vector<1024x10xf32> to vector<128x10xf32>
    %dot_general3A_891 = arith.constant dense<0.000000e+00> : vector<128x10xf32>
    %dot_general3A_892 = tpu.matmul %convert_element_type3A_889, %slice3A_890, %dot_general3A_891 {dimension_numbers = #tpu.dot_dimension_numbers<[1], [0], [0], [1], [0, 0, 1, 1], [], []>, precision = #tpu.contract_precision<fp32>, transpose_lhs_hint = false} : vector<128x128xf32>, vector<128x10xf32>, vector<128x10xf32> -> vector<128x10xf32>
    %slice3A_893 = vector.extract_strided_slice %get3A_10 {offsets = [896, 5], sizes = [128, 1], strides = [1, 1]} : vector<1024x6xi32> to vector<128x1xi32>
    %eq3A_894 = vector.broadcast %slice3A_893 : vector<128x1xi32> to vector<128x128xi32>
    %eq3A_895 = arith.cmpi eq, %eq3A_894, %iota3A_836 : vector<128x128xi32>
    %convert_element_type3A_896 = arith.extui %eq3A_895 : vector<128x128xi1> to vector<128x128xi32>
    %convert_element_type3A_897 = arith.sitofp %convert_element_type3A_896 : vector<128x128xi32> to vector<128x128xf32>
    %slice3A_898 = vector.extract_strided_slice %get3A_4 {offsets = [896, 0], sizes = [128, 10], strides = [1, 1]} : vector<1024x10xf32> to vector<128x10xf32>
    %dot_general3A_899 = arith.constant dense<0.000000e+00> : vector<128x10xf32>
    %dot_general3A_900 = tpu.matmul %convert_element_type3A_897, %slice3A_898, %dot_general3A_899 {dimension_numbers = #tpu.dot_dimension_numbers<[1], [0], [0], [1], [0, 0, 1, 1], [], []>, precision = #tpu.contract_precision<fp32>, transpose_lhs_hint = false} : vector<128x128xf32>, vector<128x10xf32>, vector<128x10xf32> -> vector<128x10xf32>
    %concatenate3A_901 = tpu.concatenate %dot_general3A_844, %dot_general3A_852, %dot_general3A_860, %dot_general3A_868, %dot_general3A_876, %dot_general3A_884, %dot_general3A_892, %dot_general3A_900 in 0 : vector<128x10xf32>, vector<128x10xf32>, vector<128x10xf32>, vector<128x10xf32>, vector<128x10xf32>, vector<128x10xf32>, vector<128x10xf32>, vector<128x10xf32> -> vector<1024x10xf32>
    %dot_general3A_902 = arith.constant dense<0.000000e+00> : vector<1024x64xf32>
    %dot_general3A_903 = tpu.matmul %concatenate3A_835, %slice3A, %dot_general3A_902 {dimension_numbers = #tpu.dot_dimension_numbers<[1], [1], [0], [0], [0, 0, 1, 0], [], []>, precision = #tpu.contract_precision<fp32>, transpose_lhs_hint = false} : vector<1024x39xf32>, vector<64x39xf32>, vector<1024x64xf32> -> vector<1024x64xf32>
    %dot_general3A_904 = arith.constant dense<0.000000e+00> : vector<1024x64xf32>
    %dot_general3A_905 = tpu.matmul %concatenate3A_901, %slice3A_28, %dot_general3A_904 {dimension_numbers = #tpu.dot_dimension_numbers<[1], [1], [0], [0], [0, 0, 1, 0], [], []>, precision = #tpu.contract_precision<fp32>, transpose_lhs_hint = false} : vector<1024x10xf32>, vector<64x10xf32>, vector<1024x64xf32> -> vector<1024x64xf32>
    %add3A_906 = arith.addf %dot_general3A_903, %dot_general3A_905 : vector<1024x64xf32>
    %get3A_907 = arith.constant 0 : index
    %get3A_908 = arith.constant 0 : index
    %get3A_909 = vector.load %arg9[%get3A_907, %get3A_908] : memref<1x64xf32, #tpu.memory_space<vmem>>, vector<1x64xf32>
    %add3A_910 = vector.broadcast %get3A_909 : vector<1x64xf32> to vector<1024x64xf32>
    %add3A_911 = arith.addf %add3A_906, %add3A_910 : vector<1024x64xf32>
    %jit3A_912 = arith.constant 0.00999999977 : f32
    %ge3A_913 = arith.constant 0.000000e+00 : f32
    %ge3A_914 = vector.broadcast %ge3A_913 : f32 to vector<1024x64xf32>
    %ge3A_915 = arith.cmpf oge, %add3A_911, %ge3A_914 : vector<1024x64xf32>
    %mul3A_916 = vector.broadcast %jit3A_912 : f32 to vector<1024x64xf32>
    %mul3A_917 = arith.mulf %mul3A_916, %add3A_911 : vector<1024x64xf32>
    %select_n3A_918 = arith.select %ge3A_915, %add3A_911, %mul3A_917 : vector<1024x64xi1>, vector<1024x64xf32>
    %get3A_919 = arith.constant 0 : index
    %get3A_920 = arith.constant 0 : index
    %get3A_921 = arith.constant 0 : index
    %get3A_922 = vector.load %arg14[%get3A_919, %get3A_920, %get3A_921] : memref<2x1x128xf32, #tpu.memory_space<vmem>>, vector<1x1x128xf32>
    %get3A_923 = vector.shape_cast %get3A_922 : vector<1x1x128xf32> to vector<1x128xf32>
    %get3A_924 = arith.constant 0 : index
    %get3A_925 = arith.constant 0 : index
    %get3A_926 = arith.constant 0 : index
    %get3A_927 = vector.load %arg15[%get3A_924, %get3A_925, %get3A_926] : memref<2x1x1xf32, #tpu.memory_space<vmem>>, vector<1x1x1xf32>
    %get3A_928 = vector.shape_cast %get3A_927 : vector<1x1x1xf32> to vector<1x1xf32>
    %get3A_929 = arith.constant 0 : index
    %get3A_930 = arith.constant 0 : index
    %get3A_931 = arith.constant 0 : index
    %get3A_932 = vector.load %arg16[%get3A_929, %get3A_930, %get3A_931] : memref<2x64x64xf32, #tpu.memory_space<vmem>>, vector<1x64x64xf32>
    %get3A_933 = vector.shape_cast %get3A_932 : vector<1x64x64xf32> to vector<64x64xf32>
    %get3A_934 = arith.constant 0 : index
    %get3A_935 = arith.constant 0 : index
    %get3A_936 = arith.constant 0 : index
    %get3A_937 = vector.load %arg17[%get3A_934, %get3A_935, %get3A_936] : memref<2x1x64xf32, #tpu.memory_space<vmem>>, vector<1x1x64xf32>
    %get3A_938 = vector.shape_cast %get3A_937 : vector<1x1x64xf32> to vector<1x64xf32>
    %slice3A_939 = vector.extract_strided_slice %get3A_923 {offsets = [0, 0], sizes = [1, 64], strides = [1, 1]} : vector<1x128xf32> to vector<1x64xf32>
    %slice3A_940 = vector.extract_strided_slice %get3A_923 {offsets = [0, 64], sizes = [1, 64], strides = [1, 1]} : vector<1x128xf32> to vector<1x64xf32>
    %mul3A_941 = vector.broadcast %slice3A_939 : vector<1x64xf32> to vector<1024x64xf32>
    %mul3A_942 = arith.mulf %select_n3A, %mul3A_941 : vector<1024x64xf32>
    %reduce_sum3A = arith.constant dense<0.000000e+00> : vector<1024xf32>
    %reduce_sum3A_943 = vector.multi_reduction <add>, %mul3A_942, %reduce_sum3A [1] : vector<1024x64xf32> to vector<1024xf32>
    %broadcast_in_dim3A = vector.shape_cast %reduce_sum3A_943 : vector<1024xf32> to vector<1024x1xf32>
    %add3A_944 = vector.broadcast %get3A_928 : vector<1x1xf32> to vector<1024x1xf32>
    %add3A_945 = arith.addf %broadcast_in_dim3A, %add3A_944 : vector<1024x1xf32>
    %slice3A_946 = vector.extract_strided_slice %get3A_7 {offsets = [0, 0], sizes = [1024, 1], strides = [1, 1]} : vector<1024x6xi32> to vector<1024x1xi32>
    %eq3A_947 = arith.constant 127 : i32
    %eq3A_948 = vector.broadcast %eq3A_947 : i32 to vector<1024x1xi32>
    %eq3A_949 = arith.cmpi eq, %slice3A_946, %eq3A_948 : vector<1024x1xi32>
    %jit3A_950 = arith.constant -9.000000e+08 : f32
    %jit3A_951 = arith.constant 0.000000e+00 : f32
    %broadcast_in_dim3A_952 = vector.broadcast %jit3A_950 : f32 to vector<1024x1xf32>
    %broadcast_in_dim3A_953 = vector.broadcast %jit3A_951 : f32 to vector<1024x1xf32>
    %select_n3A_954 = arith.select %eq3A_949, %broadcast_in_dim3A_952, %broadcast_in_dim3A_953 : vector<1024x1xi1>, vector<1024x1xf32>
    %jit3A_955 = arith.constant 0.000000e+00 : f32
    %jit3A_956 = arith.constant 1.000000e+00 : f32
    %broadcast_in_dim3A_957 = vector.broadcast %jit3A_955 : f32 to vector<1024x1xf32>
    %broadcast_in_dim3A_958 = vector.broadcast %jit3A_956 : f32 to vector<1024x1xf32>
    %select_n3A_959 = arith.select %eq3A_949, %broadcast_in_dim3A_957, %broadcast_in_dim3A_958 : vector<1024x1xi1>, vector<1024x1xf32>
    %mul3A_960 = vector.broadcast %slice3A_940 : vector<1x64xf32> to vector<1024x64xf32>
    %mul3A_961 = arith.mulf %select_n3A_173, %mul3A_960 : vector<1024x64xf32>
    %reduce_sum3A_962 = arith.constant dense<0.000000e+00> : vector<1024xf32>
    %reduce_sum3A_963 = vector.multi_reduction <add>, %mul3A_961, %reduce_sum3A_962 [1] : vector<1024x64xf32> to vector<1024xf32>
    %broadcast_in_dim3A_964 = vector.shape_cast %reduce_sum3A_963 : vector<1024xf32> to vector<1024x1xf32>
    %add3A_965 = arith.addf %add3A_945, %broadcast_in_dim3A_964 : vector<1024x1xf32>
    %jit3A_966 = arith.constant 0.00999999977 : f32
    %ge3A_967 = arith.constant 0.000000e+00 : f32
    %ge3A_968 = vector.broadcast %ge3A_967 : f32 to vector<1024x1xf32>
    %ge3A_969 = arith.cmpf oge, %add3A_965, %ge3A_968 : vector<1024x1xf32>
    %mul3A_970 = vector.broadcast %jit3A_966 : f32 to vector<1024x1xf32>
    %mul3A_971 = arith.mulf %mul3A_970, %add3A_965 : vector<1024x1xf32>
    %select_n3A_972 = arith.select %ge3A_969, %add3A_965, %mul3A_971 : vector<1024x1xi1>, vector<1024x1xf32>
    %add3A_973 = arith.addf %select_n3A_972, %select_n3A_954 : vector<1024x1xf32>
    %slice3A_974 = vector.extract_strided_slice %get3A_7 {offsets = [0, 1], sizes = [1024, 1], strides = [1, 1]} : vector<1024x6xi32> to vector<1024x1xi32>
    %eq3A_975 = arith.constant 127 : i32
    %eq3A_976 = vector.broadcast %eq3A_975 : i32 to vector<1024x1xi32>
    %eq3A_977 = arith.cmpi eq, %slice3A_974, %eq3A_976 : vector<1024x1xi32>
    %jit3A_978 = arith.constant -9.000000e+08 : f32
    %jit3A_979 = arith.constant 0.000000e+00 : f32
    %broadcast_in_dim3A_980 = vector.broadcast %jit3A_978 : f32 to vector<1024x1xf32>
    %broadcast_in_dim3A_981 = vector.broadcast %jit3A_979 : f32 to vector<1024x1xf32>
    %select_n3A_982 = arith.select %eq3A_977, %broadcast_in_dim3A_980, %broadcast_in_dim3A_981 : vector<1024x1xi1>, vector<1024x1xf32>
    %jit3A_983 = arith.constant 0.000000e+00 : f32
    %jit3A_984 = arith.constant 1.000000e+00 : f32
    %broadcast_in_dim3A_985 = vector.broadcast %jit3A_983 : f32 to vector<1024x1xf32>
    %broadcast_in_dim3A_986 = vector.broadcast %jit3A_984 : f32 to vector<1024x1xf32>
    %select_n3A_987 = arith.select %eq3A_977, %broadcast_in_dim3A_985, %broadcast_in_dim3A_986 : vector<1024x1xi1>, vector<1024x1xf32>
    %mul3A_988 = vector.broadcast %slice3A_940 : vector<1x64xf32> to vector<1024x64xf32>
    %mul3A_989 = arith.mulf %select_n3A_322, %mul3A_988 : vector<1024x64xf32>
    %reduce_sum3A_990 = arith.constant dense<0.000000e+00> : vector<1024xf32>
    %reduce_sum3A_991 = vector.multi_reduction <add>, %mul3A_989, %reduce_sum3A_990 [1] : vector<1024x64xf32> to vector<1024xf32>
    %broadcast_in_dim3A_992 = vector.shape_cast %reduce_sum3A_991 : vector<1024xf32> to vector<1024x1xf32>
    %add3A_993 = arith.addf %add3A_945, %broadcast_in_dim3A_992 : vector<1024x1xf32>
    %jit3A_994 = arith.constant 0.00999999977 : f32
    %ge3A_995 = arith.constant 0.000000e+00 : f32
    %ge3A_996 = vector.broadcast %ge3A_995 : f32 to vector<1024x1xf32>
    %ge3A_997 = arith.cmpf oge, %add3A_993, %ge3A_996 : vector<1024x1xf32>
    %mul3A_998 = vector.broadcast %jit3A_994 : f32 to vector<1024x1xf32>
    %mul3A_999 = arith.mulf %mul3A_998, %add3A_993 : vector<1024x1xf32>
    %select_n3A_1000 = arith.select %ge3A_997, %add3A_993, %mul3A_999 : vector<1024x1xi1>, vector<1024x1xf32>
    %add3A_1001 = arith.addf %select_n3A_1000, %select_n3A_982 : vector<1024x1xf32>
    %slice3A_1002 = vector.extract_strided_slice %get3A_7 {offsets = [0, 2], sizes = [1024, 1], strides = [1, 1]} : vector<1024x6xi32> to vector<1024x1xi32>
    %eq3A_1003 = arith.constant 127 : i32
    %eq3A_1004 = vector.broadcast %eq3A_1003 : i32 to vector<1024x1xi32>
    %eq3A_1005 = arith.cmpi eq, %slice3A_1002, %eq3A_1004 : vector<1024x1xi32>
    %jit3A_1006 = arith.constant -9.000000e+08 : f32
    %jit3A_1007 = arith.constant 0.000000e+00 : f32
    %broadcast_in_dim3A_1008 = vector.broadcast %jit3A_1006 : f32 to vector<1024x1xf32>
    %broadcast_in_dim3A_1009 = vector.broadcast %jit3A_1007 : f32 to vector<1024x1xf32>
    %select_n3A_1010 = arith.select %eq3A_1005, %broadcast_in_dim3A_1008, %broadcast_in_dim3A_1009 : vector<1024x1xi1>, vector<1024x1xf32>
    %jit3A_1011 = arith.constant 0.000000e+00 : f32
    %jit3A_1012 = arith.constant 1.000000e+00 : f32
    %broadcast_in_dim3A_1013 = vector.broadcast %jit3A_1011 : f32 to vector<1024x1xf32>
    %broadcast_in_dim3A_1014 = vector.broadcast %jit3A_1012 : f32 to vector<1024x1xf32>
    %select_n3A_1015 = arith.select %eq3A_1005, %broadcast_in_dim3A_1013, %broadcast_in_dim3A_1014 : vector<1024x1xi1>, vector<1024x1xf32>
    %mul3A_1016 = vector.broadcast %slice3A_940 : vector<1x64xf32> to vector<1024x64xf32>
    %mul3A_1017 = arith.mulf %select_n3A_471, %mul3A_1016 : vector<1024x64xf32>
    %reduce_sum3A_1018 = arith.constant dense<0.000000e+00> : vector<1024xf32>
    %reduce_sum3A_1019 = vector.multi_reduction <add>, %mul3A_1017, %reduce_sum3A_1018 [1] : vector<1024x64xf32> to vector<1024xf32>
    %broadcast_in_dim3A_1020 = vector.shape_cast %reduce_sum3A_1019 : vector<1024xf32> to vector<1024x1xf32>
    %add3A_1021 = arith.addf %add3A_945, %broadcast_in_dim3A_1020 : vector<1024x1xf32>
    %jit3A_1022 = arith.constant 0.00999999977 : f32
    %ge3A_1023 = arith.constant 0.000000e+00 : f32
    %ge3A_1024 = vector.broadcast %ge3A_1023 : f32 to vector<1024x1xf32>
    %ge3A_1025 = arith.cmpf oge, %add3A_1021, %ge3A_1024 : vector<1024x1xf32>
    %mul3A_1026 = vector.broadcast %jit3A_1022 : f32 to vector<1024x1xf32>
    %mul3A_1027 = arith.mulf %mul3A_1026, %add3A_1021 : vector<1024x1xf32>
    %select_n3A_1028 = arith.select %ge3A_1025, %add3A_1021, %mul3A_1027 : vector<1024x1xi1>, vector<1024x1xf32>
    %add3A_1029 = arith.addf %select_n3A_1028, %select_n3A_1010 : vector<1024x1xf32>
    %slice3A_1030 = vector.extract_strided_slice %get3A_7 {offsets = [0, 3], sizes = [1024, 1], strides = [1, 1]} : vector<1024x6xi32> to vector<1024x1xi32>
    %eq3A_1031 = arith.constant 127 : i32
    %eq3A_1032 = vector.broadcast %eq3A_1031 : i32 to vector<1024x1xi32>
    %eq3A_1033 = arith.cmpi eq, %slice3A_1030, %eq3A_1032 : vector<1024x1xi32>
    %jit3A_1034 = arith.constant -9.000000e+08 : f32
    %jit3A_1035 = arith.constant 0.000000e+00 : f32
    %broadcast_in_dim3A_1036 = vector.broadcast %jit3A_1034 : f32 to vector<1024x1xf32>
    %broadcast_in_dim3A_1037 = vector.broadcast %jit3A_1035 : f32 to vector<1024x1xf32>
    %select_n3A_1038 = arith.select %eq3A_1033, %broadcast_in_dim3A_1036, %broadcast_in_dim3A_1037 : vector<1024x1xi1>, vector<1024x1xf32>
    %jit3A_1039 = arith.constant 0.000000e+00 : f32
    %jit3A_1040 = arith.constant 1.000000e+00 : f32
    %broadcast_in_dim3A_1041 = vector.broadcast %jit3A_1039 : f32 to vector<1024x1xf32>
    %broadcast_in_dim3A_1042 = vector.broadcast %jit3A_1040 : f32 to vector<1024x1xf32>
    %select_n3A_1043 = arith.select %eq3A_1033, %broadcast_in_dim3A_1041, %broadcast_in_dim3A_1042 : vector<1024x1xi1>, vector<1024x1xf32>
    %mul3A_1044 = vector.broadcast %slice3A_940 : vector<1x64xf32> to vector<1024x64xf32>
    %mul3A_1045 = arith.mulf %select_n3A_620, %mul3A_1044 : vector<1024x64xf32>
    %reduce_sum3A_1046 = arith.constant dense<0.000000e+00> : vector<1024xf32>
    %reduce_sum3A_1047 = vector.multi_reduction <add>, %mul3A_1045, %reduce_sum3A_1046 [1] : vector<1024x64xf32> to vector<1024xf32>
    %broadcast_in_dim3A_1048 = vector.shape_cast %reduce_sum3A_1047 : vector<1024xf32> to vector<1024x1xf32>
    %add3A_1049 = arith.addf %add3A_945, %broadcast_in_dim3A_1048 : vector<1024x1xf32>
    %jit3A_1050 = arith.constant 0.00999999977 : f32
    %ge3A_1051 = arith.constant 0.000000e+00 : f32
    %ge3A_1052 = vector.broadcast %ge3A_1051 : f32 to vector<1024x1xf32>
    %ge3A_1053 = arith.cmpf oge, %add3A_1049, %ge3A_1052 : vector<1024x1xf32>
    %mul3A_1054 = vector.broadcast %jit3A_1050 : f32 to vector<1024x1xf32>
    %mul3A_1055 = arith.mulf %mul3A_1054, %add3A_1049 : vector<1024x1xf32>
    %select_n3A_1056 = arith.select %ge3A_1053, %add3A_1049, %mul3A_1055 : vector<1024x1xi1>, vector<1024x1xf32>
    %add3A_1057 = arith.addf %select_n3A_1056, %select_n3A_1038 : vector<1024x1xf32>
    %slice3A_1058 = vector.extract_strided_slice %get3A_7 {offsets = [0, 4], sizes = [1024, 1], strides = [1, 1]} : vector<1024x6xi32> to vector<1024x1xi32>
    %eq3A_1059 = arith.constant 127 : i32
    %eq3A_1060 = vector.broadcast %eq3A_1059 : i32 to vector<1024x1xi32>
    %eq3A_1061 = arith.cmpi eq, %slice3A_1058, %eq3A_1060 : vector<1024x1xi32>
    %jit3A_1062 = arith.constant -9.000000e+08 : f32
    %jit3A_1063 = arith.constant 0.000000e+00 : f32
    %broadcast_in_dim3A_1064 = vector.broadcast %jit3A_1062 : f32 to vector<1024x1xf32>
    %broadcast_in_dim3A_1065 = vector.broadcast %jit3A_1063 : f32 to vector<1024x1xf32>
    %select_n3A_1066 = arith.select %eq3A_1061, %broadcast_in_dim3A_1064, %broadcast_in_dim3A_1065 : vector<1024x1xi1>, vector<1024x1xf32>
    %jit3A_1067 = arith.constant 0.000000e+00 : f32
    %jit3A_1068 = arith.constant 1.000000e+00 : f32
    %broadcast_in_dim3A_1069 = vector.broadcast %jit3A_1067 : f32 to vector<1024x1xf32>
    %broadcast_in_dim3A_1070 = vector.broadcast %jit3A_1068 : f32 to vector<1024x1xf32>
    %select_n3A_1071 = arith.select %eq3A_1061, %broadcast_in_dim3A_1069, %broadcast_in_dim3A_1070 : vector<1024x1xi1>, vector<1024x1xf32>
    %mul3A_1072 = vector.broadcast %slice3A_940 : vector<1x64xf32> to vector<1024x64xf32>
    %mul3A_1073 = arith.mulf %select_n3A_769, %mul3A_1072 : vector<1024x64xf32>
    %reduce_sum3A_1074 = arith.constant dense<0.000000e+00> : vector<1024xf32>
    %reduce_sum3A_1075 = vector.multi_reduction <add>, %mul3A_1073, %reduce_sum3A_1074 [1] : vector<1024x64xf32> to vector<1024xf32>
    %broadcast_in_dim3A_1076 = vector.shape_cast %reduce_sum3A_1075 : vector<1024xf32> to vector<1024x1xf32>
    %add3A_1077 = arith.addf %add3A_945, %broadcast_in_dim3A_1076 : vector<1024x1xf32>
    %jit3A_1078 = arith.constant 0.00999999977 : f32
    %ge3A_1079 = arith.constant 0.000000e+00 : f32
    %ge3A_1080 = vector.broadcast %ge3A_1079 : f32 to vector<1024x1xf32>
    %ge3A_1081 = arith.cmpf oge, %add3A_1077, %ge3A_1080 : vector<1024x1xf32>
    %mul3A_1082 = vector.broadcast %jit3A_1078 : f32 to vector<1024x1xf32>
    %mul3A_1083 = arith.mulf %mul3A_1082, %add3A_1077 : vector<1024x1xf32>
    %select_n3A_1084 = arith.select %ge3A_1081, %add3A_1077, %mul3A_1083 : vector<1024x1xi1>, vector<1024x1xf32>
    %add3A_1085 = arith.addf %select_n3A_1084, %select_n3A_1066 : vector<1024x1xf32>
    %slice3A_1086 = vector.extract_strided_slice %get3A_7 {offsets = [0, 5], sizes = [1024, 1], strides = [1, 1]} : vector<1024x6xi32> to vector<1024x1xi32>
    %eq3A_1087 = arith.constant 127 : i32
    %eq3A_1088 = vector.broadcast %eq3A_1087 : i32 to vector<1024x1xi32>
    %eq3A_1089 = arith.cmpi eq, %slice3A_1086, %eq3A_1088 : vector<1024x1xi32>
    %jit3A_1090 = arith.constant -9.000000e+08 : f32
    %jit3A_1091 = arith.constant 0.000000e+00 : f32
    %broadcast_in_dim3A_1092 = vector.broadcast %jit3A_1090 : f32 to vector<1024x1xf32>
    %broadcast_in_dim3A_1093 = vector.broadcast %jit3A_1091 : f32 to vector<1024x1xf32>
    %select_n3A_1094 = arith.select %eq3A_1089, %broadcast_in_dim3A_1092, %broadcast_in_dim3A_1093 : vector<1024x1xi1>, vector<1024x1xf32>
    %jit3A_1095 = arith.constant 0.000000e+00 : f32
    %jit3A_1096 = arith.constant 1.000000e+00 : f32
    %broadcast_in_dim3A_1097 = vector.broadcast %jit3A_1095 : f32 to vector<1024x1xf32>
    %broadcast_in_dim3A_1098 = vector.broadcast %jit3A_1096 : f32 to vector<1024x1xf32>
    %select_n3A_1099 = arith.select %eq3A_1089, %broadcast_in_dim3A_1097, %broadcast_in_dim3A_1098 : vector<1024x1xi1>, vector<1024x1xf32>
    %mul3A_1100 = vector.broadcast %slice3A_940 : vector<1x64xf32> to vector<1024x64xf32>
    %mul3A_1101 = arith.mulf %select_n3A_918, %mul3A_1100 : vector<1024x64xf32>
    %reduce_sum3A_1102 = arith.constant dense<0.000000e+00> : vector<1024xf32>
    %reduce_sum3A_1103 = vector.multi_reduction <add>, %mul3A_1101, %reduce_sum3A_1102 [1] : vector<1024x64xf32> to vector<1024xf32>
    %broadcast_in_dim3A_1104 = vector.shape_cast %reduce_sum3A_1103 : vector<1024xf32> to vector<1024x1xf32>
    %add3A_1105 = arith.addf %add3A_945, %broadcast_in_dim3A_1104 : vector<1024x1xf32>
    %jit3A_1106 = arith.constant 0.00999999977 : f32
    %ge3A_1107 = arith.constant 0.000000e+00 : f32
    %ge3A_1108 = vector.broadcast %ge3A_1107 : f32 to vector<1024x1xf32>
    %ge3A_1109 = arith.cmpf oge, %add3A_1105, %ge3A_1108 : vector<1024x1xf32>
    %mul3A_1110 = vector.broadcast %jit3A_1106 : f32 to vector<1024x1xf32>
    %mul3A_1111 = arith.mulf %mul3A_1110, %add3A_1105 : vector<1024x1xf32>
    %select_n3A_1112 = arith.select %ge3A_1109, %add3A_1105, %mul3A_1111 : vector<1024x1xi1>, vector<1024x1xf32>
    %add3A_1113 = arith.addf %select_n3A_1112, %select_n3A_1094 : vector<1024x1xf32>
    %max3A = arith.maximumf %add3A_973, %add3A_1001 : vector<1024x1xf32>
    %max3A_1114 = arith.maximumf %max3A, %add3A_1029 : vector<1024x1xf32>
    %max3A_1115 = arith.maximumf %max3A_1114, %add3A_1057 : vector<1024x1xf32>
    %max3A_1116 = arith.maximumf %max3A_1115, %add3A_1085 : vector<1024x1xf32>
    %max3A_1117 = arith.maximumf %max3A_1116, %add3A_1113 : vector<1024x1xf32>
    %sub3A = arith.subf %add3A_973, %max3A_1117 : vector<1024x1xf32>
    %exp3A = math.exp %sub3A : vector<1024x1xf32>
    %sub3A_1118 = arith.subf %add3A_1001, %max3A_1117 : vector<1024x1xf32>
    %exp3A_1119 = math.exp %sub3A_1118 : vector<1024x1xf32>
    %sub3A_1120 = arith.subf %add3A_1029, %max3A_1117 : vector<1024x1xf32>
    %exp3A_1121 = math.exp %sub3A_1120 : vector<1024x1xf32>
    %sub3A_1122 = arith.subf %add3A_1057, %max3A_1117 : vector<1024x1xf32>
    %exp3A_1123 = math.exp %sub3A_1122 : vector<1024x1xf32>
    %sub3A_1124 = arith.subf %add3A_1085, %max3A_1117 : vector<1024x1xf32>
    %exp3A_1125 = math.exp %sub3A_1124 : vector<1024x1xf32>
    %sub3A_1126 = arith.subf %add3A_1113, %max3A_1117 : vector<1024x1xf32>
    %exp3A_1127 = math.exp %sub3A_1126 : vector<1024x1xf32>
    %add3A_1128 = arith.addf %exp3A, %exp3A_1119 : vector<1024x1xf32>
    %add3A_1129 = arith.addf %add3A_1128, %exp3A_1121 : vector<1024x1xf32>
    %add3A_1130 = arith.addf %add3A_1129, %exp3A_1123 : vector<1024x1xf32>
    %add3A_1131 = arith.addf %add3A_1130, %exp3A_1125 : vector<1024x1xf32>
    %add3A_1132 = arith.addf %add3A_1131, %exp3A_1127 : vector<1024x1xf32>
    %broadcast_in_dim3A_1133 = arith.constant 0.000000e+00 : f32
    %broadcast_in_dim3A_1134 = vector.broadcast %broadcast_in_dim3A_1133 : f32 to vector<1024x64xf32>
    %div3A = arith.divf %exp3A, %add3A_1132 : vector<1024x1xf32>
    %mul3A_1135 = arith.mulf %div3A, %select_n3A_959 : vector<1024x1xf32>
    %dot_general3A_1136 = arith.constant dense<0.000000e+00> : vector<1024x64xf32>
    %dot_general3A_1137 = tpu.matmul %select_n3A_173, %get3A_933, %dot_general3A_1136 {dimension_numbers = #tpu.dot_dimension_numbers<[1], [1], [0], [0], [0, 0, 1, 0], [], []>, precision = #tpu.contract_precision<fp32>, transpose_lhs_hint = false} : vector<1024x64xf32>, vector<64x64xf32>, vector<1024x64xf32> -> vector<1024x64xf32>
    %add3A_1138 = vector.broadcast %get3A_938 : vector<1x64xf32> to vector<1024x64xf32>
    %add3A_1139 = arith.addf %dot_general3A_1137, %add3A_1138 : vector<1024x64xf32>
    %mul3A_1140 = vector.broadcast %mul3A_1135 : vector<1024x1xf32> to vector<1024x64xf32>
    %mul3A_1141 = arith.mulf %mul3A_1140, %add3A_1139 : vector<1024x64xf32>
    %add3A_1142 = arith.addf %broadcast_in_dim3A_1134, %mul3A_1141 : vector<1024x64xf32>
    %div3A_1143 = arith.divf %exp3A_1119, %add3A_1132 : vector<1024x1xf32>
    %mul3A_1144 = arith.mulf %div3A_1143, %select_n3A_987 : vector<1024x1xf32>
    %dot_general3A_1145 = arith.constant dense<0.000000e+00> : vector<1024x64xf32>
    %dot_general3A_1146 = tpu.matmul %select_n3A_322, %get3A_933, %dot_general3A_1145 {dimension_numbers = #tpu.dot_dimension_numbers<[1], [1], [0], [0], [0, 0, 1, 0], [], []>, precision = #tpu.contract_precision<fp32>, transpose_lhs_hint = false} : vector<1024x64xf32>, vector<64x64xf32>, vector<1024x64xf32> -> vector<1024x64xf32>
    %add3A_1147 = vector.broadcast %get3A_938 : vector<1x64xf32> to vector<1024x64xf32>
    %add3A_1148 = arith.addf %dot_general3A_1146, %add3A_1147 : vector<1024x64xf32>
    %mul3A_1149 = vector.broadcast %mul3A_1144 : vector<1024x1xf32> to vector<1024x64xf32>
    %mul3A_1150 = arith.mulf %mul3A_1149, %add3A_1148 : vector<1024x64xf32>
    %add3A_1151 = arith.addf %add3A_1142, %mul3A_1150 : vector<1024x64xf32>
    %div3A_1152 = arith.divf %exp3A_1121, %add3A_1132 : vector<1024x1xf32>
    %mul3A_1153 = arith.mulf %div3A_1152, %select_n3A_1015 : vector<1024x1xf32>
    %dot_general3A_1154 = arith.constant dense<0.000000e+00> : vector<1024x64xf32>
    %dot_general3A_1155 = tpu.matmul %select_n3A_471, %get3A_933, %dot_general3A_1154 {dimension_numbers = #tpu.dot_dimension_numbers<[1], [1], [0], [0], [0, 0, 1, 0], [], []>, precision = #tpu.contract_precision<fp32>, transpose_lhs_hint = false} : vector<1024x64xf32>, vector<64x64xf32>, vector<1024x64xf32> -> vector<1024x64xf32>
    %add3A_1156 = vector.broadcast %get3A_938 : vector<1x64xf32> to vector<1024x64xf32>
    %add3A_1157 = arith.addf %dot_general3A_1155, %add3A_1156 : vector<1024x64xf32>
    %mul3A_1158 = vector.broadcast %mul3A_1153 : vector<1024x1xf32> to vector<1024x64xf32>
    %mul3A_1159 = arith.mulf %mul3A_1158, %add3A_1157 : vector<1024x64xf32>
    %add3A_1160 = arith.addf %add3A_1151, %mul3A_1159 : vector<1024x64xf32>
    %div3A_1161 = arith.divf %exp3A_1123, %add3A_1132 : vector<1024x1xf32>
    %mul3A_1162 = arith.mulf %div3A_1161, %select_n3A_1043 : vector<1024x1xf32>
    %dot_general3A_1163 = arith.constant dense<0.000000e+00> : vector<1024x64xf32>
    %dot_general3A_1164 = tpu.matmul %select_n3A_620, %get3A_933, %dot_general3A_1163 {dimension_numbers = #tpu.dot_dimension_numbers<[1], [1], [0], [0], [0, 0, 1, 0], [], []>, precision = #tpu.contract_precision<fp32>, transpose_lhs_hint = false} : vector<1024x64xf32>, vector<64x64xf32>, vector<1024x64xf32> -> vector<1024x64xf32>
    %add3A_1165 = vector.broadcast %get3A_938 : vector<1x64xf32> to vector<1024x64xf32>
    %add3A_1166 = arith.addf %dot_general3A_1164, %add3A_1165 : vector<1024x64xf32>
    %mul3A_1167 = vector.broadcast %mul3A_1162 : vector<1024x1xf32> to vector<1024x64xf32>
    %mul3A_1168 = arith.mulf %mul3A_1167, %add3A_1166 : vector<1024x64xf32>
    %add3A_1169 = arith.addf %add3A_1160, %mul3A_1168 : vector<1024x64xf32>
    %div3A_1170 = arith.divf %exp3A_1125, %add3A_1132 : vector<1024x1xf32>
    %mul3A_1171 = arith.mulf %div3A_1170, %select_n3A_1071 : vector<1024x1xf32>
    %dot_general3A_1172 = arith.constant dense<0.000000e+00> : vector<1024x64xf32>
    %dot_general3A_1173 = tpu.matmul %select_n3A_769, %get3A_933, %dot_general3A_1172 {dimension_numbers = #tpu.dot_dimension_numbers<[1], [1], [0], [0], [0, 0, 1, 0], [], []>, precision = #tpu.contract_precision<fp32>, transpose_lhs_hint = false} : vector<1024x64xf32>, vector<64x64xf32>, vector<1024x64xf32> -> vector<1024x64xf32>
    %add3A_1174 = vector.broadcast %get3A_938 : vector<1x64xf32> to vector<1024x64xf32>
    %add3A_1175 = arith.addf %dot_general3A_1173, %add3A_1174 : vector<1024x64xf32>
    %mul3A_1176 = vector.broadcast %mul3A_1171 : vector<1024x1xf32> to vector<1024x64xf32>
    %mul3A_1177 = arith.mulf %mul3A_1176, %add3A_1175 : vector<1024x64xf32>
    %add3A_1178 = arith.addf %add3A_1169, %mul3A_1177 : vector<1024x64xf32>
    %div3A_1179 = arith.divf %exp3A_1127, %add3A_1132 : vector<1024x1xf32>
    %mul3A_1180 = arith.mulf %div3A_1179, %select_n3A_1099 : vector<1024x1xf32>
    %dot_general3A_1181 = arith.constant dense<0.000000e+00> : vector<1024x64xf32>
    %dot_general3A_1182 = tpu.matmul %select_n3A_918, %get3A_933, %dot_general3A_1181 {dimension_numbers = #tpu.dot_dimension_numbers<[1], [1], [0], [0], [0, 0, 1, 0], [], []>, precision = #tpu.contract_precision<fp32>, transpose_lhs_hint = false} : vector<1024x64xf32>, vector<64x64xf32>, vector<1024x64xf32> -> vector<1024x64xf32>
    %add3A_1183 = vector.broadcast %get3A_938 : vector<1x64xf32> to vector<1024x64xf32>
    %add3A_1184 = arith.addf %dot_general3A_1182, %add3A_1183 : vector<1024x64xf32>
    %mul3A_1185 = vector.broadcast %mul3A_1180 : vector<1024x1xf32> to vector<1024x64xf32>
    %mul3A_1186 = arith.mulf %mul3A_1185, %add3A_1184 : vector<1024x64xf32>
    %add3A_1187 = arith.addf %add3A_1178, %mul3A_1186 : vector<1024x64xf32>
    %gt3A = arith.constant 0.000000e+00 : f32
    %gt3A_1188 = vector.broadcast %gt3A : f32 to vector<1024x64xf32>
    %gt3A_1189 = arith.cmpf ogt, %add3A_1187, %gt3A_1188 : vector<1024x64xf32>
    %min3A = arith.constant 0.000000e+00 : f32
    %min3A_1190 = vector.broadcast %min3A : f32 to vector<1024x64xf32>
    %min3A_1191 = arith.minimumf %add3A_1187, %min3A_1190 : vector<1024x64xf32>
    %exp3A_1192 = math.exp %min3A_1191 : vector<1024x64xf32>
    %sub3A_1193 = arith.constant 1.000000e+00 : f32
    %sub3A_1194 = vector.broadcast %sub3A_1193 : f32 to vector<1024x64xf32>
    %sub3A_1195 = arith.subf %exp3A_1192, %sub3A_1194 : vector<1024x64xf32>
    %select_n3A_1196 = arith.select %gt3A_1189, %add3A_1187, %sub3A_1195 : vector<1024x64xi1>, vector<1024x64xf32>
    %get3A_1197 = arith.constant 0 : index
    %get3A_1198 = arith.constant 0 : index
    %get3A_1199 = arith.constant 0 : index
    %get3A_1200 = vector.load %arg10[%get3A_1197, %get3A_1198, %get3A_1199] : memref<2x192x64xf32, #tpu.memory_space<vmem>>, vector<1x192x64xf32>
    %get3A_1201 = vector.shape_cast %get3A_1200 : vector<1x192x64xf32> to vector<192x64xf32>
    %get3A_1202 = arith.constant 0 : index
    %get3A_1203 = arith.constant 0 : index
    %get3A_1204 = arith.constant 0 : index
    %get3A_1205 = vector.load %arg12[%get3A_1202, %get3A_1203, %get3A_1204] : memref<2x192x64xf32, #tpu.memory_space<vmem>>, vector<1x192x64xf32>
    %get3A_1206 = vector.shape_cast %get3A_1205 : vector<1x192x64xf32> to vector<192x64xf32>
    %get3A_1207 = arith.constant 0 : index
    %get3A_1208 = arith.constant 0 : index
    %get3A_1209 = arith.constant 0 : index
    %get3A_1210 = vector.load %arg11[%get3A_1207, %get3A_1208, %get3A_1209] : memref<2x1x192xf32, #tpu.memory_space<vmem>>, vector<1x1x192xf32>
    %get3A_1211 = vector.shape_cast %get3A_1210 : vector<1x1x192xf32> to vector<1x192xf32>
    %get3A_1212 = arith.constant 0 : index
    %get3A_1213 = arith.constant 0 : index
    %get3A_1214 = arith.constant 0 : index
    %get3A_1215 = vector.load %arg13[%get3A_1212, %get3A_1213, %get3A_1214] : memref<2x1x192xf32, #tpu.memory_space<vmem>>, vector<1x1x192xf32>
    %get3A_1216 = vector.shape_cast %get3A_1215 : vector<1x1x192xf32> to vector<1x192xf32>
    %transpose3A = tpu.transpose %get3A_1201, [1, 0] : vector<192x64xf32> -> vector<64x192xf32>
    %dot_general3A_1217 = arith.constant dense<0.000000e+00> : vector<1024x192xf32>
    %dot_general3A_1218 = tpu.matmul %select_n3A_1196, %transpose3A, %dot_general3A_1217 {dimension_numbers = #tpu.dot_dimension_numbers<[1], [0], [0], [1], [0, 0, 1, 1], [], []>, transpose_lhs_hint = false} : vector<1024x64xf32>, vector<64x192xf32>, vector<1024x192xf32> -> vector<1024x192xf32>
    %add3A_1219 = vector.broadcast %get3A_1211 : vector<1x192xf32> to vector<1024x192xf32>
    %add3A_1220 = arith.addf %dot_general3A_1218, %add3A_1219 : vector<1024x192xf32>
    %transpose3A_1221 = tpu.transpose %get3A_1206, [1, 0] : vector<192x64xf32> -> vector<64x192xf32>
    %dot_general3A_1222 = arith.constant dense<0.000000e+00> : vector<1024x192xf32>
    %dot_general3A_1223 = tpu.matmul %select_n3A, %transpose3A_1221, %dot_general3A_1222 {dimension_numbers = #tpu.dot_dimension_numbers<[1], [0], [0], [1], [0, 0, 1, 1], [], []>, transpose_lhs_hint = false} : vector<1024x64xf32>, vector<64x192xf32>, vector<1024x192xf32> -> vector<1024x192xf32>
    %add3A_1224 = vector.broadcast %get3A_1216 : vector<1x192xf32> to vector<1024x192xf32>
    %add3A_1225 = arith.addf %dot_general3A_1223, %add3A_1224 : vector<1024x192xf32>
    %split3A = vector.extract_strided_slice %add3A_1220 {offsets = [0, 0], sizes = [1024, 64], strides = [1, 1]} : vector<1024x192xf32> to vector<1024x64xf32>
    %split3A_1226 = vector.extract_strided_slice %add3A_1220 {offsets = [0, 64], sizes = [1024, 64], strides = [1, 1]} : vector<1024x192xf32> to vector<1024x64xf32>
    %split3A_1227 = vector.extract_strided_slice %add3A_1220 {offsets = [0, 128], sizes = [1024, 64], strides = [1, 1]} : vector<1024x192xf32> to vector<1024x64xf32>
    %split3A_1228 = vector.extract_strided_slice %add3A_1225 {offsets = [0, 0], sizes = [1024, 64], strides = [1, 1]} : vector<1024x192xf32> to vector<1024x64xf32>
    %split3A_1229 = vector.extract_strided_slice %add3A_1225 {offsets = [0, 64], sizes = [1024, 64], strides = [1, 1]} : vector<1024x192xf32> to vector<1024x64xf32>
    %split3A_1230 = vector.extract_strided_slice %add3A_1225 {offsets = [0, 128], sizes = [1024, 64], strides = [1, 1]} : vector<1024x192xf32> to vector<1024x64xf32>
    %add3A_1231 = arith.addf %split3A, %split3A_1228 : vector<1024x64xf32>
    %logistic3A = arith.negf %add3A_1231 : vector<1024x64xf32>
    %logistic3A_1232 = math.exp %logistic3A : vector<1024x64xf32>
    %logistic3A_1233 = arith.constant 1.000000e+00 : f32
    %logistic3A_1234 = vector.broadcast %logistic3A_1233 : f32 to vector<1024x64xf32>
    %logistic3A_1235 = arith.addf %logistic3A_1234, %logistic3A_1232 : vector<1024x64xf32>
    %logistic3A_1236 = arith.divf %logistic3A_1234, %logistic3A_1235 : vector<1024x64xf32>
    %add3A_1237 = arith.addf %split3A_1226, %split3A_1229 : vector<1024x64xf32>
    %logistic3A_1238 = arith.negf %add3A_1237 : vector<1024x64xf32>
    %logistic3A_1239 = math.exp %logistic3A_1238 : vector<1024x64xf32>
    %logistic3A_1240 = arith.constant 1.000000e+00 : f32
    %logistic3A_1241 = vector.broadcast %logistic3A_1240 : f32 to vector<1024x64xf32>
    %logistic3A_1242 = arith.addf %logistic3A_1241, %logistic3A_1239 : vector<1024x64xf32>
    %logistic3A_1243 = arith.divf %logistic3A_1241, %logistic3A_1242 : vector<1024x64xf32>
    %mul3A_1244 = arith.mulf %logistic3A_1236, %split3A_1230 : vector<1024x64xf32>
    %add3A_1245 = arith.addf %split3A_1227, %mul3A_1244 : vector<1024x64xf32>
    %tanh3A = math.tanh %add3A_1245 : vector<1024x64xf32>
    %sub3A_1246 = arith.constant 1.000000e+00 : f32
    %sub3A_1247 = vector.broadcast %sub3A_1246 : f32 to vector<1024x64xf32>
    %sub3A_1248 = arith.subf %sub3A_1247, %logistic3A_1243 : vector<1024x64xf32>
    %mul3A_1249 = arith.mulf %sub3A_1248, %tanh3A : vector<1024x64xf32>
    %mul3A_1250 = arith.mulf %logistic3A_1243, %select_n3A : vector<1024x64xf32>
    %add3A_1251 = arith.addf %mul3A_1249, %mul3A_1250 : vector<1024x64xf32>
    %max3A_1252 = arith.constant 0.000000e+00 : f32
    %max3A_1253 = vector.broadcast %max3A_1252 : f32 to vector<1024x64xf32>
    %max3A_1254 = arith.maximumf %add3A_1251, %max3A_1253 : vector<1024x64xf32>
    %iota3A_1255 = tpu.iota {dimensions = array<i32: 1>} : vector<128x128xi32>
    %slice3A_1256 = vector.extract_strided_slice %get3A_7 {offsets = [0, 0], sizes = [128, 1], strides = [1, 1]} : vector<1024x6xi32> to vector<128x1xi32>
    %eq3A_1257 = vector.broadcast %slice3A_1256 : vector<128x1xi32> to vector<128x128xi32>
    %eq3A_1258 = arith.cmpi eq, %eq3A_1257, %iota3A_1255 : vector<128x128xi32>
    %convert_element_type3A_1259 = arith.extui %eq3A_1258 : vector<128x128xi1> to vector<128x128xi32>
    %convert_element_type3A_1260 = arith.sitofp %convert_element_type3A_1259 : vector<128x128xi32> to vector<128x128xf32>
    %slice3A_1261 = vector.extract_strided_slice %max3A_1254 {offsets = [0, 0], sizes = [128, 64], strides = [1, 1]} : vector<1024x64xf32> to vector<128x64xf32>
    %dot_general3A_1262 = arith.constant dense<0.000000e+00> : vector<128x64xf32>
    %dot_general3A_1263 = tpu.matmul %convert_element_type3A_1260, %slice3A_1261, %dot_general3A_1262 {dimension_numbers = #tpu.dot_dimension_numbers<[1], [0], [0], [1], [0, 0, 1, 1], [], []>, precision = #tpu.contract_precision<fp32>, transpose_lhs_hint = false} : vector<128x128xf32>, vector<128x64xf32>, vector<128x64xf32> -> vector<128x64xf32>
    %slice3A_1264 = vector.extract_strided_slice %get3A_7 {offsets = [128, 0], sizes = [128, 1], strides = [1, 1]} : vector<1024x6xi32> to vector<128x1xi32>
    %eq3A_1265 = vector.broadcast %slice3A_1264 : vector<128x1xi32> to vector<128x128xi32>
    %eq3A_1266 = arith.cmpi eq, %eq3A_1265, %iota3A_1255 : vector<128x128xi32>
    %convert_element_type3A_1267 = arith.extui %eq3A_1266 : vector<128x128xi1> to vector<128x128xi32>
    %convert_element_type3A_1268 = arith.sitofp %convert_element_type3A_1267 : vector<128x128xi32> to vector<128x128xf32>
    %slice3A_1269 = vector.extract_strided_slice %max3A_1254 {offsets = [128, 0], sizes = [128, 64], strides = [1, 1]} : vector<1024x64xf32> to vector<128x64xf32>
    %dot_general3A_1270 = arith.constant dense<0.000000e+00> : vector<128x64xf32>
    %dot_general3A_1271 = tpu.matmul %convert_element_type3A_1268, %slice3A_1269, %dot_general3A_1270 {dimension_numbers = #tpu.dot_dimension_numbers<[1], [0], [0], [1], [0, 0, 1, 1], [], []>, precision = #tpu.contract_precision<fp32>, transpose_lhs_hint = false} : vector<128x128xf32>, vector<128x64xf32>, vector<128x64xf32> -> vector<128x64xf32>
    %slice3A_1272 = vector.extract_strided_slice %get3A_7 {offsets = [256, 0], sizes = [128, 1], strides = [1, 1]} : vector<1024x6xi32> to vector<128x1xi32>
    %eq3A_1273 = vector.broadcast %slice3A_1272 : vector<128x1xi32> to vector<128x128xi32>
    %eq3A_1274 = arith.cmpi eq, %eq3A_1273, %iota3A_1255 : vector<128x128xi32>
    %convert_element_type3A_1275 = arith.extui %eq3A_1274 : vector<128x128xi1> to vector<128x128xi32>
    %convert_element_type3A_1276 = arith.sitofp %convert_element_type3A_1275 : vector<128x128xi32> to vector<128x128xf32>
    %slice3A_1277 = vector.extract_strided_slice %max3A_1254 {offsets = [256, 0], sizes = [128, 64], strides = [1, 1]} : vector<1024x64xf32> to vector<128x64xf32>
    %dot_general3A_1278 = arith.constant dense<0.000000e+00> : vector<128x64xf32>
    %dot_general3A_1279 = tpu.matmul %convert_element_type3A_1276, %slice3A_1277, %dot_general3A_1278 {dimension_numbers = #tpu.dot_dimension_numbers<[1], [0], [0], [1], [0, 0, 1, 1], [], []>, precision = #tpu.contract_precision<fp32>, transpose_lhs_hint = false} : vector<128x128xf32>, vector<128x64xf32>, vector<128x64xf32> -> vector<128x64xf32>
    %slice3A_1280 = vector.extract_strided_slice %get3A_7 {offsets = [384, 0], sizes = [128, 1], strides = [1, 1]} : vector<1024x6xi32> to vector<128x1xi32>
    %eq3A_1281 = vector.broadcast %slice3A_1280 : vector<128x1xi32> to vector<128x128xi32>
    %eq3A_1282 = arith.cmpi eq, %eq3A_1281, %iota3A_1255 : vector<128x128xi32>
    %convert_element_type3A_1283 = arith.extui %eq3A_1282 : vector<128x128xi1> to vector<128x128xi32>
    %convert_element_type3A_1284 = arith.sitofp %convert_element_type3A_1283 : vector<128x128xi32> to vector<128x128xf32>
    %slice3A_1285 = vector.extract_strided_slice %max3A_1254 {offsets = [384, 0], sizes = [128, 64], strides = [1, 1]} : vector<1024x64xf32> to vector<128x64xf32>
    %dot_general3A_1286 = arith.constant dense<0.000000e+00> : vector<128x64xf32>
    %dot_general3A_1287 = tpu.matmul %convert_element_type3A_1284, %slice3A_1285, %dot_general3A_1286 {dimension_numbers = #tpu.dot_dimension_numbers<[1], [0], [0], [1], [0, 0, 1, 1], [], []>, precision = #tpu.contract_precision<fp32>, transpose_lhs_hint = false} : vector<128x128xf32>, vector<128x64xf32>, vector<128x64xf32> -> vector<128x64xf32>
    %slice3A_1288 = vector.extract_strided_slice %get3A_7 {offsets = [512, 0], sizes = [128, 1], strides = [1, 1]} : vector<1024x6xi32> to vector<128x1xi32>
    %eq3A_1289 = vector.broadcast %slice3A_1288 : vector<128x1xi32> to vector<128x128xi32>
    %eq3A_1290 = arith.cmpi eq, %eq3A_1289, %iota3A_1255 : vector<128x128xi32>
    %convert_element_type3A_1291 = arith.extui %eq3A_1290 : vector<128x128xi1> to vector<128x128xi32>
    %convert_element_type3A_1292 = arith.sitofp %convert_element_type3A_1291 : vector<128x128xi32> to vector<128x128xf32>
    %slice3A_1293 = vector.extract_strided_slice %max3A_1254 {offsets = [512, 0], sizes = [128, 64], strides = [1, 1]} : vector<1024x64xf32> to vector<128x64xf32>
    %dot_general3A_1294 = arith.constant dense<0.000000e+00> : vector<128x64xf32>
    %dot_general3A_1295 = tpu.matmul %convert_element_type3A_1292, %slice3A_1293, %dot_general3A_1294 {dimension_numbers = #tpu.dot_dimension_numbers<[1], [0], [0], [1], [0, 0, 1, 1], [], []>, precision = #tpu.contract_precision<fp32>, transpose_lhs_hint = false} : vector<128x128xf32>, vector<128x64xf32>, vector<128x64xf32> -> vector<128x64xf32>
    %slice3A_1296 = vector.extract_strided_slice %get3A_7 {offsets = [640, 0], sizes = [128, 1], strides = [1, 1]} : vector<1024x6xi32> to vector<128x1xi32>
    %eq3A_1297 = vector.broadcast %slice3A_1296 : vector<128x1xi32> to vector<128x128xi32>
    %eq3A_1298 = arith.cmpi eq, %eq3A_1297, %iota3A_1255 : vector<128x128xi32>
    %convert_element_type3A_1299 = arith.extui %eq3A_1298 : vector<128x128xi1> to vector<128x128xi32>
    %convert_element_type3A_1300 = arith.sitofp %convert_element_type3A_1299 : vector<128x128xi32> to vector<128x128xf32>
    %slice3A_1301 = vector.extract_strided_slice %max3A_1254 {offsets = [640, 0], sizes = [128, 64], strides = [1, 1]} : vector<1024x64xf32> to vector<128x64xf32>
    %dot_general3A_1302 = arith.constant dense<0.000000e+00> : vector<128x64xf32>
    %dot_general3A_1303 = tpu.matmul %convert_element_type3A_1300, %slice3A_1301, %dot_general3A_1302 {dimension_numbers = #tpu.dot_dimension_numbers<[1], [0], [0], [1], [0, 0, 1, 1], [], []>, precision = #tpu.contract_precision<fp32>, transpose_lhs_hint = false} : vector<128x128xf32>, vector<128x64xf32>, vector<128x64xf32> -> vector<128x64xf32>
    %slice3A_1304 = vector.extract_strided_slice %get3A_7 {offsets = [768, 0], sizes = [128, 1], strides = [1, 1]} : vector<1024x6xi32> to vector<128x1xi32>
    %eq3A_1305 = vector.broadcast %slice3A_1304 : vector<128x1xi32> to vector<128x128xi32>
    %eq3A_1306 = arith.cmpi eq, %eq3A_1305, %iota3A_1255 : vector<128x128xi32>
    %convert_element_type3A_1307 = arith.extui %eq3A_1306 : vector<128x128xi1> to vector<128x128xi32>
    %convert_element_type3A_1308 = arith.sitofp %convert_element_type3A_1307 : vector<128x128xi32> to vector<128x128xf32>
    %slice3A_1309 = vector.extract_strided_slice %max3A_1254 {offsets = [768, 0], sizes = [128, 64], strides = [1, 1]} : vector<1024x64xf32> to vector<128x64xf32>
    %dot_general3A_1310 = arith.constant dense<0.000000e+00> : vector<128x64xf32>
    %dot_general3A_1311 = tpu.matmul %convert_element_type3A_1308, %slice3A_1309, %dot_general3A_1310 {dimension_numbers = #tpu.dot_dimension_numbers<[1], [0], [0], [1], [0, 0, 1, 1], [], []>, precision = #tpu.contract_precision<fp32>, transpose_lhs_hint = false} : vector<128x128xf32>, vector<128x64xf32>, vector<128x64xf32> -> vector<128x64xf32>
    %slice3A_1312 = vector.extract_strided_slice %get3A_7 {offsets = [896, 0], sizes = [128, 1], strides = [1, 1]} : vector<1024x6xi32> to vector<128x1xi32>
    %eq3A_1313 = vector.broadcast %slice3A_1312 : vector<128x1xi32> to vector<128x128xi32>
    %eq3A_1314 = arith.cmpi eq, %eq3A_1313, %iota3A_1255 : vector<128x128xi32>
    %convert_element_type3A_1315 = arith.extui %eq3A_1314 : vector<128x128xi1> to vector<128x128xi32>
    %convert_element_type3A_1316 = arith.sitofp %convert_element_type3A_1315 : vector<128x128xi32> to vector<128x128xf32>
    %slice3A_1317 = vector.extract_strided_slice %max3A_1254 {offsets = [896, 0], sizes = [128, 64], strides = [1, 1]} : vector<1024x64xf32> to vector<128x64xf32>
    %dot_general3A_1318 = arith.constant dense<0.000000e+00> : vector<128x64xf32>
    %dot_general3A_1319 = tpu.matmul %convert_element_type3A_1316, %slice3A_1317, %dot_general3A_1318 {dimension_numbers = #tpu.dot_dimension_numbers<[1], [0], [0], [1], [0, 0, 1, 1], [], []>, precision = #tpu.contract_precision<fp32>, transpose_lhs_hint = false} : vector<128x128xf32>, vector<128x64xf32>, vector<128x64xf32> -> vector<128x64xf32>
    %concatenate3A_1320 = tpu.concatenate %dot_general3A_1263, %dot_general3A_1271, %dot_general3A_1279, %dot_general3A_1287, %dot_general3A_1295, %dot_general3A_1303, %dot_general3A_1311, %dot_general3A_1319 in 0 : vector<128x64xf32>, vector<128x64xf32>, vector<128x64xf32>, vector<128x64xf32>, vector<128x64xf32>, vector<128x64xf32>, vector<128x64xf32>, vector<128x64xf32> -> vector<1024x64xf32>
    %iota3A_1321 = tpu.iota {dimensions = array<i32: 1>} : vector<128x128xi32>
    %slice3A_1322 = vector.extract_strided_slice %get3A_7 {offsets = [0, 1], sizes = [128, 1], strides = [1, 1]} : vector<1024x6xi32> to vector<128x1xi32>
    %eq3A_1323 = vector.broadcast %slice3A_1322 : vector<128x1xi32> to vector<128x128xi32>
    %eq3A_1324 = arith.cmpi eq, %eq3A_1323, %iota3A_1321 : vector<128x128xi32>
    %convert_element_type3A_1325 = arith.extui %eq3A_1324 : vector<128x128xi1> to vector<128x128xi32>
    %convert_element_type3A_1326 = arith.sitofp %convert_element_type3A_1325 : vector<128x128xi32> to vector<128x128xf32>
    %slice3A_1327 = vector.extract_strided_slice %max3A_1254 {offsets = [0, 0], sizes = [128, 64], strides = [1, 1]} : vector<1024x64xf32> to vector<128x64xf32>
    %dot_general3A_1328 = arith.constant dense<0.000000e+00> : vector<128x64xf32>
    %dot_general3A_1329 = tpu.matmul %convert_element_type3A_1326, %slice3A_1327, %dot_general3A_1328 {dimension_numbers = #tpu.dot_dimension_numbers<[1], [0], [0], [1], [0, 0, 1, 1], [], []>, precision = #tpu.contract_precision<fp32>, transpose_lhs_hint = false} : vector<128x128xf32>, vector<128x64xf32>, vector<128x64xf32> -> vector<128x64xf32>
    %slice3A_1330 = vector.extract_strided_slice %get3A_7 {offsets = [128, 1], sizes = [128, 1], strides = [1, 1]} : vector<1024x6xi32> to vector<128x1xi32>
    %eq3A_1331 = vector.broadcast %slice3A_1330 : vector<128x1xi32> to vector<128x128xi32>
    %eq3A_1332 = arith.cmpi eq, %eq3A_1331, %iota3A_1321 : vector<128x128xi32>
    %convert_element_type3A_1333 = arith.extui %eq3A_1332 : vector<128x128xi1> to vector<128x128xi32>
    %convert_element_type3A_1334 = arith.sitofp %convert_element_type3A_1333 : vector<128x128xi32> to vector<128x128xf32>
    %slice3A_1335 = vector.extract_strided_slice %max3A_1254 {offsets = [128, 0], sizes = [128, 64], strides = [1, 1]} : vector<1024x64xf32> to vector<128x64xf32>
    %dot_general3A_1336 = arith.constant dense<0.000000e+00> : vector<128x64xf32>
    %dot_general3A_1337 = tpu.matmul %convert_element_type3A_1334, %slice3A_1335, %dot_general3A_1336 {dimension_numbers = #tpu.dot_dimension_numbers<[1], [0], [0], [1], [0, 0, 1, 1], [], []>, precision = #tpu.contract_precision<fp32>, transpose_lhs_hint = false} : vector<128x128xf32>, vector<128x64xf32>, vector<128x64xf32> -> vector<128x64xf32>
    %slice3A_1338 = vector.extract_strided_slice %get3A_7 {offsets = [256, 1], sizes = [128, 1], strides = [1, 1]} : vector<1024x6xi32> to vector<128x1xi32>
    %eq3A_1339 = vector.broadcast %slice3A_1338 : vector<128x1xi32> to vector<128x128xi32>
    %eq3A_1340 = arith.cmpi eq, %eq3A_1339, %iota3A_1321 : vector<128x128xi32>
    %convert_element_type3A_1341 = arith.extui %eq3A_1340 : vector<128x128xi1> to vector<128x128xi32>
    %convert_element_type3A_1342 = arith.sitofp %convert_element_type3A_1341 : vector<128x128xi32> to vector<128x128xf32>
    %slice3A_1343 = vector.extract_strided_slice %max3A_1254 {offsets = [256, 0], sizes = [128, 64], strides = [1, 1]} : vector<1024x64xf32> to vector<128x64xf32>
    %dot_general3A_1344 = arith.constant dense<0.000000e+00> : vector<128x64xf32>
    %dot_general3A_1345 = tpu.matmul %convert_element_type3A_1342, %slice3A_1343, %dot_general3A_1344 {dimension_numbers = #tpu.dot_dimension_numbers<[1], [0], [0], [1], [0, 0, 1, 1], [], []>, precision = #tpu.contract_precision<fp32>, transpose_lhs_hint = false} : vector<128x128xf32>, vector<128x64xf32>, vector<128x64xf32> -> vector<128x64xf32>
    %slice3A_1346 = vector.extract_strided_slice %get3A_7 {offsets = [384, 1], sizes = [128, 1], strides = [1, 1]} : vector<1024x6xi32> to vector<128x1xi32>
    %eq3A_1347 = vector.broadcast %slice3A_1346 : vector<128x1xi32> to vector<128x128xi32>
    %eq3A_1348 = arith.cmpi eq, %eq3A_1347, %iota3A_1321 : vector<128x128xi32>
    %convert_element_type3A_1349 = arith.extui %eq3A_1348 : vector<128x128xi1> to vector<128x128xi32>
    %convert_element_type3A_1350 = arith.sitofp %convert_element_type3A_1349 : vector<128x128xi32> to vector<128x128xf32>
    %slice3A_1351 = vector.extract_strided_slice %max3A_1254 {offsets = [384, 0], sizes = [128, 64], strides = [1, 1]} : vector<1024x64xf32> to vector<128x64xf32>
    %dot_general3A_1352 = arith.constant dense<0.000000e+00> : vector<128x64xf32>
    %dot_general3A_1353 = tpu.matmul %convert_element_type3A_1350, %slice3A_1351, %dot_general3A_1352 {dimension_numbers = #tpu.dot_dimension_numbers<[1], [0], [0], [1], [0, 0, 1, 1], [], []>, precision = #tpu.contract_precision<fp32>, transpose_lhs_hint = false} : vector<128x128xf32>, vector<128x64xf32>, vector<128x64xf32> -> vector<128x64xf32>
    %slice3A_1354 = vector.extract_strided_slice %get3A_7 {offsets = [512, 1], sizes = [128, 1], strides = [1, 1]} : vector<1024x6xi32> to vector<128x1xi32>
    %eq3A_1355 = vector.broadcast %slice3A_1354 : vector<128x1xi32> to vector<128x128xi32>
    %eq3A_1356 = arith.cmpi eq, %eq3A_1355, %iota3A_1321 : vector<128x128xi32>
    %convert_element_type3A_1357 = arith.extui %eq3A_1356 : vector<128x128xi1> to vector<128x128xi32>
    %convert_element_type3A_1358 = arith.sitofp %convert_element_type3A_1357 : vector<128x128xi32> to vector<128x128xf32>
    %slice3A_1359 = vector.extract_strided_slice %max3A_1254 {offsets = [512, 0], sizes = [128, 64], strides = [1, 1]} : vector<1024x64xf32> to vector<128x64xf32>
    %dot_general3A_1360 = arith.constant dense<0.000000e+00> : vector<128x64xf32>
    %dot_general3A_1361 = tpu.matmul %convert_element_type3A_1358, %slice3A_1359, %dot_general3A_1360 {dimension_numbers = #tpu.dot_dimension_numbers<[1], [0], [0], [1], [0, 0, 1, 1], [], []>, precision = #tpu.contract_precision<fp32>, transpose_lhs_hint = false} : vector<128x128xf32>, vector<128x64xf32>, vector<128x64xf32> -> vector<128x64xf32>
    %slice3A_1362 = vector.extract_strided_slice %get3A_7 {offsets = [640, 1], sizes = [128, 1], strides = [1, 1]} : vector<1024x6xi32> to vector<128x1xi32>
    %eq3A_1363 = vector.broadcast %slice3A_1362 : vector<128x1xi32> to vector<128x128xi32>
    %eq3A_1364 = arith.cmpi eq, %eq3A_1363, %iota3A_1321 : vector<128x128xi32>
    %convert_element_type3A_1365 = arith.extui %eq3A_1364 : vector<128x128xi1> to vector<128x128xi32>
    %convert_element_type3A_1366 = arith.sitofp %convert_element_type3A_1365 : vector<128x128xi32> to vector<128x128xf32>
    %slice3A_1367 = vector.extract_strided_slice %max3A_1254 {offsets = [640, 0], sizes = [128, 64], strides = [1, 1]} : vector<1024x64xf32> to vector<128x64xf32>
    %dot_general3A_1368 = arith.constant dense<0.000000e+00> : vector<128x64xf32>
    %dot_general3A_1369 = tpu.matmul %convert_element_type3A_1366, %slice3A_1367, %dot_general3A_1368 {dimension_numbers = #tpu.dot_dimension_numbers<[1], [0], [0], [1], [0, 0, 1, 1], [], []>, precision = #tpu.contract_precision<fp32>, transpose_lhs_hint = false} : vector<128x128xf32>, vector<128x64xf32>, vector<128x64xf32> -> vector<128x64xf32>
    %slice3A_1370 = vector.extract_strided_slice %get3A_7 {offsets = [768, 1], sizes = [128, 1], strides = [1, 1]} : vector<1024x6xi32> to vector<128x1xi32>
    %eq3A_1371 = vector.broadcast %slice3A_1370 : vector<128x1xi32> to vector<128x128xi32>
    %eq3A_1372 = arith.cmpi eq, %eq3A_1371, %iota3A_1321 : vector<128x128xi32>
    %convert_element_type3A_1373 = arith.extui %eq3A_1372 : vector<128x128xi1> to vector<128x128xi32>
    %convert_element_type3A_1374 = arith.sitofp %convert_element_type3A_1373 : vector<128x128xi32> to vector<128x128xf32>
    %slice3A_1375 = vector.extract_strided_slice %max3A_1254 {offsets = [768, 0], sizes = [128, 64], strides = [1, 1]} : vector<1024x64xf32> to vector<128x64xf32>
    %dot_general3A_1376 = arith.constant dense<0.000000e+00> : vector<128x64xf32>
    %dot_general3A_1377 = tpu.matmul %convert_element_type3A_1374, %slice3A_1375, %dot_general3A_1376 {dimension_numbers = #tpu.dot_dimension_numbers<[1], [0], [0], [1], [0, 0, 1, 1], [], []>, precision = #tpu.contract_precision<fp32>, transpose_lhs_hint = false} : vector<128x128xf32>, vector<128x64xf32>, vector<128x64xf32> -> vector<128x64xf32>
    %slice3A_1378 = vector.extract_strided_slice %get3A_7 {offsets = [896, 1], sizes = [128, 1], strides = [1, 1]} : vector<1024x6xi32> to vector<128x1xi32>
    %eq3A_1379 = vector.broadcast %slice3A_1378 : vector<128x1xi32> to vector<128x128xi32>
    %eq3A_1380 = arith.cmpi eq, %eq3A_1379, %iota3A_1321 : vector<128x128xi32>
    %convert_element_type3A_1381 = arith.extui %eq3A_1380 : vector<128x128xi1> to vector<128x128xi32>
    %convert_element_type3A_1382 = arith.sitofp %convert_element_type3A_1381 : vector<128x128xi32> to vector<128x128xf32>
    %slice3A_1383 = vector.extract_strided_slice %max3A_1254 {offsets = [896, 0], sizes = [128, 64], strides = [1, 1]} : vector<1024x64xf32> to vector<128x64xf32>
    %dot_general3A_1384 = arith.constant dense<0.000000e+00> : vector<128x64xf32>
    %dot_general3A_1385 = tpu.matmul %convert_element_type3A_1382, %slice3A_1383, %dot_general3A_1384 {dimension_numbers = #tpu.dot_dimension_numbers<[1], [0], [0], [1], [0, 0, 1, 1], [], []>, precision = #tpu.contract_precision<fp32>, transpose_lhs_hint = false} : vector<128x128xf32>, vector<128x64xf32>, vector<128x64xf32> -> vector<128x64xf32>
    %concatenate3A_1386 = tpu.concatenate %dot_general3A_1329, %dot_general3A_1337, %dot_general3A_1345, %dot_general3A_1353, %dot_general3A_1361, %dot_general3A_1369, %dot_general3A_1377, %dot_general3A_1385 in 0 : vector<128x64xf32>, vector<128x64xf32>, vector<128x64xf32>, vector<128x64xf32>, vector<128x64xf32>, vector<128x64xf32>, vector<128x64xf32>, vector<128x64xf32> -> vector<1024x64xf32>
    %iota3A_1387 = tpu.iota {dimensions = array<i32: 1>} : vector<128x128xi32>
    %slice3A_1388 = vector.extract_strided_slice %get3A_7 {offsets = [0, 2], sizes = [128, 1], strides = [1, 1]} : vector<1024x6xi32> to vector<128x1xi32>
    %eq3A_1389 = vector.broadcast %slice3A_1388 : vector<128x1xi32> to vector<128x128xi32>
    %eq3A_1390 = arith.cmpi eq, %eq3A_1389, %iota3A_1387 : vector<128x128xi32>
    %convert_element_type3A_1391 = arith.extui %eq3A_1390 : vector<128x128xi1> to vector<128x128xi32>
    %convert_element_type3A_1392 = arith.sitofp %convert_element_type3A_1391 : vector<128x128xi32> to vector<128x128xf32>
    %slice3A_1393 = vector.extract_strided_slice %max3A_1254 {offsets = [0, 0], sizes = [128, 64], strides = [1, 1]} : vector<1024x64xf32> to vector<128x64xf32>
    %dot_general3A_1394 = arith.constant dense<0.000000e+00> : vector<128x64xf32>
    %dot_general3A_1395 = tpu.matmul %convert_element_type3A_1392, %slice3A_1393, %dot_general3A_1394 {dimension_numbers = #tpu.dot_dimension_numbers<[1], [0], [0], [1], [0, 0, 1, 1], [], []>, precision = #tpu.contract_precision<fp32>, transpose_lhs_hint = false} : vector<128x128xf32>, vector<128x64xf32>, vector<128x64xf32> -> vector<128x64xf32>
    %slice3A_1396 = vector.extract_strided_slice %get3A_7 {offsets = [128, 2], sizes = [128, 1], strides = [1, 1]} : vector<1024x6xi32> to vector<128x1xi32>
    %eq3A_1397 = vector.broadcast %slice3A_1396 : vector<128x1xi32> to vector<128x128xi32>
    %eq3A_1398 = arith.cmpi eq, %eq3A_1397, %iota3A_1387 : vector<128x128xi32>
    %convert_element_type3A_1399 = arith.extui %eq3A_1398 : vector<128x128xi1> to vector<128x128xi32>
    %convert_element_type3A_1400 = arith.sitofp %convert_element_type3A_1399 : vector<128x128xi32> to vector<128x128xf32>
    %slice3A_1401 = vector.extract_strided_slice %max3A_1254 {offsets = [128, 0], sizes = [128, 64], strides = [1, 1]} : vector<1024x64xf32> to vector<128x64xf32>
    %dot_general3A_1402 = arith.constant dense<0.000000e+00> : vector<128x64xf32>
    %dot_general3A_1403 = tpu.matmul %convert_element_type3A_1400, %slice3A_1401, %dot_general3A_1402 {dimension_numbers = #tpu.dot_dimension_numbers<[1], [0], [0], [1], [0, 0, 1, 1], [], []>, precision = #tpu.contract_precision<fp32>, transpose_lhs_hint = false} : vector<128x128xf32>, vector<128x64xf32>, vector<128x64xf32> -> vector<128x64xf32>
    %slice3A_1404 = vector.extract_strided_slice %get3A_7 {offsets = [256, 2], sizes = [128, 1], strides = [1, 1]} : vector<1024x6xi32> to vector<128x1xi32>
    %eq3A_1405 = vector.broadcast %slice3A_1404 : vector<128x1xi32> to vector<128x128xi32>
    %eq3A_1406 = arith.cmpi eq, %eq3A_1405, %iota3A_1387 : vector<128x128xi32>
    %convert_element_type3A_1407 = arith.extui %eq3A_1406 : vector<128x128xi1> to vector<128x128xi32>
    %convert_element_type3A_1408 = arith.sitofp %convert_element_type3A_1407 : vector<128x128xi32> to vector<128x128xf32>
    %slice3A_1409 = vector.extract_strided_slice %max3A_1254 {offsets = [256, 0], sizes = [128, 64], strides = [1, 1]} : vector<1024x64xf32> to vector<128x64xf32>
    %dot_general3A_1410 = arith.constant dense<0.000000e+00> : vector<128x64xf32>
    %dot_general3A_1411 = tpu.matmul %convert_element_type3A_1408, %slice3A_1409, %dot_general3A_1410 {dimension_numbers = #tpu.dot_dimension_numbers<[1], [0], [0], [1], [0, 0, 1, 1], [], []>, precision = #tpu.contract_precision<fp32>, transpose_lhs_hint = false} : vector<128x128xf32>, vector<128x64xf32>, vector<128x64xf32> -> vector<128x64xf32>
    %slice3A_1412 = vector.extract_strided_slice %get3A_7 {offsets = [384, 2], sizes = [128, 1], strides = [1, 1]} : vector<1024x6xi32> to vector<128x1xi32>
    %eq3A_1413 = vector.broadcast %slice3A_1412 : vector<128x1xi32> to vector<128x128xi32>
    %eq3A_1414 = arith.cmpi eq, %eq3A_1413, %iota3A_1387 : vector<128x128xi32>
    %convert_element_type3A_1415 = arith.extui %eq3A_1414 : vector<128x128xi1> to vector<128x128xi32>
    %convert_element_type3A_1416 = arith.sitofp %convert_element_type3A_1415 : vector<128x128xi32> to vector<128x128xf32>
    %slice3A_1417 = vector.extract_strided_slice %max3A_1254 {offsets = [384, 0], sizes = [128, 64], strides = [1, 1]} : vector<1024x64xf32> to vector<128x64xf32>
    %dot_general3A_1418 = arith.constant dense<0.000000e+00> : vector<128x64xf32>
    %dot_general3A_1419 = tpu.matmul %convert_element_type3A_1416, %slice3A_1417, %dot_general3A_1418 {dimension_numbers = #tpu.dot_dimension_numbers<[1], [0], [0], [1], [0, 0, 1, 1], [], []>, precision = #tpu.contract_precision<fp32>, transpose_lhs_hint = false} : vector<128x128xf32>, vector<128x64xf32>, vector<128x64xf32> -> vector<128x64xf32>
    %slice3A_1420 = vector.extract_strided_slice %get3A_7 {offsets = [512, 2], sizes = [128, 1], strides = [1, 1]} : vector<1024x6xi32> to vector<128x1xi32>
    %eq3A_1421 = vector.broadcast %slice3A_1420 : vector<128x1xi32> to vector<128x128xi32>
    %eq3A_1422 = arith.cmpi eq, %eq3A_1421, %iota3A_1387 : vector<128x128xi32>
    %convert_element_type3A_1423 = arith.extui %eq3A_1422 : vector<128x128xi1> to vector<128x128xi32>
    %convert_element_type3A_1424 = arith.sitofp %convert_element_type3A_1423 : vector<128x128xi32> to vector<128x128xf32>
    %slice3A_1425 = vector.extract_strided_slice %max3A_1254 {offsets = [512, 0], sizes = [128, 64], strides = [1, 1]} : vector<1024x64xf32> to vector<128x64xf32>
    %dot_general3A_1426 = arith.constant dense<0.000000e+00> : vector<128x64xf32>
    %dot_general3A_1427 = tpu.matmul %convert_element_type3A_1424, %slice3A_1425, %dot_general3A_1426 {dimension_numbers = #tpu.dot_dimension_numbers<[1], [0], [0], [1], [0, 0, 1, 1], [], []>, precision = #tpu.contract_precision<fp32>, transpose_lhs_hint = false} : vector<128x128xf32>, vector<128x64xf32>, vector<128x64xf32> -> vector<128x64xf32>
    %slice3A_1428 = vector.extract_strided_slice %get3A_7 {offsets = [640, 2], sizes = [128, 1], strides = [1, 1]} : vector<1024x6xi32> to vector<128x1xi32>
    %eq3A_1429 = vector.broadcast %slice3A_1428 : vector<128x1xi32> to vector<128x128xi32>
    %eq3A_1430 = arith.cmpi eq, %eq3A_1429, %iota3A_1387 : vector<128x128xi32>
    %convert_element_type3A_1431 = arith.extui %eq3A_1430 : vector<128x128xi1> to vector<128x128xi32>
    %convert_element_type3A_1432 = arith.sitofp %convert_element_type3A_1431 : vector<128x128xi32> to vector<128x128xf32>
    %slice3A_1433 = vector.extract_strided_slice %max3A_1254 {offsets = [640, 0], sizes = [128, 64], strides = [1, 1]} : vector<1024x64xf32> to vector<128x64xf32>
    %dot_general3A_1434 = arith.constant dense<0.000000e+00> : vector<128x64xf32>
    %dot_general3A_1435 = tpu.matmul %convert_element_type3A_1432, %slice3A_1433, %dot_general3A_1434 {dimension_numbers = #tpu.dot_dimension_numbers<[1], [0], [0], [1], [0, 0, 1, 1], [], []>, precision = #tpu.contract_precision<fp32>, transpose_lhs_hint = false} : vector<128x128xf32>, vector<128x64xf32>, vector<128x64xf32> -> vector<128x64xf32>
    %slice3A_1436 = vector.extract_strided_slice %get3A_7 {offsets = [768, 2], sizes = [128, 1], strides = [1, 1]} : vector<1024x6xi32> to vector<128x1xi32>
    %eq3A_1437 = vector.broadcast %slice3A_1436 : vector<128x1xi32> to vector<128x128xi32>
    %eq3A_1438 = arith.cmpi eq, %eq3A_1437, %iota3A_1387 : vector<128x128xi32>
    %convert_element_type3A_1439 = arith.extui %eq3A_1438 : vector<128x128xi1> to vector<128x128xi32>
    %convert_element_type3A_1440 = arith.sitofp %convert_element_type3A_1439 : vector<128x128xi32> to vector<128x128xf32>
    %slice3A_1441 = vector.extract_strided_slice %max3A_1254 {offsets = [768, 0], sizes = [128, 64], strides = [1, 1]} : vector<1024x64xf32> to vector<128x64xf32>
    %dot_general3A_1442 = arith.constant dense<0.000000e+00> : vector<128x64xf32>
    %dot_general3A_1443 = tpu.matmul %convert_element_type3A_1440, %slice3A_1441, %dot_general3A_1442 {dimension_numbers = #tpu.dot_dimension_numbers<[1], [0], [0], [1], [0, 0, 1, 1], [], []>, precision = #tpu.contract_precision<fp32>, transpose_lhs_hint = false} : vector<128x128xf32>, vector<128x64xf32>, vector<128x64xf32> -> vector<128x64xf32>
    %slice3A_1444 = vector.extract_strided_slice %get3A_7 {offsets = [896, 2], sizes = [128, 1], strides = [1, 1]} : vector<1024x6xi32> to vector<128x1xi32>
    %eq3A_1445 = vector.broadcast %slice3A_1444 : vector<128x1xi32> to vector<128x128xi32>
    %eq3A_1446 = arith.cmpi eq, %eq3A_1445, %iota3A_1387 : vector<128x128xi32>
    %convert_element_type3A_1447 = arith.extui %eq3A_1446 : vector<128x128xi1> to vector<128x128xi32>
    %convert_element_type3A_1448 = arith.sitofp %convert_element_type3A_1447 : vector<128x128xi32> to vector<128x128xf32>
    %slice3A_1449 = vector.extract_strided_slice %max3A_1254 {offsets = [896, 0], sizes = [128, 64], strides = [1, 1]} : vector<1024x64xf32> to vector<128x64xf32>
    %dot_general3A_1450 = arith.constant dense<0.000000e+00> : vector<128x64xf32>
    %dot_general3A_1451 = tpu.matmul %convert_element_type3A_1448, %slice3A_1449, %dot_general3A_1450 {dimension_numbers = #tpu.dot_dimension_numbers<[1], [0], [0], [1], [0, 0, 1, 1], [], []>, precision = #tpu.contract_precision<fp32>, transpose_lhs_hint = false} : vector<128x128xf32>, vector<128x64xf32>, vector<128x64xf32> -> vector<128x64xf32>
    %concatenate3A_1452 = tpu.concatenate %dot_general3A_1395, %dot_general3A_1403, %dot_general3A_1411, %dot_general3A_1419, %dot_general3A_1427, %dot_general3A_1435, %dot_general3A_1443, %dot_general3A_1451 in 0 : vector<128x64xf32>, vector<128x64xf32>, vector<128x64xf32>, vector<128x64xf32>, vector<128x64xf32>, vector<128x64xf32>, vector<128x64xf32>, vector<128x64xf32> -> vector<1024x64xf32>
    %iota3A_1453 = tpu.iota {dimensions = array<i32: 1>} : vector<128x128xi32>
    %slice3A_1454 = vector.extract_strided_slice %get3A_7 {offsets = [0, 3], sizes = [128, 1], strides = [1, 1]} : vector<1024x6xi32> to vector<128x1xi32>
    %eq3A_1455 = vector.broadcast %slice3A_1454 : vector<128x1xi32> to vector<128x128xi32>
    %eq3A_1456 = arith.cmpi eq, %eq3A_1455, %iota3A_1453 : vector<128x128xi32>
    %convert_element_type3A_1457 = arith.extui %eq3A_1456 : vector<128x128xi1> to vector<128x128xi32>
    %convert_element_type3A_1458 = arith.sitofp %convert_element_type3A_1457 : vector<128x128xi32> to vector<128x128xf32>
    %slice3A_1459 = vector.extract_strided_slice %max3A_1254 {offsets = [0, 0], sizes = [128, 64], strides = [1, 1]} : vector<1024x64xf32> to vector<128x64xf32>
    %dot_general3A_1460 = arith.constant dense<0.000000e+00> : vector<128x64xf32>
    %dot_general3A_1461 = tpu.matmul %convert_element_type3A_1458, %slice3A_1459, %dot_general3A_1460 {dimension_numbers = #tpu.dot_dimension_numbers<[1], [0], [0], [1], [0, 0, 1, 1], [], []>, precision = #tpu.contract_precision<fp32>, transpose_lhs_hint = false} : vector<128x128xf32>, vector<128x64xf32>, vector<128x64xf32> -> vector<128x64xf32>
    %slice3A_1462 = vector.extract_strided_slice %get3A_7 {offsets = [128, 3], sizes = [128, 1], strides = [1, 1]} : vector<1024x6xi32> to vector<128x1xi32>
    %eq3A_1463 = vector.broadcast %slice3A_1462 : vector<128x1xi32> to vector<128x128xi32>
    %eq3A_1464 = arith.cmpi eq, %eq3A_1463, %iota3A_1453 : vector<128x128xi32>
    %convert_element_type3A_1465 = arith.extui %eq3A_1464 : vector<128x128xi1> to vector<128x128xi32>
    %convert_element_type3A_1466 = arith.sitofp %convert_element_type3A_1465 : vector<128x128xi32> to vector<128x128xf32>
    %slice3A_1467 = vector.extract_strided_slice %max3A_1254 {offsets = [128, 0], sizes = [128, 64], strides = [1, 1]} : vector<1024x64xf32> to vector<128x64xf32>
    %dot_general3A_1468 = arith.constant dense<0.000000e+00> : vector<128x64xf32>
    %dot_general3A_1469 = tpu.matmul %convert_element_type3A_1466, %slice3A_1467, %dot_general3A_1468 {dimension_numbers = #tpu.dot_dimension_numbers<[1], [0], [0], [1], [0, 0, 1, 1], [], []>, precision = #tpu.contract_precision<fp32>, transpose_lhs_hint = false} : vector<128x128xf32>, vector<128x64xf32>, vector<128x64xf32> -> vector<128x64xf32>
    %slice3A_1470 = vector.extract_strided_slice %get3A_7 {offsets = [256, 3], sizes = [128, 1], strides = [1, 1]} : vector<1024x6xi32> to vector<128x1xi32>
    %eq3A_1471 = vector.broadcast %slice3A_1470 : vector<128x1xi32> to vector<128x128xi32>
    %eq3A_1472 = arith.cmpi eq, %eq3A_1471, %iota3A_1453 : vector<128x128xi32>
    %convert_element_type3A_1473 = arith.extui %eq3A_1472 : vector<128x128xi1> to vector<128x128xi32>
    %convert_element_type3A_1474 = arith.sitofp %convert_element_type3A_1473 : vector<128x128xi32> to vector<128x128xf32>
    %slice3A_1475 = vector.extract_strided_slice %max3A_1254 {offsets = [256, 0], sizes = [128, 64], strides = [1, 1]} : vector<1024x64xf32> to vector<128x64xf32>
    %dot_general3A_1476 = arith.constant dense<0.000000e+00> : vector<128x64xf32>
    %dot_general3A_1477 = tpu.matmul %convert_element_type3A_1474, %slice3A_1475, %dot_general3A_1476 {dimension_numbers = #tpu.dot_dimension_numbers<[1], [0], [0], [1], [0, 0, 1, 1], [], []>, precision = #tpu.contract_precision<fp32>, transpose_lhs_hint = false} : vector<128x128xf32>, vector<128x64xf32>, vector<128x64xf32> -> vector<128x64xf32>
    %slice3A_1478 = vector.extract_strided_slice %get3A_7 {offsets = [384, 3], sizes = [128, 1], strides = [1, 1]} : vector<1024x6xi32> to vector<128x1xi32>
    %eq3A_1479 = vector.broadcast %slice3A_1478 : vector<128x1xi32> to vector<128x128xi32>
    %eq3A_1480 = arith.cmpi eq, %eq3A_1479, %iota3A_1453 : vector<128x128xi32>
    %convert_element_type3A_1481 = arith.extui %eq3A_1480 : vector<128x128xi1> to vector<128x128xi32>
    %convert_element_type3A_1482 = arith.sitofp %convert_element_type3A_1481 : vector<128x128xi32> to vector<128x128xf32>
    %slice3A_1483 = vector.extract_strided_slice %max3A_1254 {offsets = [384, 0], sizes = [128, 64], strides = [1, 1]} : vector<1024x64xf32> to vector<128x64xf32>
    %dot_general3A_1484 = arith.constant dense<0.000000e+00> : vector<128x64xf32>
    %dot_general3A_1485 = tpu.matmul %convert_element_type3A_1482, %slice3A_1483, %dot_general3A_1484 {dimension_numbers = #tpu.dot_dimension_numbers<[1], [0], [0], [1], [0, 0, 1, 1], [], []>, precision = #tpu.contract_precision<fp32>, transpose_lhs_hint = false} : vector<128x128xf32>, vector<128x64xf32>, vector<128x64xf32> -> vector<128x64xf32>
    %slice3A_1486 = vector.extract_strided_slice %get3A_7 {offsets = [512, 3], sizes = [128, 1], strides = [1, 1]} : vector<1024x6xi32> to vector<128x1xi32>
    %eq3A_1487 = vector.broadcast %slice3A_1486 : vector<128x1xi32> to vector<128x128xi32>
    %eq3A_1488 = arith.cmpi eq, %eq3A_1487, %iota3A_1453 : vector<128x128xi32>
    %convert_element_type3A_1489 = arith.extui %eq3A_1488 : vector<128x128xi1> to vector<128x128xi32>
    %convert_element_type3A_1490 = arith.sitofp %convert_element_type3A_1489 : vector<128x128xi32> to vector<128x128xf32>
    %slice3A_1491 = vector.extract_strided_slice %max3A_1254 {offsets = [512, 0], sizes = [128, 64], strides = [1, 1]} : vector<1024x64xf32> to vector<128x64xf32>
    %dot_general3A_1492 = arith.constant dense<0.000000e+00> : vector<128x64xf32>
    %dot_general3A_1493 = tpu.matmul %convert_element_type3A_1490, %slice3A_1491, %dot_general3A_1492 {dimension_numbers = #tpu.dot_dimension_numbers<[1], [0], [0], [1], [0, 0, 1, 1], [], []>, precision = #tpu.contract_precision<fp32>, transpose_lhs_hint = false} : vector<128x128xf32>, vector<128x64xf32>, vector<128x64xf32> -> vector<128x64xf32>
    %slice3A_1494 = vector.extract_strided_slice %get3A_7 {offsets = [640, 3], sizes = [128, 1], strides = [1, 1]} : vector<1024x6xi32> to vector<128x1xi32>
    %eq3A_1495 = vector.broadcast %slice3A_1494 : vector<128x1xi32> to vector<128x128xi32>
    %eq3A_1496 = arith.cmpi eq, %eq3A_1495, %iota3A_1453 : vector<128x128xi32>
    %convert_element_type3A_1497 = arith.extui %eq3A_1496 : vector<128x128xi1> to vector<128x128xi32>
    %convert_element_type3A_1498 = arith.sitofp %convert_element_type3A_1497 : vector<128x128xi32> to vector<128x128xf32>
    %slice3A_1499 = vector.extract_strided_slice %max3A_1254 {offsets = [640, 0], sizes = [128, 64], strides = [1, 1]} : vector<1024x64xf32> to vector<128x64xf32>
    %dot_general3A_1500 = arith.constant dense<0.000000e+00> : vector<128x64xf32>
    %dot_general3A_1501 = tpu.matmul %convert_element_type3A_1498, %slice3A_1499, %dot_general3A_1500 {dimension_numbers = #tpu.dot_dimension_numbers<[1], [0], [0], [1], [0, 0, 1, 1], [], []>, precision = #tpu.contract_precision<fp32>, transpose_lhs_hint = false} : vector<128x128xf32>, vector<128x64xf32>, vector<128x64xf32> -> vector<128x64xf32>
    %slice3A_1502 = vector.extract_strided_slice %get3A_7 {offsets = [768, 3], sizes = [128, 1], strides = [1, 1]} : vector<1024x6xi32> to vector<128x1xi32>
    %eq3A_1503 = vector.broadcast %slice3A_1502 : vector<128x1xi32> to vector<128x128xi32>
    %eq3A_1504 = arith.cmpi eq, %eq3A_1503, %iota3A_1453 : vector<128x128xi32>
    %convert_element_type3A_1505 = arith.extui %eq3A_1504 : vector<128x128xi1> to vector<128x128xi32>
    %convert_element_type3A_1506 = arith.sitofp %convert_element_type3A_1505 : vector<128x128xi32> to vector<128x128xf32>
    %slice3A_1507 = vector.extract_strided_slice %max3A_1254 {offsets = [768, 0], sizes = [128, 64], strides = [1, 1]} : vector<1024x64xf32> to vector<128x64xf32>
    %dot_general3A_1508 = arith.constant dense<0.000000e+00> : vector<128x64xf32>
    %dot_general3A_1509 = tpu.matmul %convert_element_type3A_1506, %slice3A_1507, %dot_general3A_1508 {dimension_numbers = #tpu.dot_dimension_numbers<[1], [0], [0], [1], [0, 0, 1, 1], [], []>, precision = #tpu.contract_precision<fp32>, transpose_lhs_hint = false} : vector<128x128xf32>, vector<128x64xf32>, vector<128x64xf32> -> vector<128x64xf32>
    %slice3A_1510 = vector.extract_strided_slice %get3A_7 {offsets = [896, 3], sizes = [128, 1], strides = [1, 1]} : vector<1024x6xi32> to vector<128x1xi32>
    %eq3A_1511 = vector.broadcast %slice3A_1510 : vector<128x1xi32> to vector<128x128xi32>
    %eq3A_1512 = arith.cmpi eq, %eq3A_1511, %iota3A_1453 : vector<128x128xi32>
    %convert_element_type3A_1513 = arith.extui %eq3A_1512 : vector<128x128xi1> to vector<128x128xi32>
    %convert_element_type3A_1514 = arith.sitofp %convert_element_type3A_1513 : vector<128x128xi32> to vector<128x128xf32>
    %slice3A_1515 = vector.extract_strided_slice %max3A_1254 {offsets = [896, 0], sizes = [128, 64], strides = [1, 1]} : vector<1024x64xf32> to vector<128x64xf32>
    %dot_general3A_1516 = arith.constant dense<0.000000e+00> : vector<128x64xf32>
    %dot_general3A_1517 = tpu.matmul %convert_element_type3A_1514, %slice3A_1515, %dot_general3A_1516 {dimension_numbers = #tpu.dot_dimension_numbers<[1], [0], [0], [1], [0, 0, 1, 1], [], []>, precision = #tpu.contract_precision<fp32>, transpose_lhs_hint = false} : vector<128x128xf32>, vector<128x64xf32>, vector<128x64xf32> -> vector<128x64xf32>
    %concatenate3A_1518 = tpu.concatenate %dot_general3A_1461, %dot_general3A_1469, %dot_general3A_1477, %dot_general3A_1485, %dot_general3A_1493, %dot_general3A_1501, %dot_general3A_1509, %dot_general3A_1517 in 0 : vector<128x64xf32>, vector<128x64xf32>, vector<128x64xf32>, vector<128x64xf32>, vector<128x64xf32>, vector<128x64xf32>, vector<128x64xf32>, vector<128x64xf32> -> vector<1024x64xf32>
    %iota3A_1519 = tpu.iota {dimensions = array<i32: 1>} : vector<128x128xi32>
    %slice3A_1520 = vector.extract_strided_slice %get3A_7 {offsets = [0, 4], sizes = [128, 1], strides = [1, 1]} : vector<1024x6xi32> to vector<128x1xi32>
    %eq3A_1521 = vector.broadcast %slice3A_1520 : vector<128x1xi32> to vector<128x128xi32>
    %eq3A_1522 = arith.cmpi eq, %eq3A_1521, %iota3A_1519 : vector<128x128xi32>
    %convert_element_type3A_1523 = arith.extui %eq3A_1522 : vector<128x128xi1> to vector<128x128xi32>
    %convert_element_type3A_1524 = arith.sitofp %convert_element_type3A_1523 : vector<128x128xi32> to vector<128x128xf32>
    %slice3A_1525 = vector.extract_strided_slice %max3A_1254 {offsets = [0, 0], sizes = [128, 64], strides = [1, 1]} : vector<1024x64xf32> to vector<128x64xf32>
    %dot_general3A_1526 = arith.constant dense<0.000000e+00> : vector<128x64xf32>
    %dot_general3A_1527 = tpu.matmul %convert_element_type3A_1524, %slice3A_1525, %dot_general3A_1526 {dimension_numbers = #tpu.dot_dimension_numbers<[1], [0], [0], [1], [0, 0, 1, 1], [], []>, precision = #tpu.contract_precision<fp32>, transpose_lhs_hint = false} : vector<128x128xf32>, vector<128x64xf32>, vector<128x64xf32> -> vector<128x64xf32>
    %slice3A_1528 = vector.extract_strided_slice %get3A_7 {offsets = [128, 4], sizes = [128, 1], strides = [1, 1]} : vector<1024x6xi32> to vector<128x1xi32>
    %eq3A_1529 = vector.broadcast %slice3A_1528 : vector<128x1xi32> to vector<128x128xi32>
    %eq3A_1530 = arith.cmpi eq, %eq3A_1529, %iota3A_1519 : vector<128x128xi32>
    %convert_element_type3A_1531 = arith.extui %eq3A_1530 : vector<128x128xi1> to vector<128x128xi32>
    %convert_element_type3A_1532 = arith.sitofp %convert_element_type3A_1531 : vector<128x128xi32> to vector<128x128xf32>
    %slice3A_1533 = vector.extract_strided_slice %max3A_1254 {offsets = [128, 0], sizes = [128, 64], strides = [1, 1]} : vector<1024x64xf32> to vector<128x64xf32>
    %dot_general3A_1534 = arith.constant dense<0.000000e+00> : vector<128x64xf32>
    %dot_general3A_1535 = tpu.matmul %convert_element_type3A_1532, %slice3A_1533, %dot_general3A_1534 {dimension_numbers = #tpu.dot_dimension_numbers<[1], [0], [0], [1], [0, 0, 1, 1], [], []>, precision = #tpu.contract_precision<fp32>, transpose_lhs_hint = false} : vector<128x128xf32>, vector<128x64xf32>, vector<128x64xf32> -> vector<128x64xf32>
    %slice3A_1536 = vector.extract_strided_slice %get3A_7 {offsets = [256, 4], sizes = [128, 1], strides = [1, 1]} : vector<1024x6xi32> to vector<128x1xi32>
    %eq3A_1537 = vector.broadcast %slice3A_1536 : vector<128x1xi32> to vector<128x128xi32>
    %eq3A_1538 = arith.cmpi eq, %eq3A_1537, %iota3A_1519 : vector<128x128xi32>
    %convert_element_type3A_1539 = arith.extui %eq3A_1538 : vector<128x128xi1> to vector<128x128xi32>
    %convert_element_type3A_1540 = arith.sitofp %convert_element_type3A_1539 : vector<128x128xi32> to vector<128x128xf32>
    %slice3A_1541 = vector.extract_strided_slice %max3A_1254 {offsets = [256, 0], sizes = [128, 64], strides = [1, 1]} : vector<1024x64xf32> to vector<128x64xf32>
    %dot_general3A_1542 = arith.constant dense<0.000000e+00> : vector<128x64xf32>
    %dot_general3A_1543 = tpu.matmul %convert_element_type3A_1540, %slice3A_1541, %dot_general3A_1542 {dimension_numbers = #tpu.dot_dimension_numbers<[1], [0], [0], [1], [0, 0, 1, 1], [], []>, precision = #tpu.contract_precision<fp32>, transpose_lhs_hint = false} : vector<128x128xf32>, vector<128x64xf32>, vector<128x64xf32> -> vector<128x64xf32>
    %slice3A_1544 = vector.extract_strided_slice %get3A_7 {offsets = [384, 4], sizes = [128, 1], strides = [1, 1]} : vector<1024x6xi32> to vector<128x1xi32>
    %eq3A_1545 = vector.broadcast %slice3A_1544 : vector<128x1xi32> to vector<128x128xi32>
    %eq3A_1546 = arith.cmpi eq, %eq3A_1545, %iota3A_1519 : vector<128x128xi32>
    %convert_element_type3A_1547 = arith.extui %eq3A_1546 : vector<128x128xi1> to vector<128x128xi32>
    %convert_element_type3A_1548 = arith.sitofp %convert_element_type3A_1547 : vector<128x128xi32> to vector<128x128xf32>
    %slice3A_1549 = vector.extract_strided_slice %max3A_1254 {offsets = [384, 0], sizes = [128, 64], strides = [1, 1]} : vector<1024x64xf32> to vector<128x64xf32>
    %dot_general3A_1550 = arith.constant dense<0.000000e+00> : vector<128x64xf32>
    %dot_general3A_1551 = tpu.matmul %convert_element_type3A_1548, %slice3A_1549, %dot_general3A_1550 {dimension_numbers = #tpu.dot_dimension_numbers<[1], [0], [0], [1], [0, 0, 1, 1], [], []>, precision = #tpu.contract_precision<fp32>, transpose_lhs_hint = false} : vector<128x128xf32>, vector<128x64xf32>, vector<128x64xf32> -> vector<128x64xf32>
    %slice3A_1552 = vector.extract_strided_slice %get3A_7 {offsets = [512, 4], sizes = [128, 1], strides = [1, 1]} : vector<1024x6xi32> to vector<128x1xi32>
    %eq3A_1553 = vector.broadcast %slice3A_1552 : vector<128x1xi32> to vector<128x128xi32>
    %eq3A_1554 = arith.cmpi eq, %eq3A_1553, %iota3A_1519 : vector<128x128xi32>
    %convert_element_type3A_1555 = arith.extui %eq3A_1554 : vector<128x128xi1> to vector<128x128xi32>
    %convert_element_type3A_1556 = arith.sitofp %convert_element_type3A_1555 : vector<128x128xi32> to vector<128x128xf32>
    %slice3A_1557 = vector.extract_strided_slice %max3A_1254 {offsets = [512, 0], sizes = [128, 64], strides = [1, 1]} : vector<1024x64xf32> to vector<128x64xf32>
    %dot_general3A_1558 = arith.constant dense<0.000000e+00> : vector<128x64xf32>
    %dot_general3A_1559 = tpu.matmul %convert_element_type3A_1556, %slice3A_1557, %dot_general3A_1558 {dimension_numbers = #tpu.dot_dimension_numbers<[1], [0], [0], [1], [0, 0, 1, 1], [], []>, precision = #tpu.contract_precision<fp32>, transpose_lhs_hint = false} : vector<128x128xf32>, vector<128x64xf32>, vector<128x64xf32> -> vector<128x64xf32>
    %slice3A_1560 = vector.extract_strided_slice %get3A_7 {offsets = [640, 4], sizes = [128, 1], strides = [1, 1]} : vector<1024x6xi32> to vector<128x1xi32>
    %eq3A_1561 = vector.broadcast %slice3A_1560 : vector<128x1xi32> to vector<128x128xi32>
    %eq3A_1562 = arith.cmpi eq, %eq3A_1561, %iota3A_1519 : vector<128x128xi32>
    %convert_element_type3A_1563 = arith.extui %eq3A_1562 : vector<128x128xi1> to vector<128x128xi32>
    %convert_element_type3A_1564 = arith.sitofp %convert_element_type3A_1563 : vector<128x128xi32> to vector<128x128xf32>
    %slice3A_1565 = vector.extract_strided_slice %max3A_1254 {offsets = [640, 0], sizes = [128, 64], strides = [1, 1]} : vector<1024x64xf32> to vector<128x64xf32>
    %dot_general3A_1566 = arith.constant dense<0.000000e+00> : vector<128x64xf32>
    %dot_general3A_1567 = tpu.matmul %convert_element_type3A_1564, %slice3A_1565, %dot_general3A_1566 {dimension_numbers = #tpu.dot_dimension_numbers<[1], [0], [0], [1], [0, 0, 1, 1], [], []>, precision = #tpu.contract_precision<fp32>, transpose_lhs_hint = false} : vector<128x128xf32>, vector<128x64xf32>, vector<128x64xf32> -> vector<128x64xf32>
    %slice3A_1568 = vector.extract_strided_slice %get3A_7 {offsets = [768, 4], sizes = [128, 1], strides = [1, 1]} : vector<1024x6xi32> to vector<128x1xi32>
    %eq3A_1569 = vector.broadcast %slice3A_1568 : vector<128x1xi32> to vector<128x128xi32>
    %eq3A_1570 = arith.cmpi eq, %eq3A_1569, %iota3A_1519 : vector<128x128xi32>
    %convert_element_type3A_1571 = arith.extui %eq3A_1570 : vector<128x128xi1> to vector<128x128xi32>
    %convert_element_type3A_1572 = arith.sitofp %convert_element_type3A_1571 : vector<128x128xi32> to vector<128x128xf32>
    %slice3A_1573 = vector.extract_strided_slice %max3A_1254 {offsets = [768, 0], sizes = [128, 64], strides = [1, 1]} : vector<1024x64xf32> to vector<128x64xf32>
    %dot_general3A_1574 = arith.constant dense<0.000000e+00> : vector<128x64xf32>
    %dot_general3A_1575 = tpu.matmul %convert_element_type3A_1572, %slice3A_1573, %dot_general3A_1574 {dimension_numbers = #tpu.dot_dimension_numbers<[1], [0], [0], [1], [0, 0, 1, 1], [], []>, precision = #tpu.contract_precision<fp32>, transpose_lhs_hint = false} : vector<128x128xf32>, vector<128x64xf32>, vector<128x64xf32> -> vector<128x64xf32>
    %slice3A_1576 = vector.extract_strided_slice %get3A_7 {offsets = [896, 4], sizes = [128, 1], strides = [1, 1]} : vector<1024x6xi32> to vector<128x1xi32>
    %eq3A_1577 = vector.broadcast %slice3A_1576 : vector<128x1xi32> to vector<128x128xi32>
    %eq3A_1578 = arith.cmpi eq, %eq3A_1577, %iota3A_1519 : vector<128x128xi32>
    %convert_element_type3A_1579 = arith.extui %eq3A_1578 : vector<128x128xi1> to vector<128x128xi32>
    %convert_element_type3A_1580 = arith.sitofp %convert_element_type3A_1579 : vector<128x128xi32> to vector<128x128xf32>
    %slice3A_1581 = vector.extract_strided_slice %max3A_1254 {offsets = [896, 0], sizes = [128, 64], strides = [1, 1]} : vector<1024x64xf32> to vector<128x64xf32>
    %dot_general3A_1582 = arith.constant dense<0.000000e+00> : vector<128x64xf32>
    %dot_general3A_1583 = tpu.matmul %convert_element_type3A_1580, %slice3A_1581, %dot_general3A_1582 {dimension_numbers = #tpu.dot_dimension_numbers<[1], [0], [0], [1], [0, 0, 1, 1], [], []>, precision = #tpu.contract_precision<fp32>, transpose_lhs_hint = false} : vector<128x128xf32>, vector<128x64xf32>, vector<128x64xf32> -> vector<128x64xf32>
    %concatenate3A_1584 = tpu.concatenate %dot_general3A_1527, %dot_general3A_1535, %dot_general3A_1543, %dot_general3A_1551, %dot_general3A_1559, %dot_general3A_1567, %dot_general3A_1575, %dot_general3A_1583 in 0 : vector<128x64xf32>, vector<128x64xf32>, vector<128x64xf32>, vector<128x64xf32>, vector<128x64xf32>, vector<128x64xf32>, vector<128x64xf32>, vector<128x64xf32> -> vector<1024x64xf32>
    %iota3A_1585 = tpu.iota {dimensions = array<i32: 1>} : vector<128x128xi32>
    %slice3A_1586 = vector.extract_strided_slice %get3A_7 {offsets = [0, 5], sizes = [128, 1], strides = [1, 1]} : vector<1024x6xi32> to vector<128x1xi32>
    %eq3A_1587 = vector.broadcast %slice3A_1586 : vector<128x1xi32> to vector<128x128xi32>
    %eq3A_1588 = arith.cmpi eq, %eq3A_1587, %iota3A_1585 : vector<128x128xi32>
    %convert_element_type3A_1589 = arith.extui %eq3A_1588 : vector<128x128xi1> to vector<128x128xi32>
    %convert_element_type3A_1590 = arith.sitofp %convert_element_type3A_1589 : vector<128x128xi32> to vector<128x128xf32>
    %slice3A_1591 = vector.extract_strided_slice %max3A_1254 {offsets = [0, 0], sizes = [128, 64], strides = [1, 1]} : vector<1024x64xf32> to vector<128x64xf32>
    %dot_general3A_1592 = arith.constant dense<0.000000e+00> : vector<128x64xf32>
    %dot_general3A_1593 = tpu.matmul %convert_element_type3A_1590, %slice3A_1591, %dot_general3A_1592 {dimension_numbers = #tpu.dot_dimension_numbers<[1], [0], [0], [1], [0, 0, 1, 1], [], []>, precision = #tpu.contract_precision<fp32>, transpose_lhs_hint = false} : vector<128x128xf32>, vector<128x64xf32>, vector<128x64xf32> -> vector<128x64xf32>
    %slice3A_1594 = vector.extract_strided_slice %get3A_7 {offsets = [128, 5], sizes = [128, 1], strides = [1, 1]} : vector<1024x6xi32> to vector<128x1xi32>
    %eq3A_1595 = vector.broadcast %slice3A_1594 : vector<128x1xi32> to vector<128x128xi32>
    %eq3A_1596 = arith.cmpi eq, %eq3A_1595, %iota3A_1585 : vector<128x128xi32>
    %convert_element_type3A_1597 = arith.extui %eq3A_1596 : vector<128x128xi1> to vector<128x128xi32>
    %convert_element_type3A_1598 = arith.sitofp %convert_element_type3A_1597 : vector<128x128xi32> to vector<128x128xf32>
    %slice3A_1599 = vector.extract_strided_slice %max3A_1254 {offsets = [128, 0], sizes = [128, 64], strides = [1, 1]} : vector<1024x64xf32> to vector<128x64xf32>
    %dot_general3A_1600 = arith.constant dense<0.000000e+00> : vector<128x64xf32>
    %dot_general3A_1601 = tpu.matmul %convert_element_type3A_1598, %slice3A_1599, %dot_general3A_1600 {dimension_numbers = #tpu.dot_dimension_numbers<[1], [0], [0], [1], [0, 0, 1, 1], [], []>, precision = #tpu.contract_precision<fp32>, transpose_lhs_hint = false} : vector<128x128xf32>, vector<128x64xf32>, vector<128x64xf32> -> vector<128x64xf32>
    %slice3A_1602 = vector.extract_strided_slice %get3A_7 {offsets = [256, 5], sizes = [128, 1], strides = [1, 1]} : vector<1024x6xi32> to vector<128x1xi32>
    %eq3A_1603 = vector.broadcast %slice3A_1602 : vector<128x1xi32> to vector<128x128xi32>
    %eq3A_1604 = arith.cmpi eq, %eq3A_1603, %iota3A_1585 : vector<128x128xi32>
    %convert_element_type3A_1605 = arith.extui %eq3A_1604 : vector<128x128xi1> to vector<128x128xi32>
    %convert_element_type3A_1606 = arith.sitofp %convert_element_type3A_1605 : vector<128x128xi32> to vector<128x128xf32>
    %slice3A_1607 = vector.extract_strided_slice %max3A_1254 {offsets = [256, 0], sizes = [128, 64], strides = [1, 1]} : vector<1024x64xf32> to vector<128x64xf32>
    %dot_general3A_1608 = arith.constant dense<0.000000e+00> : vector<128x64xf32>
    %dot_general3A_1609 = tpu.matmul %convert_element_type3A_1606, %slice3A_1607, %dot_general3A_1608 {dimension_numbers = #tpu.dot_dimension_numbers<[1], [0], [0], [1], [0, 0, 1, 1], [], []>, precision = #tpu.contract_precision<fp32>, transpose_lhs_hint = false} : vector<128x128xf32>, vector<128x64xf32>, vector<128x64xf32> -> vector<128x64xf32>
    %slice3A_1610 = vector.extract_strided_slice %get3A_7 {offsets = [384, 5], sizes = [128, 1], strides = [1, 1]} : vector<1024x6xi32> to vector<128x1xi32>
    %eq3A_1611 = vector.broadcast %slice3A_1610 : vector<128x1xi32> to vector<128x128xi32>
    %eq3A_1612 = arith.cmpi eq, %eq3A_1611, %iota3A_1585 : vector<128x128xi32>
    %convert_element_type3A_1613 = arith.extui %eq3A_1612 : vector<128x128xi1> to vector<128x128xi32>
    %convert_element_type3A_1614 = arith.sitofp %convert_element_type3A_1613 : vector<128x128xi32> to vector<128x128xf32>
    %slice3A_1615 = vector.extract_strided_slice %max3A_1254 {offsets = [384, 0], sizes = [128, 64], strides = [1, 1]} : vector<1024x64xf32> to vector<128x64xf32>
    %dot_general3A_1616 = arith.constant dense<0.000000e+00> : vector<128x64xf32>
    %dot_general3A_1617 = tpu.matmul %convert_element_type3A_1614, %slice3A_1615, %dot_general3A_1616 {dimension_numbers = #tpu.dot_dimension_numbers<[1], [0], [0], [1], [0, 0, 1, 1], [], []>, precision = #tpu.contract_precision<fp32>, transpose_lhs_hint = false} : vector<128x128xf32>, vector<128x64xf32>, vector<128x64xf32> -> vector<128x64xf32>
    %slice3A_1618 = vector.extract_strided_slice %get3A_7 {offsets = [512, 5], sizes = [128, 1], strides = [1, 1]} : vector<1024x6xi32> to vector<128x1xi32>
    %eq3A_1619 = vector.broadcast %slice3A_1618 : vector<128x1xi32> to vector<128x128xi32>
    %eq3A_1620 = arith.cmpi eq, %eq3A_1619, %iota3A_1585 : vector<128x128xi32>
    %convert_element_type3A_1621 = arith.extui %eq3A_1620 : vector<128x128xi1> to vector<128x128xi32>
    %convert_element_type3A_1622 = arith.sitofp %convert_element_type3A_1621 : vector<128x128xi32> to vector<128x128xf32>
    %slice3A_1623 = vector.extract_strided_slice %max3A_1254 {offsets = [512, 0], sizes = [128, 64], strides = [1, 1]} : vector<1024x64xf32> to vector<128x64xf32>
    %dot_general3A_1624 = arith.constant dense<0.000000e+00> : vector<128x64xf32>
    %dot_general3A_1625 = tpu.matmul %convert_element_type3A_1622, %slice3A_1623, %dot_general3A_1624 {dimension_numbers = #tpu.dot_dimension_numbers<[1], [0], [0], [1], [0, 0, 1, 1], [], []>, precision = #tpu.contract_precision<fp32>, transpose_lhs_hint = false} : vector<128x128xf32>, vector<128x64xf32>, vector<128x64xf32> -> vector<128x64xf32>
    %slice3A_1626 = vector.extract_strided_slice %get3A_7 {offsets = [640, 5], sizes = [128, 1], strides = [1, 1]} : vector<1024x6xi32> to vector<128x1xi32>
    %eq3A_1627 = vector.broadcast %slice3A_1626 : vector<128x1xi32> to vector<128x128xi32>
    %eq3A_1628 = arith.cmpi eq, %eq3A_1627, %iota3A_1585 : vector<128x128xi32>
    %convert_element_type3A_1629 = arith.extui %eq3A_1628 : vector<128x128xi1> to vector<128x128xi32>
    %convert_element_type3A_1630 = arith.sitofp %convert_element_type3A_1629 : vector<128x128xi32> to vector<128x128xf32>
    %slice3A_1631 = vector.extract_strided_slice %max3A_1254 {offsets = [640, 0], sizes = [128, 64], strides = [1, 1]} : vector<1024x64xf32> to vector<128x64xf32>
    %dot_general3A_1632 = arith.constant dense<0.000000e+00> : vector<128x64xf32>
    %dot_general3A_1633 = tpu.matmul %convert_element_type3A_1630, %slice3A_1631, %dot_general3A_1632 {dimension_numbers = #tpu.dot_dimension_numbers<[1], [0], [0], [1], [0, 0, 1, 1], [], []>, precision = #tpu.contract_precision<fp32>, transpose_lhs_hint = false} : vector<128x128xf32>, vector<128x64xf32>, vector<128x64xf32> -> vector<128x64xf32>
    %slice3A_1634 = vector.extract_strided_slice %get3A_7 {offsets = [768, 5], sizes = [128, 1], strides = [1, 1]} : vector<1024x6xi32> to vector<128x1xi32>
    %eq3A_1635 = vector.broadcast %slice3A_1634 : vector<128x1xi32> to vector<128x128xi32>
    %eq3A_1636 = arith.cmpi eq, %eq3A_1635, %iota3A_1585 : vector<128x128xi32>
    %convert_element_type3A_1637 = arith.extui %eq3A_1636 : vector<128x128xi1> to vector<128x128xi32>
    %convert_element_type3A_1638 = arith.sitofp %convert_element_type3A_1637 : vector<128x128xi32> to vector<128x128xf32>
    %slice3A_1639 = vector.extract_strided_slice %max3A_1254 {offsets = [768, 0], sizes = [128, 64], strides = [1, 1]} : vector<1024x64xf32> to vector<128x64xf32>
    %dot_general3A_1640 = arith.constant dense<0.000000e+00> : vector<128x64xf32>
    %dot_general3A_1641 = tpu.matmul %convert_element_type3A_1638, %slice3A_1639, %dot_general3A_1640 {dimension_numbers = #tpu.dot_dimension_numbers<[1], [0], [0], [1], [0, 0, 1, 1], [], []>, precision = #tpu.contract_precision<fp32>, transpose_lhs_hint = false} : vector<128x128xf32>, vector<128x64xf32>, vector<128x64xf32> -> vector<128x64xf32>
    %slice3A_1642 = vector.extract_strided_slice %get3A_7 {offsets = [896, 5], sizes = [128, 1], strides = [1, 1]} : vector<1024x6xi32> to vector<128x1xi32>
    %eq3A_1643 = vector.broadcast %slice3A_1642 : vector<128x1xi32> to vector<128x128xi32>
    %eq3A_1644 = arith.cmpi eq, %eq3A_1643, %iota3A_1585 : vector<128x128xi32>
    %convert_element_type3A_1645 = arith.extui %eq3A_1644 : vector<128x128xi1> to vector<128x128xi32>
    %convert_element_type3A_1646 = arith.sitofp %convert_element_type3A_1645 : vector<128x128xi32> to vector<128x128xf32>
    %slice3A_1647 = vector.extract_strided_slice %max3A_1254 {offsets = [896, 0], sizes = [128, 64], strides = [1, 1]} : vector<1024x64xf32> to vector<128x64xf32>
    %dot_general3A_1648 = arith.constant dense<0.000000e+00> : vector<128x64xf32>
    %dot_general3A_1649 = tpu.matmul %convert_element_type3A_1646, %slice3A_1647, %dot_general3A_1648 {dimension_numbers = #tpu.dot_dimension_numbers<[1], [0], [0], [1], [0, 0, 1, 1], [], []>, precision = #tpu.contract_precision<fp32>, transpose_lhs_hint = false} : vector<128x128xf32>, vector<128x64xf32>, vector<128x64xf32> -> vector<128x64xf32>
    %concatenate3A_1650 = tpu.concatenate %dot_general3A_1593, %dot_general3A_1601, %dot_general3A_1609, %dot_general3A_1617, %dot_general3A_1625, %dot_general3A_1633, %dot_general3A_1641, %dot_general3A_1649 in 0 : vector<128x64xf32>, vector<128x64xf32>, vector<128x64xf32>, vector<128x64xf32>, vector<128x64xf32>, vector<128x64xf32>, vector<128x64xf32>, vector<128x64xf32> -> vector<1024x64xf32>
    %get3A_1651 = arith.constant 1 : index
    %get3A_1652 = arith.constant 0 : index
    %get3A_1653 = arith.constant 0 : index
    %get3A_1654 = vector.load %arg14[%get3A_1651, %get3A_1652, %get3A_1653] : memref<2x1x128xf32, #tpu.memory_space<vmem>>, vector<1x1x128xf32>
    %get3A_1655 = vector.shape_cast %get3A_1654 : vector<1x1x128xf32> to vector<1x128xf32>
    %get3A_1656 = arith.constant 1 : index
    %get3A_1657 = arith.constant 0 : index
    %get3A_1658 = arith.constant 0 : index
    %get3A_1659 = vector.load %arg15[%get3A_1656, %get3A_1657, %get3A_1658] : memref<2x1x1xf32, #tpu.memory_space<vmem>>, vector<1x1x1xf32>
    %get3A_1660 = vector.shape_cast %get3A_1659 : vector<1x1x1xf32> to vector<1x1xf32>
    %get3A_1661 = arith.constant 1 : index
    %get3A_1662 = arith.constant 0 : index
    %get3A_1663 = arith.constant 0 : index
    %get3A_1664 = vector.load %arg16[%get3A_1661, %get3A_1662, %get3A_1663] : memref<2x64x64xf32, #tpu.memory_space<vmem>>, vector<1x64x64xf32>
    %get3A_1665 = vector.shape_cast %get3A_1664 : vector<1x64x64xf32> to vector<64x64xf32>
    %get3A_1666 = arith.constant 1 : index
    %get3A_1667 = arith.constant 0 : index
    %get3A_1668 = arith.constant 0 : index
    %get3A_1669 = vector.load %arg17[%get3A_1666, %get3A_1667, %get3A_1668] : memref<2x1x64xf32, #tpu.memory_space<vmem>>, vector<1x1x64xf32>
    %get3A_1670 = vector.shape_cast %get3A_1669 : vector<1x1x64xf32> to vector<1x64xf32>
    %slice3A_1671 = vector.extract_strided_slice %get3A_1655 {offsets = [0, 0], sizes = [1, 64], strides = [1, 1]} : vector<1x128xf32> to vector<1x64xf32>
    %slice3A_1672 = vector.extract_strided_slice %get3A_1655 {offsets = [0, 64], sizes = [1, 64], strides = [1, 1]} : vector<1x128xf32> to vector<1x64xf32>
    %mul3A_1673 = vector.broadcast %slice3A_1671 : vector<1x64xf32> to vector<1024x64xf32>
    %mul3A_1674 = arith.mulf %max3A_1254, %mul3A_1673 : vector<1024x64xf32>
    %reduce_sum3A_1675 = arith.constant dense<0.000000e+00> : vector<1024xf32>
    %reduce_sum3A_1676 = vector.multi_reduction <add>, %mul3A_1674, %reduce_sum3A_1675 [1] : vector<1024x64xf32> to vector<1024xf32>
    %broadcast_in_dim3A_1677 = vector.shape_cast %reduce_sum3A_1676 : vector<1024xf32> to vector<1024x1xf32>
    %add3A_1678 = vector.broadcast %get3A_1660 : vector<1x1xf32> to vector<1024x1xf32>
    %add3A_1679 = arith.addf %broadcast_in_dim3A_1677, %add3A_1678 : vector<1024x1xf32>
    %slice3A_1680 = vector.extract_strided_slice %get3A_7 {offsets = [0, 0], sizes = [1024, 1], strides = [1, 1]} : vector<1024x6xi32> to vector<1024x1xi32>
    %eq3A_1681 = arith.constant 127 : i32
    %eq3A_1682 = vector.broadcast %eq3A_1681 : i32 to vector<1024x1xi32>
    %eq3A_1683 = arith.cmpi eq, %slice3A_1680, %eq3A_1682 : vector<1024x1xi32>
    %jit3A_1684 = arith.constant -9.000000e+08 : f32
    %jit3A_1685 = arith.constant 0.000000e+00 : f32
    %broadcast_in_dim3A_1686 = vector.broadcast %jit3A_1684 : f32 to vector<1024x1xf32>
    %broadcast_in_dim3A_1687 = vector.broadcast %jit3A_1685 : f32 to vector<1024x1xf32>
    %select_n3A_1688 = arith.select %eq3A_1683, %broadcast_in_dim3A_1686, %broadcast_in_dim3A_1687 : vector<1024x1xi1>, vector<1024x1xf32>
    %jit3A_1689 = arith.constant 0.000000e+00 : f32
    %jit3A_1690 = arith.constant 1.000000e+00 : f32
    %broadcast_in_dim3A_1691 = vector.broadcast %jit3A_1689 : f32 to vector<1024x1xf32>
    %broadcast_in_dim3A_1692 = vector.broadcast %jit3A_1690 : f32 to vector<1024x1xf32>
    %select_n3A_1693 = arith.select %eq3A_1683, %broadcast_in_dim3A_1691, %broadcast_in_dim3A_1692 : vector<1024x1xi1>, vector<1024x1xf32>
    %mul3A_1694 = vector.broadcast %slice3A_1672 : vector<1x64xf32> to vector<1024x64xf32>
    %mul3A_1695 = arith.mulf %concatenate3A_1320, %mul3A_1694 : vector<1024x64xf32>
    %reduce_sum3A_1696 = arith.constant dense<0.000000e+00> : vector<1024xf32>
    %reduce_sum3A_1697 = vector.multi_reduction <add>, %mul3A_1695, %reduce_sum3A_1696 [1] : vector<1024x64xf32> to vector<1024xf32>
    %broadcast_in_dim3A_1698 = vector.shape_cast %reduce_sum3A_1697 : vector<1024xf32> to vector<1024x1xf32>
    %add3A_1699 = arith.addf %add3A_1679, %broadcast_in_dim3A_1698 : vector<1024x1xf32>
    %jit3A_1700 = arith.constant 0.00999999977 : f32
    %ge3A_1701 = arith.constant 0.000000e+00 : f32
    %ge3A_1702 = vector.broadcast %ge3A_1701 : f32 to vector<1024x1xf32>
    %ge3A_1703 = arith.cmpf oge, %add3A_1699, %ge3A_1702 : vector<1024x1xf32>
    %mul3A_1704 = vector.broadcast %jit3A_1700 : f32 to vector<1024x1xf32>
    %mul3A_1705 = arith.mulf %mul3A_1704, %add3A_1699 : vector<1024x1xf32>
    %select_n3A_1706 = arith.select %ge3A_1703, %add3A_1699, %mul3A_1705 : vector<1024x1xi1>, vector<1024x1xf32>
    %add3A_1707 = arith.addf %select_n3A_1706, %select_n3A_1688 : vector<1024x1xf32>
    %slice3A_1708 = vector.extract_strided_slice %get3A_7 {offsets = [0, 1], sizes = [1024, 1], strides = [1, 1]} : vector<1024x6xi32> to vector<1024x1xi32>
    %eq3A_1709 = arith.constant 127 : i32
    %eq3A_1710 = vector.broadcast %eq3A_1709 : i32 to vector<1024x1xi32>
    %eq3A_1711 = arith.cmpi eq, %slice3A_1708, %eq3A_1710 : vector<1024x1xi32>
    %jit3A_1712 = arith.constant -9.000000e+08 : f32
    %jit3A_1713 = arith.constant 0.000000e+00 : f32
    %broadcast_in_dim3A_1714 = vector.broadcast %jit3A_1712 : f32 to vector<1024x1xf32>
    %broadcast_in_dim3A_1715 = vector.broadcast %jit3A_1713 : f32 to vector<1024x1xf32>
    %select_n3A_1716 = arith.select %eq3A_1711, %broadcast_in_dim3A_1714, %broadcast_in_dim3A_1715 : vector<1024x1xi1>, vector<1024x1xf32>
    %jit3A_1717 = arith.constant 0.000000e+00 : f32
    %jit3A_1718 = arith.constant 1.000000e+00 : f32
    %broadcast_in_dim3A_1719 = vector.broadcast %jit3A_1717 : f32 to vector<1024x1xf32>
    %broadcast_in_dim3A_1720 = vector.broadcast %jit3A_1718 : f32 to vector<1024x1xf32>
    %select_n3A_1721 = arith.select %eq3A_1711, %broadcast_in_dim3A_1719, %broadcast_in_dim3A_1720 : vector<1024x1xi1>, vector<1024x1xf32>
    %mul3A_1722 = vector.broadcast %slice3A_1672 : vector<1x64xf32> to vector<1024x64xf32>
    %mul3A_1723 = arith.mulf %concatenate3A_1386, %mul3A_1722 : vector<1024x64xf32>
    %reduce_sum3A_1724 = arith.constant dense<0.000000e+00> : vector<1024xf32>
    %reduce_sum3A_1725 = vector.multi_reduction <add>, %mul3A_1723, %reduce_sum3A_1724 [1] : vector<1024x64xf32> to vector<1024xf32>
    %broadcast_in_dim3A_1726 = vector.shape_cast %reduce_sum3A_1725 : vector<1024xf32> to vector<1024x1xf32>
    %add3A_1727 = arith.addf %add3A_1679, %broadcast_in_dim3A_1726 : vector<1024x1xf32>
    %jit3A_1728 = arith.constant 0.00999999977 : f32
    %ge3A_1729 = arith.constant 0.000000e+00 : f32
    %ge3A_1730 = vector.broadcast %ge3A_1729 : f32 to vector<1024x1xf32>
    %ge3A_1731 = arith.cmpf oge, %add3A_1727, %ge3A_1730 : vector<1024x1xf32>
    %mul3A_1732 = vector.broadcast %jit3A_1728 : f32 to vector<1024x1xf32>
    %mul3A_1733 = arith.mulf %mul3A_1732, %add3A_1727 : vector<1024x1xf32>
    %select_n3A_1734 = arith.select %ge3A_1731, %add3A_1727, %mul3A_1733 : vector<1024x1xi1>, vector<1024x1xf32>
    %add3A_1735 = arith.addf %select_n3A_1734, %select_n3A_1716 : vector<1024x1xf32>
    %slice3A_1736 = vector.extract_strided_slice %get3A_7 {offsets = [0, 2], sizes = [1024, 1], strides = [1, 1]} : vector<1024x6xi32> to vector<1024x1xi32>
    %eq3A_1737 = arith.constant 127 : i32
    %eq3A_1738 = vector.broadcast %eq3A_1737 : i32 to vector<1024x1xi32>
    %eq3A_1739 = arith.cmpi eq, %slice3A_1736, %eq3A_1738 : vector<1024x1xi32>
    %jit3A_1740 = arith.constant -9.000000e+08 : f32
    %jit3A_1741 = arith.constant 0.000000e+00 : f32
    %broadcast_in_dim3A_1742 = vector.broadcast %jit3A_1740 : f32 to vector<1024x1xf32>
    %broadcast_in_dim3A_1743 = vector.broadcast %jit3A_1741 : f32 to vector<1024x1xf32>
    %select_n3A_1744 = arith.select %eq3A_1739, %broadcast_in_dim3A_1742, %broadcast_in_dim3A_1743 : vector<1024x1xi1>, vector<1024x1xf32>
    %jit3A_1745 = arith.constant 0.000000e+00 : f32
    %jit3A_1746 = arith.constant 1.000000e+00 : f32
    %broadcast_in_dim3A_1747 = vector.broadcast %jit3A_1745 : f32 to vector<1024x1xf32>
    %broadcast_in_dim3A_1748 = vector.broadcast %jit3A_1746 : f32 to vector<1024x1xf32>
    %select_n3A_1749 = arith.select %eq3A_1739, %broadcast_in_dim3A_1747, %broadcast_in_dim3A_1748 : vector<1024x1xi1>, vector<1024x1xf32>
    %mul3A_1750 = vector.broadcast %slice3A_1672 : vector<1x64xf32> to vector<1024x64xf32>
    %mul3A_1751 = arith.mulf %concatenate3A_1452, %mul3A_1750 : vector<1024x64xf32>
    %reduce_sum3A_1752 = arith.constant dense<0.000000e+00> : vector<1024xf32>
    %reduce_sum3A_1753 = vector.multi_reduction <add>, %mul3A_1751, %reduce_sum3A_1752 [1] : vector<1024x64xf32> to vector<1024xf32>
    %broadcast_in_dim3A_1754 = vector.shape_cast %reduce_sum3A_1753 : vector<1024xf32> to vector<1024x1xf32>
    %add3A_1755 = arith.addf %add3A_1679, %broadcast_in_dim3A_1754 : vector<1024x1xf32>
    %jit3A_1756 = arith.constant 0.00999999977 : f32
    %ge3A_1757 = arith.constant 0.000000e+00 : f32
    %ge3A_1758 = vector.broadcast %ge3A_1757 : f32 to vector<1024x1xf32>
    %ge3A_1759 = arith.cmpf oge, %add3A_1755, %ge3A_1758 : vector<1024x1xf32>
    %mul3A_1760 = vector.broadcast %jit3A_1756 : f32 to vector<1024x1xf32>
    %mul3A_1761 = arith.mulf %mul3A_1760, %add3A_1755 : vector<1024x1xf32>
    %select_n3A_1762 = arith.select %ge3A_1759, %add3A_1755, %mul3A_1761 : vector<1024x1xi1>, vector<1024x1xf32>
    %add3A_1763 = arith.addf %select_n3A_1762, %select_n3A_1744 : vector<1024x1xf32>
    %slice3A_1764 = vector.extract_strided_slice %get3A_7 {offsets = [0, 3], sizes = [1024, 1], strides = [1, 1]} : vector<1024x6xi32> to vector<1024x1xi32>
    %eq3A_1765 = arith.constant 127 : i32
    %eq3A_1766 = vector.broadcast %eq3A_1765 : i32 to vector<1024x1xi32>
    %eq3A_1767 = arith.cmpi eq, %slice3A_1764, %eq3A_1766 : vector<1024x1xi32>
    %jit3A_1768 = arith.constant -9.000000e+08 : f32
    %jit3A_1769 = arith.constant 0.000000e+00 : f32
    %broadcast_in_dim3A_1770 = vector.broadcast %jit3A_1768 : f32 to vector<1024x1xf32>
    %broadcast_in_dim3A_1771 = vector.broadcast %jit3A_1769 : f32 to vector<1024x1xf32>
    %select_n3A_1772 = arith.select %eq3A_1767, %broadcast_in_dim3A_1770, %broadcast_in_dim3A_1771 : vector<1024x1xi1>, vector<1024x1xf32>
    %jit3A_1773 = arith.constant 0.000000e+00 : f32
    %jit3A_1774 = arith.constant 1.000000e+00 : f32
    %broadcast_in_dim3A_1775 = vector.broadcast %jit3A_1773 : f32 to vector<1024x1xf32>
    %broadcast_in_dim3A_1776 = vector.broadcast %jit3A_1774 : f32 to vector<1024x1xf32>
    %select_n3A_1777 = arith.select %eq3A_1767, %broadcast_in_dim3A_1775, %broadcast_in_dim3A_1776 : vector<1024x1xi1>, vector<1024x1xf32>
    %mul3A_1778 = vector.broadcast %slice3A_1672 : vector<1x64xf32> to vector<1024x64xf32>
    %mul3A_1779 = arith.mulf %concatenate3A_1518, %mul3A_1778 : vector<1024x64xf32>
    %reduce_sum3A_1780 = arith.constant dense<0.000000e+00> : vector<1024xf32>
    %reduce_sum3A_1781 = vector.multi_reduction <add>, %mul3A_1779, %reduce_sum3A_1780 [1] : vector<1024x64xf32> to vector<1024xf32>
    %broadcast_in_dim3A_1782 = vector.shape_cast %reduce_sum3A_1781 : vector<1024xf32> to vector<1024x1xf32>
    %add3A_1783 = arith.addf %add3A_1679, %broadcast_in_dim3A_1782 : vector<1024x1xf32>
    %jit3A_1784 = arith.constant 0.00999999977 : f32
    %ge3A_1785 = arith.constant 0.000000e+00 : f32
    %ge3A_1786 = vector.broadcast %ge3A_1785 : f32 to vector<1024x1xf32>
    %ge3A_1787 = arith.cmpf oge, %add3A_1783, %ge3A_1786 : vector<1024x1xf32>
    %mul3A_1788 = vector.broadcast %jit3A_1784 : f32 to vector<1024x1xf32>
    %mul3A_1789 = arith.mulf %mul3A_1788, %add3A_1783 : vector<1024x1xf32>
    %select_n3A_1790 = arith.select %ge3A_1787, %add3A_1783, %mul3A_1789 : vector<1024x1xi1>, vector<1024x1xf32>
    %add3A_1791 = arith.addf %select_n3A_1790, %select_n3A_1772 : vector<1024x1xf32>
    %slice3A_1792 = vector.extract_strided_slice %get3A_7 {offsets = [0, 4], sizes = [1024, 1], strides = [1, 1]} : vector<1024x6xi32> to vector<1024x1xi32>
    %eq3A_1793 = arith.constant 127 : i32
    %eq3A_1794 = vector.broadcast %eq3A_1793 : i32 to vector<1024x1xi32>
    %eq3A_1795 = arith.cmpi eq, %slice3A_1792, %eq3A_1794 : vector<1024x1xi32>
    %jit3A_1796 = arith.constant -9.000000e+08 : f32
    %jit3A_1797 = arith.constant 0.000000e+00 : f32
    %broadcast_in_dim3A_1798 = vector.broadcast %jit3A_1796 : f32 to vector<1024x1xf32>
    %broadcast_in_dim3A_1799 = vector.broadcast %jit3A_1797 : f32 to vector<1024x1xf32>
    %select_n3A_1800 = arith.select %eq3A_1795, %broadcast_in_dim3A_1798, %broadcast_in_dim3A_1799 : vector<1024x1xi1>, vector<1024x1xf32>
    %jit3A_1801 = arith.constant 0.000000e+00 : f32
    %jit3A_1802 = arith.constant 1.000000e+00 : f32
    %broadcast_in_dim3A_1803 = vector.broadcast %jit3A_1801 : f32 to vector<1024x1xf32>
    %broadcast_in_dim3A_1804 = vector.broadcast %jit3A_1802 : f32 to vector<1024x1xf32>
    %select_n3A_1805 = arith.select %eq3A_1795, %broadcast_in_dim3A_1803, %broadcast_in_dim3A_1804 : vector<1024x1xi1>, vector<1024x1xf32>
    %mul3A_1806 = vector.broadcast %slice3A_1672 : vector<1x64xf32> to vector<1024x64xf32>
    %mul3A_1807 = arith.mulf %concatenate3A_1584, %mul3A_1806 : vector<1024x64xf32>
    %reduce_sum3A_1808 = arith.constant dense<0.000000e+00> : vector<1024xf32>
    %reduce_sum3A_1809 = vector.multi_reduction <add>, %mul3A_1807, %reduce_sum3A_1808 [1] : vector<1024x64xf32> to vector<1024xf32>
    %broadcast_in_dim3A_1810 = vector.shape_cast %reduce_sum3A_1809 : vector<1024xf32> to vector<1024x1xf32>
    %add3A_1811 = arith.addf %add3A_1679, %broadcast_in_dim3A_1810 : vector<1024x1xf32>
    %jit3A_1812 = arith.constant 0.00999999977 : f32
    %ge3A_1813 = arith.constant 0.000000e+00 : f32
    %ge3A_1814 = vector.broadcast %ge3A_1813 : f32 to vector<1024x1xf32>
    %ge3A_1815 = arith.cmpf oge, %add3A_1811, %ge3A_1814 : vector<1024x1xf32>
    %mul3A_1816 = vector.broadcast %jit3A_1812 : f32 to vector<1024x1xf32>
    %mul3A_1817 = arith.mulf %mul3A_1816, %add3A_1811 : vector<1024x1xf32>
    %select_n3A_1818 = arith.select %ge3A_1815, %add3A_1811, %mul3A_1817 : vector<1024x1xi1>, vector<1024x1xf32>
    %add3A_1819 = arith.addf %select_n3A_1818, %select_n3A_1800 : vector<1024x1xf32>
    %slice3A_1820 = vector.extract_strided_slice %get3A_7 {offsets = [0, 5], sizes = [1024, 1], strides = [1, 1]} : vector<1024x6xi32> to vector<1024x1xi32>
    %eq3A_1821 = arith.constant 127 : i32
    %eq3A_1822 = vector.broadcast %eq3A_1821 : i32 to vector<1024x1xi32>
    %eq3A_1823 = arith.cmpi eq, %slice3A_1820, %eq3A_1822 : vector<1024x1xi32>
    %jit3A_1824 = arith.constant -9.000000e+08 : f32
    %jit3A_1825 = arith.constant 0.000000e+00 : f32
    %broadcast_in_dim3A_1826 = vector.broadcast %jit3A_1824 : f32 to vector<1024x1xf32>
    %broadcast_in_dim3A_1827 = vector.broadcast %jit3A_1825 : f32 to vector<1024x1xf32>
    %select_n3A_1828 = arith.select %eq3A_1823, %broadcast_in_dim3A_1826, %broadcast_in_dim3A_1827 : vector<1024x1xi1>, vector<1024x1xf32>
    %jit3A_1829 = arith.constant 0.000000e+00 : f32
    %jit3A_1830 = arith.constant 1.000000e+00 : f32
    %broadcast_in_dim3A_1831 = vector.broadcast %jit3A_1829 : f32 to vector<1024x1xf32>
    %broadcast_in_dim3A_1832 = vector.broadcast %jit3A_1830 : f32 to vector<1024x1xf32>
    %select_n3A_1833 = arith.select %eq3A_1823, %broadcast_in_dim3A_1831, %broadcast_in_dim3A_1832 : vector<1024x1xi1>, vector<1024x1xf32>
    %mul3A_1834 = vector.broadcast %slice3A_1672 : vector<1x64xf32> to vector<1024x64xf32>
    %mul3A_1835 = arith.mulf %concatenate3A_1650, %mul3A_1834 : vector<1024x64xf32>
    %reduce_sum3A_1836 = arith.constant dense<0.000000e+00> : vector<1024xf32>
    %reduce_sum3A_1837 = vector.multi_reduction <add>, %mul3A_1835, %reduce_sum3A_1836 [1] : vector<1024x64xf32> to vector<1024xf32>
    %broadcast_in_dim3A_1838 = vector.shape_cast %reduce_sum3A_1837 : vector<1024xf32> to vector<1024x1xf32>
    %add3A_1839 = arith.addf %add3A_1679, %broadcast_in_dim3A_1838 : vector<1024x1xf32>
    %jit3A_1840 = arith.constant 0.00999999977 : f32
    %ge3A_1841 = arith.constant 0.000000e+00 : f32
    %ge3A_1842 = vector.broadcast %ge3A_1841 : f32 to vector<1024x1xf32>
    %ge3A_1843 = arith.cmpf oge, %add3A_1839, %ge3A_1842 : vector<1024x1xf32>
    %mul3A_1844 = vector.broadcast %jit3A_1840 : f32 to vector<1024x1xf32>
    %mul3A_1845 = arith.mulf %mul3A_1844, %add3A_1839 : vector<1024x1xf32>
    %select_n3A_1846 = arith.select %ge3A_1843, %add3A_1839, %mul3A_1845 : vector<1024x1xi1>, vector<1024x1xf32>
    %add3A_1847 = arith.addf %select_n3A_1846, %select_n3A_1828 : vector<1024x1xf32>
    %max3A_1848 = arith.maximumf %add3A_1707, %add3A_1735 : vector<1024x1xf32>
    %max3A_1849 = arith.maximumf %max3A_1848, %add3A_1763 : vector<1024x1xf32>
    %max3A_1850 = arith.maximumf %max3A_1849, %add3A_1791 : vector<1024x1xf32>
    %max3A_1851 = arith.maximumf %max3A_1850, %add3A_1819 : vector<1024x1xf32>
    %max3A_1852 = arith.maximumf %max3A_1851, %add3A_1847 : vector<1024x1xf32>
    %sub3A_1853 = arith.subf %add3A_1707, %max3A_1852 : vector<1024x1xf32>
    %exp3A_1854 = math.exp %sub3A_1853 : vector<1024x1xf32>
    %sub3A_1855 = arith.subf %add3A_1735, %max3A_1852 : vector<1024x1xf32>
    %exp3A_1856 = math.exp %sub3A_1855 : vector<1024x1xf32>
    %sub3A_1857 = arith.subf %add3A_1763, %max3A_1852 : vector<1024x1xf32>
    %exp3A_1858 = math.exp %sub3A_1857 : vector<1024x1xf32>
    %sub3A_1859 = arith.subf %add3A_1791, %max3A_1852 : vector<1024x1xf32>
    %exp3A_1860 = math.exp %sub3A_1859 : vector<1024x1xf32>
    %sub3A_1861 = arith.subf %add3A_1819, %max3A_1852 : vector<1024x1xf32>
    %exp3A_1862 = math.exp %sub3A_1861 : vector<1024x1xf32>
    %sub3A_1863 = arith.subf %add3A_1847, %max3A_1852 : vector<1024x1xf32>
    %exp3A_1864 = math.exp %sub3A_1863 : vector<1024x1xf32>
    %add3A_1865 = arith.addf %exp3A_1854, %exp3A_1856 : vector<1024x1xf32>
    %add3A_1866 = arith.addf %add3A_1865, %exp3A_1858 : vector<1024x1xf32>
    %add3A_1867 = arith.addf %add3A_1866, %exp3A_1860 : vector<1024x1xf32>
    %add3A_1868 = arith.addf %add3A_1867, %exp3A_1862 : vector<1024x1xf32>
    %add3A_1869 = arith.addf %add3A_1868, %exp3A_1864 : vector<1024x1xf32>
    %broadcast_in_dim3A_1870 = arith.constant 0.000000e+00 : f32
    %broadcast_in_dim3A_1871 = vector.broadcast %broadcast_in_dim3A_1870 : f32 to vector<1024x64xf32>
    %div3A_1872 = arith.divf %exp3A_1854, %add3A_1869 : vector<1024x1xf32>
    %mul3A_1873 = arith.mulf %div3A_1872, %select_n3A_1693 : vector<1024x1xf32>
    %dot_general3A_1874 = arith.constant dense<0.000000e+00> : vector<1024x64xf32>
    %dot_general3A_1875 = tpu.matmul %concatenate3A_1320, %get3A_1665, %dot_general3A_1874 {dimension_numbers = #tpu.dot_dimension_numbers<[1], [1], [0], [0], [0, 0, 1, 0], [], []>, precision = #tpu.contract_precision<fp32>, transpose_lhs_hint = false} : vector<1024x64xf32>, vector<64x64xf32>, vector<1024x64xf32> -> vector<1024x64xf32>
    %add3A_1876 = vector.broadcast %get3A_1670 : vector<1x64xf32> to vector<1024x64xf32>
    %add3A_1877 = arith.addf %dot_general3A_1875, %add3A_1876 : vector<1024x64xf32>
    %mul3A_1878 = vector.broadcast %mul3A_1873 : vector<1024x1xf32> to vector<1024x64xf32>
    %mul3A_1879 = arith.mulf %mul3A_1878, %add3A_1877 : vector<1024x64xf32>
    %add3A_1880 = arith.addf %broadcast_in_dim3A_1871, %mul3A_1879 : vector<1024x64xf32>
    %div3A_1881 = arith.divf %exp3A_1856, %add3A_1869 : vector<1024x1xf32>
    %mul3A_1882 = arith.mulf %div3A_1881, %select_n3A_1721 : vector<1024x1xf32>
    %dot_general3A_1883 = arith.constant dense<0.000000e+00> : vector<1024x64xf32>
    %dot_general3A_1884 = tpu.matmul %concatenate3A_1386, %get3A_1665, %dot_general3A_1883 {dimension_numbers = #tpu.dot_dimension_numbers<[1], [1], [0], [0], [0, 0, 1, 0], [], []>, precision = #tpu.contract_precision<fp32>, transpose_lhs_hint = false} : vector<1024x64xf32>, vector<64x64xf32>, vector<1024x64xf32> -> vector<1024x64xf32>
    %add3A_1885 = vector.broadcast %get3A_1670 : vector<1x64xf32> to vector<1024x64xf32>
    %add3A_1886 = arith.addf %dot_general3A_1884, %add3A_1885 : vector<1024x64xf32>
    %mul3A_1887 = vector.broadcast %mul3A_1882 : vector<1024x1xf32> to vector<1024x64xf32>
    %mul3A_1888 = arith.mulf %mul3A_1887, %add3A_1886 : vector<1024x64xf32>
    %add3A_1889 = arith.addf %add3A_1880, %mul3A_1888 : vector<1024x64xf32>
    %div3A_1890 = arith.divf %exp3A_1858, %add3A_1869 : vector<1024x1xf32>
    %mul3A_1891 = arith.mulf %div3A_1890, %select_n3A_1749 : vector<1024x1xf32>
    %dot_general3A_1892 = arith.constant dense<0.000000e+00> : vector<1024x64xf32>
    %dot_general3A_1893 = tpu.matmul %concatenate3A_1452, %get3A_1665, %dot_general3A_1892 {dimension_numbers = #tpu.dot_dimension_numbers<[1], [1], [0], [0], [0, 0, 1, 0], [], []>, precision = #tpu.contract_precision<fp32>, transpose_lhs_hint = false} : vector<1024x64xf32>, vector<64x64xf32>, vector<1024x64xf32> -> vector<1024x64xf32>
    %add3A_1894 = vector.broadcast %get3A_1670 : vector<1x64xf32> to vector<1024x64xf32>
    %add3A_1895 = arith.addf %dot_general3A_1893, %add3A_1894 : vector<1024x64xf32>
    %mul3A_1896 = vector.broadcast %mul3A_1891 : vector<1024x1xf32> to vector<1024x64xf32>
    %mul3A_1897 = arith.mulf %mul3A_1896, %add3A_1895 : vector<1024x64xf32>
    %add3A_1898 = arith.addf %add3A_1889, %mul3A_1897 : vector<1024x64xf32>
    %div3A_1899 = arith.divf %exp3A_1860, %add3A_1869 : vector<1024x1xf32>
    %mul3A_1900 = arith.mulf %div3A_1899, %select_n3A_1777 : vector<1024x1xf32>
    %dot_general3A_1901 = arith.constant dense<0.000000e+00> : vector<1024x64xf32>
    %dot_general3A_1902 = tpu.matmul %concatenate3A_1518, %get3A_1665, %dot_general3A_1901 {dimension_numbers = #tpu.dot_dimension_numbers<[1], [1], [0], [0], [0, 0, 1, 0], [], []>, precision = #tpu.contract_precision<fp32>, transpose_lhs_hint = false} : vector<1024x64xf32>, vector<64x64xf32>, vector<1024x64xf32> -> vector<1024x64xf32>
    %add3A_1903 = vector.broadcast %get3A_1670 : vector<1x64xf32> to vector<1024x64xf32>
    %add3A_1904 = arith.addf %dot_general3A_1902, %add3A_1903 : vector<1024x64xf32>
    %mul3A_1905 = vector.broadcast %mul3A_1900 : vector<1024x1xf32> to vector<1024x64xf32>
    %mul3A_1906 = arith.mulf %mul3A_1905, %add3A_1904 : vector<1024x64xf32>
    %add3A_1907 = arith.addf %add3A_1898, %mul3A_1906 : vector<1024x64xf32>
    %div3A_1908 = arith.divf %exp3A_1862, %add3A_1869 : vector<1024x1xf32>
    %mul3A_1909 = arith.mulf %div3A_1908, %select_n3A_1805 : vector<1024x1xf32>
    %dot_general3A_1910 = arith.constant dense<0.000000e+00> : vector<1024x64xf32>
    %dot_general3A_1911 = tpu.matmul %concatenate3A_1584, %get3A_1665, %dot_general3A_1910 {dimension_numbers = #tpu.dot_dimension_numbers<[1], [1], [0], [0], [0, 0, 1, 0], [], []>, precision = #tpu.contract_precision<fp32>, transpose_lhs_hint = false} : vector<1024x64xf32>, vector<64x64xf32>, vector<1024x64xf32> -> vector<1024x64xf32>
    %add3A_1912 = vector.broadcast %get3A_1670 : vector<1x64xf32> to vector<1024x64xf32>
    %add3A_1913 = arith.addf %dot_general3A_1911, %add3A_1912 : vector<1024x64xf32>
    %mul3A_1914 = vector.broadcast %mul3A_1909 : vector<1024x1xf32> to vector<1024x64xf32>
    %mul3A_1915 = arith.mulf %mul3A_1914, %add3A_1913 : vector<1024x64xf32>
    %add3A_1916 = arith.addf %add3A_1907, %mul3A_1915 : vector<1024x64xf32>
    %div3A_1917 = arith.divf %exp3A_1864, %add3A_1869 : vector<1024x1xf32>
    %mul3A_1918 = arith.mulf %div3A_1917, %select_n3A_1833 : vector<1024x1xf32>
    %dot_general3A_1919 = arith.constant dense<0.000000e+00> : vector<1024x64xf32>
    %dot_general3A_1920 = tpu.matmul %concatenate3A_1650, %get3A_1665, %dot_general3A_1919 {dimension_numbers = #tpu.dot_dimension_numbers<[1], [1], [0], [0], [0, 0, 1, 0], [], []>, precision = #tpu.contract_precision<fp32>, transpose_lhs_hint = false} : vector<1024x64xf32>, vector<64x64xf32>, vector<1024x64xf32> -> vector<1024x64xf32>
    %add3A_1921 = vector.broadcast %get3A_1670 : vector<1x64xf32> to vector<1024x64xf32>
    %add3A_1922 = arith.addf %dot_general3A_1920, %add3A_1921 : vector<1024x64xf32>
    %mul3A_1923 = vector.broadcast %mul3A_1918 : vector<1024x1xf32> to vector<1024x64xf32>
    %mul3A_1924 = arith.mulf %mul3A_1923, %add3A_1922 : vector<1024x64xf32>
    %add3A_1925 = arith.addf %add3A_1916, %mul3A_1924 : vector<1024x64xf32>
    %gt3A_1926 = arith.constant 0.000000e+00 : f32
    %gt3A_1927 = vector.broadcast %gt3A_1926 : f32 to vector<1024x64xf32>
    %gt3A_1928 = arith.cmpf ogt, %add3A_1925, %gt3A_1927 : vector<1024x64xf32>
    %min3A_1929 = arith.constant 0.000000e+00 : f32
    %min3A_1930 = vector.broadcast %min3A_1929 : f32 to vector<1024x64xf32>
    %min3A_1931 = arith.minimumf %add3A_1925, %min3A_1930 : vector<1024x64xf32>
    %exp3A_1932 = math.exp %min3A_1931 : vector<1024x64xf32>
    %sub3A_1933 = arith.constant 1.000000e+00 : f32
    %sub3A_1934 = vector.broadcast %sub3A_1933 : f32 to vector<1024x64xf32>
    %sub3A_1935 = arith.subf %exp3A_1932, %sub3A_1934 : vector<1024x64xf32>
    %select_n3A_1936 = arith.select %gt3A_1928, %add3A_1925, %sub3A_1935 : vector<1024x64xi1>, vector<1024x64xf32>
    %get3A_1937 = arith.constant 1 : index
    %get3A_1938 = arith.constant 0 : index
    %get3A_1939 = arith.constant 0 : index
    %get3A_1940 = vector.load %arg10[%get3A_1937, %get3A_1938, %get3A_1939] : memref<2x192x64xf32, #tpu.memory_space<vmem>>, vector<1x192x64xf32>
    %get3A_1941 = vector.shape_cast %get3A_1940 : vector<1x192x64xf32> to vector<192x64xf32>
    %get3A_1942 = arith.constant 1 : index
    %get3A_1943 = arith.constant 0 : index
    %get3A_1944 = arith.constant 0 : index
    %get3A_1945 = vector.load %arg12[%get3A_1942, %get3A_1943, %get3A_1944] : memref<2x192x64xf32, #tpu.memory_space<vmem>>, vector<1x192x64xf32>
    %get3A_1946 = vector.shape_cast %get3A_1945 : vector<1x192x64xf32> to vector<192x64xf32>
    %get3A_1947 = arith.constant 1 : index
    %get3A_1948 = arith.constant 0 : index
    %get3A_1949 = arith.constant 0 : index
    %get3A_1950 = vector.load %arg11[%get3A_1947, %get3A_1948, %get3A_1949] : memref<2x1x192xf32, #tpu.memory_space<vmem>>, vector<1x1x192xf32>
    %get3A_1951 = vector.shape_cast %get3A_1950 : vector<1x1x192xf32> to vector<1x192xf32>
    %get3A_1952 = arith.constant 1 : index
    %get3A_1953 = arith.constant 0 : index
    %get3A_1954 = arith.constant 0 : index
    %get3A_1955 = vector.load %arg13[%get3A_1952, %get3A_1953, %get3A_1954] : memref<2x1x192xf32, #tpu.memory_space<vmem>>, vector<1x1x192xf32>
    %get3A_1956 = vector.shape_cast %get3A_1955 : vector<1x1x192xf32> to vector<1x192xf32>
    %transpose3A_1957 = tpu.transpose %get3A_1941, [1, 0] : vector<192x64xf32> -> vector<64x192xf32>
    %dot_general3A_1958 = arith.constant dense<0.000000e+00> : vector<1024x192xf32>
    %dot_general3A_1959 = tpu.matmul %select_n3A_1936, %transpose3A_1957, %dot_general3A_1958 {dimension_numbers = #tpu.dot_dimension_numbers<[1], [0], [0], [1], [0, 0, 1, 1], [], []>, transpose_lhs_hint = false} : vector<1024x64xf32>, vector<64x192xf32>, vector<1024x192xf32> -> vector<1024x192xf32>
    %add3A_1960 = vector.broadcast %get3A_1951 : vector<1x192xf32> to vector<1024x192xf32>
    %add3A_1961 = arith.addf %dot_general3A_1959, %add3A_1960 : vector<1024x192xf32>
    %transpose3A_1962 = tpu.transpose %get3A_1946, [1, 0] : vector<192x64xf32> -> vector<64x192xf32>
    %dot_general3A_1963 = arith.constant dense<0.000000e+00> : vector<1024x192xf32>
    %dot_general3A_1964 = tpu.matmul %add3A_1251, %transpose3A_1962, %dot_general3A_1963 {dimension_numbers = #tpu.dot_dimension_numbers<[1], [0], [0], [1], [0, 0, 1, 1], [], []>, transpose_lhs_hint = false} : vector<1024x64xf32>, vector<64x192xf32>, vector<1024x192xf32> -> vector<1024x192xf32>
    %add3A_1965 = vector.broadcast %get3A_1956 : vector<1x192xf32> to vector<1024x192xf32>
    %add3A_1966 = arith.addf %dot_general3A_1964, %add3A_1965 : vector<1024x192xf32>
    %split3A_1967 = vector.extract_strided_slice %add3A_1961 {offsets = [0, 0], sizes = [1024, 64], strides = [1, 1]} : vector<1024x192xf32> to vector<1024x64xf32>
    %split3A_1968 = vector.extract_strided_slice %add3A_1961 {offsets = [0, 64], sizes = [1024, 64], strides = [1, 1]} : vector<1024x192xf32> to vector<1024x64xf32>
    %split3A_1969 = vector.extract_strided_slice %add3A_1961 {offsets = [0, 128], sizes = [1024, 64], strides = [1, 1]} : vector<1024x192xf32> to vector<1024x64xf32>
    %split3A_1970 = vector.extract_strided_slice %add3A_1966 {offsets = [0, 0], sizes = [1024, 64], strides = [1, 1]} : vector<1024x192xf32> to vector<1024x64xf32>
    %split3A_1971 = vector.extract_strided_slice %add3A_1966 {offsets = [0, 64], sizes = [1024, 64], strides = [1, 1]} : vector<1024x192xf32> to vector<1024x64xf32>
    %split3A_1972 = vector.extract_strided_slice %add3A_1966 {offsets = [0, 128], sizes = [1024, 64], strides = [1, 1]} : vector<1024x192xf32> to vector<1024x64xf32>
    %add3A_1973 = arith.addf %split3A_1967, %split3A_1970 : vector<1024x64xf32>
    %logistic3A_1974 = arith.negf %add3A_1973 : vector<1024x64xf32>
    %logistic3A_1975 = math.exp %logistic3A_1974 : vector<1024x64xf32>
    %logistic3A_1976 = arith.constant 1.000000e+00 : f32
    %logistic3A_1977 = vector.broadcast %logistic3A_1976 : f32 to vector<1024x64xf32>
    %logistic3A_1978 = arith.addf %logistic3A_1977, %logistic3A_1975 : vector<1024x64xf32>
    %logistic3A_1979 = arith.divf %logistic3A_1977, %logistic3A_1978 : vector<1024x64xf32>
    %add3A_1980 = arith.addf %split3A_1968, %split3A_1971 : vector<1024x64xf32>
    %logistic3A_1981 = arith.negf %add3A_1980 : vector<1024x64xf32>
    %logistic3A_1982 = math.exp %logistic3A_1981 : vector<1024x64xf32>
    %logistic3A_1983 = arith.constant 1.000000e+00 : f32
    %logistic3A_1984 = vector.broadcast %logistic3A_1983 : f32 to vector<1024x64xf32>
    %logistic3A_1985 = arith.addf %logistic3A_1984, %logistic3A_1982 : vector<1024x64xf32>
    %logistic3A_1986 = arith.divf %logistic3A_1984, %logistic3A_1985 : vector<1024x64xf32>
    %mul3A_1987 = arith.mulf %logistic3A_1979, %split3A_1972 : vector<1024x64xf32>
    %add3A_1988 = arith.addf %split3A_1969, %mul3A_1987 : vector<1024x64xf32>
    %tanh3A_1989 = math.tanh %add3A_1988 : vector<1024x64xf32>
    %sub3A_1990 = arith.constant 1.000000e+00 : f32
    %sub3A_1991 = vector.broadcast %sub3A_1990 : f32 to vector<1024x64xf32>
    %sub3A_1992 = arith.subf %sub3A_1991, %logistic3A_1986 : vector<1024x64xf32>
    %mul3A_1993 = arith.mulf %sub3A_1992, %tanh3A_1989 : vector<1024x64xf32>
    %mul3A_1994 = arith.mulf %logistic3A_1986, %add3A_1251 : vector<1024x64xf32>
    %add3A_1995 = arith.addf %mul3A_1993, %mul3A_1994 : vector<1024x64xf32>
    %max3A_1996 = arith.constant 0.000000e+00 : f32
    %max3A_1997 = vector.broadcast %max3A_1996 : f32 to vector<1024x64xf32>
    %max3A_1998 = arith.maximumf %add3A_1995, %max3A_1997 : vector<1024x64xf32>
    %swap3A = arith.constant 0 : index
    %swap3A_1999 = arith.constant 0 : index
    %swap3A_2000 = vector.load %arg28[%swap3A, %swap3A_1999] : memref<1024x64xf32, #tpu.memory_space<vmem>>, vector<1024x64xf32>
    tpu.vector_store %arg28[%swap3A, %swap3A_1999], %add3A_1995 {strides = array<i32>} : memref<1024x64xf32, #tpu.memory_space<vmem>>, vector<1024x64xf32>,
    %iota3A_2001 = tpu.iota {dimensions = array<i32: 0>} : vector<1024x8xi32>
    %jit3A_2002 = arith.constant 128 : i32
    %div3A_2003 = vector.broadcast %jit3A_2002 : i32 to vector<1024x8xi32>
    %div3A_2004 = arith.divsi %iota3A_2001, %div3A_2003 : vector<1024x8xi32>
    %sign3A = arith.constant 0 : i32
    %sign3A_2005 = vector.broadcast %sign3A : i32 to vector<1024x8xi32>
    %sign3A_2006 = arith.cmpi sgt, %iota3A_2001, %sign3A_2005 : vector<1024x8xi32>
    %sign3A_2007 = arith.extui %sign3A_2006 : vector<1024x8xi1> to vector<1024x8xi32>
    %sign3A_2008 = arith.constant 0 : i32
    %sign3A_2009 = vector.broadcast %sign3A_2008 : i32 to vector<1024x8xi32>
    %sign3A_2010 = arith.cmpi slt, %iota3A_2001, %sign3A_2009 : vector<1024x8xi32>
    %sign3A_2011 = arith.extui %sign3A_2010 : vector<1024x8xi1> to vector<1024x8xi32>
    %sign3A_2012 = arith.subi %sign3A_2007, %sign3A_2011 : vector<1024x8xi32>
    %sign3A_2013 = arith.constant 0 : i32
    %sign3A_2014 = arith.cmpi sgt, %jit3A_2002, %sign3A_2013 : i32
    %sign3A_2015 = arith.extui %sign3A_2014 : i1 to i32
    %sign3A_2016 = arith.constant 0 : i32
    %sign3A_2017 = arith.cmpi slt, %jit3A_2002, %sign3A_2016 : i32
    %sign3A_2018 = arith.extui %sign3A_2017 : i1 to i32
    %sign3A_2019 = arith.subi %sign3A_2015, %sign3A_2018 : i32
    %ne3A = vector.broadcast %sign3A_2019 : i32 to vector<1024x8xi32>
    %ne3A_2020 = arith.cmpi ne, %sign3A_2012, %ne3A : vector<1024x8xi32>
    %rem3A = vector.broadcast %jit3A_2002 : i32 to vector<1024x8xi32>
    %rem3A_2021 = arith.remsi %iota3A_2001, %rem3A : vector<1024x8xi32>
    %ne3A_2022 = arith.constant 0 : i32
    %ne3A_2023 = vector.broadcast %ne3A_2022 : i32 to vector<1024x8xi32>
    %ne3A_2024 = arith.cmpi ne, %rem3A_2021, %ne3A_2023 : vector<1024x8xi32>
    %and3A = arith.andi %ne3A_2020, %ne3A_2024 : vector<1024x8xi1>
    %sub3A_2025 = arith.constant 1 : i32
    %sub3A_2026 = vector.broadcast %sub3A_2025 : i32 to vector<1024x8xi32>
    %sub3A_2027 = arith.subi %div3A_2004, %sub3A_2026 : vector<1024x8xi32>
    %select_n3A_2028 = arith.select %and3A, %sub3A_2027, %div3A_2004 : vector<1024x8xi1>, vector<1024x8xi32>
    %iota3A_2029 = tpu.iota {dimensions = array<i32: 1>} : vector<1024x8xi32>
    %eq3A_2030 = arith.cmpi eq, %select_n3A_2028, %iota3A_2029 : vector<1024x8xi32>
    %convert_element_type3A_2031 = arith.extui %eq3A_2030 : vector<1024x8xi1> to vector<1024x8xi32>
    %convert_element_type3A_2032 = arith.sitofp %convert_element_type3A_2031 : vector<1024x8xi32> to vector<1024x8xf32>
    %mul3A_2033 = vector.broadcast %get3A_13 : vector<1024x1xf32> to vector<1024x64xf32>
    %mul3A_2034 = arith.mulf %max3A_1998, %mul3A_2033 : vector<1024x64xf32>
    %dot_general3A_2035 = arith.constant dense<0.000000e+00> : vector<8x64xf32>
    %dot_general3A_2036 = tpu.matmul %convert_element_type3A_2032, %mul3A_2034, %dot_general3A_2035 {dimension_numbers = #tpu.dot_dimension_numbers<[0], [0], [1], [1], [0, 1, 1, 1], [], []>, precision = #tpu.contract_precision<fp32>, transpose_lhs_hint = false} : vector<1024x8xf32>, vector<1024x64xf32>, vector<8x64xf32> -> vector<8x64xf32>
    %max3A_2037 = arith.constant 0.000000e+00 : f32
    %max3A_2038 = vector.broadcast %max3A_2037 : f32 to vector<8x64xf32>
    %max3A_2039 = arith.maximumf %dot_general3A_2036, %max3A_2038 : vector<8x64xf32>
    %eq3A_2040 = arith.constant 0.000000e+00 : f32
    %eq3A_2041 = vector.broadcast %eq3A_2040 : f32 to vector<1024x1xf32>
    %eq3A_2042 = arith.cmpf oeq, %get3A_13, %eq3A_2041 : vector<1024x1xf32>
    %jit3A_2043 = arith.constant -9.000000e+08 : f32
    %jit3A_2044 = arith.constant 0.000000e+00 : f32
    %broadcast_in_dim3A_2045 = vector.broadcast %jit3A_2043 : f32 to vector<1024x1xf32>
    %broadcast_in_dim3A_2046 = vector.broadcast %jit3A_2044 : f32 to vector<1024x1xf32>
    %select_n3A_2047 = arith.select %eq3A_2042, %broadcast_in_dim3A_2045, %broadcast_in_dim3A_2046 : vector<1024x1xi1>, vector<1024x1xf32>
    %get3A_2048 = arith.constant 0 : index
    %get3A_2049 = arith.constant 0 : index
    %get3A_2050 = vector.load %arg22[%get3A_2048, %get3A_2049] : memref<1x128xf32, #tpu.memory_space<vmem>>, vector<1x128xf32>
    %slice3A_2051 = vector.extract_strided_slice %get3A_2050 {offsets = [0, 0], sizes = [1, 64], strides = [1, 1]} : vector<1x128xf32> to vector<1x64xf32>
    %slice3A_2052 = vector.extract_strided_slice %get3A_2050 {offsets = [0, 64], sizes = [1, 64], strides = [1, 1]} : vector<1x128xf32> to vector<1x64xf32>
    %get3A_2053 = arith.constant 0 : index
    %get3A_2054 = arith.constant 0 : index
    %get3A_2055 = vector.load %arg24[%get3A_2053, %get3A_2054] : memref<64x64xf32, #tpu.memory_space<vmem>>, vector<64x64xf32>
    %dot_general3A_2056 = arith.constant dense<0.000000e+00> : vector<1024x64xf32>
    %dot_general3A_2057 = tpu.matmul %max3A_1998, %get3A_2055, %dot_general3A_2056 {dimension_numbers = #tpu.dot_dimension_numbers<[1], [1], [0], [0], [0, 0, 1, 0], [], []>, precision = #tpu.contract_precision<fp32>, transpose_lhs_hint = false} : vector<1024x64xf32>, vector<64x64xf32>, vector<1024x64xf32> -> vector<1024x64xf32>
    %get3A_2058 = arith.constant 0 : index
    %get3A_2059 = arith.constant 0 : index
    %get3A_2060 = vector.load %arg25[%get3A_2058, %get3A_2059] : memref<1x64xf32, #tpu.memory_space<vmem>>, vector<1x64xf32>
    %add3A_2061 = vector.broadcast %get3A_2060 : vector<1x64xf32> to vector<1024x64xf32>
    %add3A_2062 = arith.addf %dot_general3A_2057, %add3A_2061 : vector<1024x64xf32>
    %dot_general3A_2063 = arith.constant dense<0.000000e+00> : vector<1024x64xf32>
    %dot_general3A_2064 = tpu.matmul %convert_element_type3A_2032, %max3A_2039, %dot_general3A_2063 {dimension_numbers = #tpu.dot_dimension_numbers<[1], [0], [0], [1], [0, 0, 1, 1], [], []>, precision = #tpu.contract_precision<fp32>, transpose_lhs_hint = false} : vector<1024x8xf32>, vector<8x64xf32>, vector<1024x64xf32> -> vector<1024x64xf32>
    %mul3A_2065 = vector.broadcast %slice3A_2051 : vector<1x64xf32> to vector<1024x64xf32>
    %mul3A_2066 = arith.mulf %dot_general3A_2064, %mul3A_2065 : vector<1024x64xf32>
    %reduce_sum3A_2067 = arith.constant dense<0.000000e+00> : vector<1024xf32>
    %reduce_sum3A_2068 = vector.multi_reduction <add>, %mul3A_2066, %reduce_sum3A_2067 [1] : vector<1024x64xf32> to vector<1024xf32>
    %broadcast_in_dim3A_2069 = vector.shape_cast %reduce_sum3A_2068 : vector<1024xf32> to vector<1024x1xf32>
    %mul3A_2070 = vector.broadcast %slice3A_2052 : vector<1x64xf32> to vector<1024x64xf32>
    %mul3A_2071 = arith.mulf %max3A_1998, %mul3A_2070 : vector<1024x64xf32>
    %reduce_sum3A_2072 = arith.constant dense<0.000000e+00> : vector<1024xf32>
    %reduce_sum3A_2073 = vector.multi_reduction <add>, %mul3A_2071, %reduce_sum3A_2072 [1] : vector<1024x64xf32> to vector<1024xf32>
    %broadcast_in_dim3A_2074 = vector.shape_cast %reduce_sum3A_2073 : vector<1024xf32> to vector<1024x1xf32>
    %add3A_2075 = arith.addf %broadcast_in_dim3A_2069, %broadcast_in_dim3A_2074 : vector<1024x1xf32>
    %get3A_2076 = arith.constant 0 : index
    %get3A_2077 = arith.constant 0 : index
    %get3A_2078 = vector.load %arg23[%get3A_2076, %get3A_2077] : memref<1x1xf32, #tpu.memory_space<vmem>>, vector<1x1xf32>
    %add3A_2079 = vector.broadcast %get3A_2078 : vector<1x1xf32> to vector<1024x1xf32>
    %add3A_2080 = arith.addf %add3A_2075, %add3A_2079 : vector<1024x1xf32>
    %jit3A_2081 = arith.constant 0.00999999977 : f32
    %ge3A_2082 = arith.constant 0.000000e+00 : f32
    %ge3A_2083 = vector.broadcast %ge3A_2082 : f32 to vector<1024x1xf32>
    %ge3A_2084 = arith.cmpf oge, %add3A_2080, %ge3A_2083 : vector<1024x1xf32>
    %mul3A_2085 = vector.broadcast %jit3A_2081 : f32 to vector<1024x1xf32>
    %mul3A_2086 = arith.mulf %mul3A_2085, %add3A_2080 : vector<1024x1xf32>
    %select_n3A_2087 = arith.select %ge3A_2084, %add3A_2080, %mul3A_2086 : vector<1024x1xi1>, vector<1024x1xf32>
    %add3A_2088 = arith.addf %select_n3A_2087, %select_n3A_2047 : vector<1024x1xf32>
    %slice3A_2089 = vector.extract_strided_slice %add3A_2088 {offsets = [0, 0], sizes = [128, 1], strides = [1, 1]} : vector<1024x1xf32> to vector<128x1xf32>
    %reduce_max3A = vector.shape_cast %slice3A_2089 : vector<128x1xf32> to vector<1x128x1xf32>
    %reduce_max3A_2090 = arith.constant dense<0xFF800000> : vector<1xf32>
    %reduce_max3A_2091 = vector.multi_reduction <maximumf>, %reduce_max3A, %reduce_max3A_2090 [1, 2] : vector<1x128x1xf32> to vector<1xf32>
    %reduce_max3A_2092 = vector.shape_cast %reduce_max3A_2091 : vector<1xf32> to vector<1x1x1xf32>
    %reduce_max3A_2093 = vector.extract %reduce_max3A_2092[0, 0, 0] : f32 from vector<1x1x1xf32>
    %sub3A_2094 = vector.broadcast %reduce_max3A_2093 : f32 to vector<128x1xf32>
    %sub3A_2095 = arith.subf %slice3A_2089, %sub3A_2094 : vector<128x1xf32>
    %slice3A_2096 = vector.extract_strided_slice %add3A_2088 {offsets = [128, 0], sizes = [128, 1], strides = [1, 1]} : vector<1024x1xf32> to vector<128x1xf32>
    %reduce_max3A_2097 = vector.shape_cast %slice3A_2096 : vector<128x1xf32> to vector<1x128x1xf32>
    %reduce_max3A_2098 = arith.constant dense<0xFF800000> : vector<1xf32>
    %reduce_max3A_2099 = vector.multi_reduction <maximumf>, %reduce_max3A_2097, %reduce_max3A_2098 [1, 2] : vector<1x128x1xf32> to vector<1xf32>
    %reduce_max3A_2100 = vector.shape_cast %reduce_max3A_2099 : vector<1xf32> to vector<1x1x1xf32>
    %reduce_max3A_2101 = vector.extract %reduce_max3A_2100[0, 0, 0] : f32 from vector<1x1x1xf32>
    %sub3A_2102 = vector.broadcast %reduce_max3A_2101 : f32 to vector<128x1xf32>
    %sub3A_2103 = arith.subf %slice3A_2096, %sub3A_2102 : vector<128x1xf32>
    %slice3A_2104 = vector.extract_strided_slice %add3A_2088 {offsets = [256, 0], sizes = [128, 1], strides = [1, 1]} : vector<1024x1xf32> to vector<128x1xf32>
    %reduce_max3A_2105 = vector.shape_cast %slice3A_2104 : vector<128x1xf32> to vector<1x128x1xf32>
    %reduce_max3A_2106 = arith.constant dense<0xFF800000> : vector<1xf32>
    %reduce_max3A_2107 = vector.multi_reduction <maximumf>, %reduce_max3A_2105, %reduce_max3A_2106 [1, 2] : vector<1x128x1xf32> to vector<1xf32>
    %reduce_max3A_2108 = vector.shape_cast %reduce_max3A_2107 : vector<1xf32> to vector<1x1x1xf32>
    %reduce_max3A_2109 = vector.extract %reduce_max3A_2108[0, 0, 0] : f32 from vector<1x1x1xf32>
    %sub3A_2110 = vector.broadcast %reduce_max3A_2109 : f32 to vector<128x1xf32>
    %sub3A_2111 = arith.subf %slice3A_2104, %sub3A_2110 : vector<128x1xf32>
    %slice3A_2112 = vector.extract_strided_slice %add3A_2088 {offsets = [384, 0], sizes = [128, 1], strides = [1, 1]} : vector<1024x1xf32> to vector<128x1xf32>
    %reduce_max3A_2113 = vector.shape_cast %slice3A_2112 : vector<128x1xf32> to vector<1x128x1xf32>
    %reduce_max3A_2114 = arith.constant dense<0xFF800000> : vector<1xf32>
    %reduce_max3A_2115 = vector.multi_reduction <maximumf>, %reduce_max3A_2113, %reduce_max3A_2114 [1, 2] : vector<1x128x1xf32> to vector<1xf32>
    %reduce_max3A_2116 = vector.shape_cast %reduce_max3A_2115 : vector<1xf32> to vector<1x1x1xf32>
    %reduce_max3A_2117 = vector.extract %reduce_max3A_2116[0, 0, 0] : f32 from vector<1x1x1xf32>
    %sub3A_2118 = vector.broadcast %reduce_max3A_2117 : f32 to vector<128x1xf32>
    %sub3A_2119 = arith.subf %slice3A_2112, %sub3A_2118 : vector<128x1xf32>
    %slice3A_2120 = vector.extract_strided_slice %add3A_2088 {offsets = [512, 0], sizes = [128, 1], strides = [1, 1]} : vector<1024x1xf32> to vector<128x1xf32>
    %reduce_max3A_2121 = vector.shape_cast %slice3A_2120 : vector<128x1xf32> to vector<1x128x1xf32>
    %reduce_max3A_2122 = arith.constant dense<0xFF800000> : vector<1xf32>
    %reduce_max3A_2123 = vector.multi_reduction <maximumf>, %reduce_max3A_2121, %reduce_max3A_2122 [1, 2] : vector<1x128x1xf32> to vector<1xf32>
    %reduce_max3A_2124 = vector.shape_cast %reduce_max3A_2123 : vector<1xf32> to vector<1x1x1xf32>
    %reduce_max3A_2125 = vector.extract %reduce_max3A_2124[0, 0, 0] : f32 from vector<1x1x1xf32>
    %sub3A_2126 = vector.broadcast %reduce_max3A_2125 : f32 to vector<128x1xf32>
    %sub3A_2127 = arith.subf %slice3A_2120, %sub3A_2126 : vector<128x1xf32>
    %slice3A_2128 = vector.extract_strided_slice %add3A_2088 {offsets = [640, 0], sizes = [128, 1], strides = [1, 1]} : vector<1024x1xf32> to vector<128x1xf32>
    %reduce_max3A_2129 = vector.shape_cast %slice3A_2128 : vector<128x1xf32> to vector<1x128x1xf32>
    %reduce_max3A_2130 = arith.constant dense<0xFF800000> : vector<1xf32>
    %reduce_max3A_2131 = vector.multi_reduction <maximumf>, %reduce_max3A_2129, %reduce_max3A_2130 [1, 2] : vector<1x128x1xf32> to vector<1xf32>
    %reduce_max3A_2132 = vector.shape_cast %reduce_max3A_2131 : vector<1xf32> to vector<1x1x1xf32>
    %reduce_max3A_2133 = vector.extract %reduce_max3A_2132[0, 0, 0] : f32 from vector<1x1x1xf32>
    %sub3A_2134 = vector.broadcast %reduce_max3A_2133 : f32 to vector<128x1xf32>
    %sub3A_2135 = arith.subf %slice3A_2128, %sub3A_2134 : vector<128x1xf32>
    %slice3A_2136 = vector.extract_strided_slice %add3A_2088 {offsets = [768, 0], sizes = [128, 1], strides = [1, 1]} : vector<1024x1xf32> to vector<128x1xf32>
    %reduce_max3A_2137 = vector.shape_cast %slice3A_2136 : vector<128x1xf32> to vector<1x128x1xf32>
    %reduce_max3A_2138 = arith.constant dense<0xFF800000> : vector<1xf32>
    %reduce_max3A_2139 = vector.multi_reduction <maximumf>, %reduce_max3A_2137, %reduce_max3A_2138 [1, 2] : vector<1x128x1xf32> to vector<1xf32>
    %reduce_max3A_2140 = vector.shape_cast %reduce_max3A_2139 : vector<1xf32> to vector<1x1x1xf32>
    %reduce_max3A_2141 = vector.extract %reduce_max3A_2140[0, 0, 0] : f32 from vector<1x1x1xf32>
    %sub3A_2142 = vector.broadcast %reduce_max3A_2141 : f32 to vector<128x1xf32>
    %sub3A_2143 = arith.subf %slice3A_2136, %sub3A_2142 : vector<128x1xf32>
    %slice3A_2144 = vector.extract_strided_slice %add3A_2088 {offsets = [896, 0], sizes = [128, 1], strides = [1, 1]} : vector<1024x1xf32> to vector<128x1xf32>
    %reduce_max3A_2145 = vector.shape_cast %slice3A_2144 : vector<128x1xf32> to vector<1x128x1xf32>
    %reduce_max3A_2146 = arith.constant dense<0xFF800000> : vector<1xf32>
    %reduce_max3A_2147 = vector.multi_reduction <maximumf>, %reduce_max3A_2145, %reduce_max3A_2146 [1, 2] : vector<1x128x1xf32> to vector<1xf32>
    %reduce_max3A_2148 = vector.shape_cast %reduce_max3A_2147 : vector<1xf32> to vector<1x1x1xf32>
    %reduce_max3A_2149 = vector.extract %reduce_max3A_2148[0, 0, 0] : f32 from vector<1x1x1xf32>
    %sub3A_2150 = vector.broadcast %reduce_max3A_2149 : f32 to vector<128x1xf32>
    %sub3A_2151 = arith.subf %slice3A_2144, %sub3A_2150 : vector<128x1xf32>
    %concatenate3A_2152 = tpu.concatenate %sub3A_2095, %sub3A_2103, %sub3A_2111, %sub3A_2119, %sub3A_2127, %sub3A_2135, %sub3A_2143, %sub3A_2151 in 0 : vector<128x1xf32>, vector<128x1xf32>, vector<128x1xf32>, vector<128x1xf32>, vector<128x1xf32>, vector<128x1xf32>, vector<128x1xf32>, vector<128x1xf32> -> vector<1024x1xf32>
    %exp3A_2153 = math.exp %concatenate3A_2152 : vector<1024x1xf32>
    %mul3A_2154 = arith.mulf %exp3A_2153, %get3A_13 : vector<1024x1xf32>
    %mul3A_2155 = vector.broadcast %mul3A_2154 : vector<1024x1xf32> to vector<1024x64xf32>
    %mul3A_2156 = arith.mulf %mul3A_2155, %add3A_2062 : vector<1024x64xf32>
    %dot_general3A_2157 = arith.constant dense<0.000000e+00> : vector<8x64xf32>
    %dot_general3A_2158 = tpu.matmul %convert_element_type3A_2032, %mul3A_2156, %dot_general3A_2157 {dimension_numbers = #tpu.dot_dimension_numbers<[0], [0], [1], [1], [0, 1, 1, 1], [], []>, precision = #tpu.contract_precision<fp32>, transpose_lhs_hint = false} : vector<1024x8xf32>, vector<1024x64xf32>, vector<8x64xf32> -> vector<8x64xf32>
    %broadcast_in_dim3A_2159 = vector.shape_cast %mul3A_2154 : vector<1024x1xf32> to vector<1024x1xf32>
    %broadcast_in_dim3A_2160 = vector.broadcast %broadcast_in_dim3A_2159 : vector<1024x1xf32> to vector<1024x64xf32>
    %dot_general3A_2161 = arith.constant dense<0.000000e+00> : vector<8x64xf32>
    %dot_general3A_2162 = tpu.matmul %convert_element_type3A_2032, %broadcast_in_dim3A_2160, %dot_general3A_2161 {dimension_numbers = #tpu.dot_dimension_numbers<[0], [0], [1], [1], [0, 1, 1, 1], [], []>, precision = #tpu.contract_precision<fp32>, transpose_lhs_hint = false} : vector<1024x8xf32>, vector<1024x64xf32>, vector<8x64xf32> -> vector<8x64xf32>
    %div3A_2163 = arith.divf %dot_general3A_2158, %dot_general3A_2162 : vector<8x64xf32>
    %gt3A_2164 = arith.constant 0.000000e+00 : f32
    %gt3A_2165 = vector.broadcast %gt3A_2164 : f32 to vector<8x64xf32>
    %gt3A_2166 = arith.cmpf ogt, %div3A_2163, %gt3A_2165 : vector<8x64xf32>
    %min3A_2167 = arith.constant 0.000000e+00 : f32
    %min3A_2168 = vector.broadcast %min3A_2167 : f32 to vector<8x64xf32>
    %min3A_2169 = arith.minimumf %div3A_2163, %min3A_2168 : vector<8x64xf32>
    %exp3A_2170 = math.exp %min3A_2169 : vector<8x64xf32>
    %sub3A_2171 = arith.constant 1.000000e+00 : f32
    %sub3A_2172 = vector.broadcast %sub3A_2171 : f32 to vector<8x64xf32>
    %sub3A_2173 = arith.subf %exp3A_2170, %sub3A_2172 : vector<8x64xf32>
    %select_n3A_2174 = arith.select %gt3A_2166, %div3A_2163, %sub3A_2173 : vector<8x64xi1>, vector<8x64xf32>
    %get3A_2175 = arith.constant 0 : index
    %get3A_2176 = arith.constant 0 : index
    %get3A_2177 = vector.load %arg18[%get3A_2175, %get3A_2176] : memref<192x64xf32, #tpu.memory_space<vmem>>, vector<192x64xf32>
    %get3A_2178 = arith.constant 0 : index
    %get3A_2179 = arith.constant 0 : index
    %get3A_2180 = vector.load %arg20[%get3A_2178, %get3A_2179] : memref<192x64xf32, #tpu.memory_space<vmem>>, vector<192x64xf32>
    %get3A_2181 = arith.constant 0 : index
    %get3A_2182 = arith.constant 0 : index
    %get3A_2183 = vector.load %arg19[%get3A_2181, %get3A_2182] : memref<1x192xf32, #tpu.memory_space<vmem>>, vector<1x192xf32>
    %get3A_2184 = arith.constant 0 : index
    %get3A_2185 = arith.constant 0 : index
    %get3A_2186 = vector.load %arg21[%get3A_2184, %get3A_2185] : memref<1x192xf32, #tpu.memory_space<vmem>>, vector<1x192xf32>
    %transpose3A_2187 = tpu.transpose %get3A_2177, [1, 0] : vector<192x64xf32> -> vector<64x192xf32>
    %dot_general3A_2188 = arith.constant dense<0.000000e+00> : vector<8x192xf32>
    %dot_general3A_2189 = tpu.matmul %select_n3A_2174, %transpose3A_2187, %dot_general3A_2188 {dimension_numbers = #tpu.dot_dimension_numbers<[1], [0], [0], [1], [0, 0, 1, 1], [], []>, transpose_lhs_hint = false} : vector<8x64xf32>, vector<64x192xf32>, vector<8x192xf32> -> vector<8x192xf32>
    %add3A_2190 = vector.broadcast %get3A_2183 : vector<1x192xf32> to vector<8x192xf32>
    %add3A_2191 = arith.addf %dot_general3A_2189, %add3A_2190 : vector<8x192xf32>
    %transpose3A_2192 = tpu.transpose %get3A_2180, [1, 0] : vector<192x64xf32> -> vector<64x192xf32>
    %dot_general3A_2193 = arith.constant dense<0.000000e+00> : vector<8x192xf32>
    %dot_general3A_2194 = tpu.matmul %dot_general3A_2036, %transpose3A_2192, %dot_general3A_2193 {dimension_numbers = #tpu.dot_dimension_numbers<[1], [0], [0], [1], [0, 0, 1, 1], [], []>, transpose_lhs_hint = false} : vector<8x64xf32>, vector<64x192xf32>, vector<8x192xf32> -> vector<8x192xf32>
    %add3A_2195 = vector.broadcast %get3A_2186 : vector<1x192xf32> to vector<8x192xf32>
    %add3A_2196 = arith.addf %dot_general3A_2194, %add3A_2195 : vector<8x192xf32>
    %split3A_2197 = vector.extract_strided_slice %add3A_2191 {offsets = [0, 0], sizes = [8, 64], strides = [1, 1]} : vector<8x192xf32> to vector<8x64xf32>
    %split3A_2198 = vector.extract_strided_slice %add3A_2191 {offsets = [0, 64], sizes = [8, 64], strides = [1, 1]} : vector<8x192xf32> to vector<8x64xf32>
    %split3A_2199 = vector.extract_strided_slice %add3A_2191 {offsets = [0, 128], sizes = [8, 64], strides = [1, 1]} : vector<8x192xf32> to vector<8x64xf32>
    %split3A_2200 = vector.extract_strided_slice %add3A_2196 {offsets = [0, 0], sizes = [8, 64], strides = [1, 1]} : vector<8x192xf32> to vector<8x64xf32>
    %split3A_2201 = vector.extract_strided_slice %add3A_2196 {offsets = [0, 64], sizes = [8, 64], strides = [1, 1]} : vector<8x192xf32> to vector<8x64xf32>
    %split3A_2202 = vector.extract_strided_slice %add3A_2196 {offsets = [0, 128], sizes = [8, 64], strides = [1, 1]} : vector<8x192xf32> to vector<8x64xf32>
    %add3A_2203 = arith.addf %split3A_2197, %split3A_2200 : vector<8x64xf32>
    %logistic3A_2204 = arith.negf %add3A_2203 : vector<8x64xf32>
    %logistic3A_2205 = math.exp %logistic3A_2204 : vector<8x64xf32>
    %logistic3A_2206 = arith.constant 1.000000e+00 : f32
    %logistic3A_2207 = vector.broadcast %logistic3A_2206 : f32 to vector<8x64xf32>
    %logistic3A_2208 = arith.addf %logistic3A_2207, %logistic3A_2205 : vector<8x64xf32>
    %logistic3A_2209 = arith.divf %logistic3A_2207, %logistic3A_2208 : vector<8x64xf32>
    %add3A_2210 = arith.addf %split3A_2198, %split3A_2201 : vector<8x64xf32>
    %logistic3A_2211 = arith.negf %add3A_2210 : vector<8x64xf32>
    %logistic3A_2212 = math.exp %logistic3A_2211 : vector<8x64xf32>
    %logistic3A_2213 = arith.constant 1.000000e+00 : f32
    %logistic3A_2214 = vector.broadcast %logistic3A_2213 : f32 to vector<8x64xf32>
    %logistic3A_2215 = arith.addf %logistic3A_2214, %logistic3A_2212 : vector<8x64xf32>
    %logistic3A_2216 = arith.divf %logistic3A_2214, %logistic3A_2215 : vector<8x64xf32>
    %mul3A_2217 = arith.mulf %logistic3A_2209, %split3A_2202 : vector<8x64xf32>
    %add3A_2218 = arith.addf %split3A_2199, %mul3A_2217 : vector<8x64xf32>
    %tanh3A_2219 = math.tanh %add3A_2218 : vector<8x64xf32>
    %sub3A_2220 = arith.constant 1.000000e+00 : f32
    %sub3A_2221 = vector.broadcast %sub3A_2220 : f32 to vector<8x64xf32>
    %sub3A_2222 = arith.subf %sub3A_2221, %logistic3A_2216 : vector<8x64xf32>
    %mul3A_2223 = arith.mulf %sub3A_2222, %tanh3A_2219 : vector<8x64xf32>
    %mul3A_2224 = arith.mulf %logistic3A_2216, %dot_general3A_2036 : vector<8x64xf32>
    %add3A_2225 = arith.addf %mul3A_2223, %mul3A_2224 : vector<8x64xf32>
    %max3A_2226 = arith.constant 0.000000e+00 : f32
    %max3A_2227 = vector.broadcast %max3A_2226 : f32 to vector<8x64xf32>
    %max3A_2228 = arith.maximumf %add3A_2225, %max3A_2227 : vector<8x64xf32>
    %dot_general3A_2229 = arith.constant dense<0.000000e+00> : vector<1024x64xf32>
    %dot_general3A_2230 = tpu.matmul %convert_element_type3A_2032, %max3A_2228, %dot_general3A_2229 {dimension_numbers = #tpu.dot_dimension_numbers<[1], [0], [0], [1], [0, 0, 1, 1], [], []>, precision = #tpu.contract_precision<fp32>, transpose_lhs_hint = false} : vector<1024x8xf32>, vector<8x64xf32>, vector<1024x64xf32> -> vector<1024x64xf32>
    %mul3A_2231 = vector.broadcast %slice3A_2051 : vector<1x64xf32> to vector<1024x64xf32>
    %mul3A_2232 = arith.mulf %dot_general3A_2230, %mul3A_2231 : vector<1024x64xf32>
    %reduce_sum3A_2233 = arith.constant dense<0.000000e+00> : vector<1024xf32>
    %reduce_sum3A_2234 = vector.multi_reduction <add>, %mul3A_2232, %reduce_sum3A_2233 [1] : vector<1024x64xf32> to vector<1024xf32>
    %broadcast_in_dim3A_2235 = vector.shape_cast %reduce_sum3A_2234 : vector<1024xf32> to vector<1024x1xf32>
    %mul3A_2236 = vector.broadcast %slice3A_2052 : vector<1x64xf32> to vector<1024x64xf32>
    %mul3A_2237 = arith.mulf %max3A_1998, %mul3A_2236 : vector<1024x64xf32>
    %reduce_sum3A_2238 = arith.constant dense<0.000000e+00> : vector<1024xf32>
    %reduce_sum3A_2239 = vector.multi_reduction <add>, %mul3A_2237, %reduce_sum3A_2238 [1] : vector<1024x64xf32> to vector<1024xf32>
    %broadcast_in_dim3A_2240 = vector.shape_cast %reduce_sum3A_2239 : vector<1024xf32> to vector<1024x1xf32>
    %add3A_2241 = arith.addf %broadcast_in_dim3A_2235, %broadcast_in_dim3A_2240 : vector<1024x1xf32>
    %get3A_2242 = arith.constant 0 : index
    %get3A_2243 = arith.constant 0 : index
    %get3A_2244 = vector.load %arg23[%get3A_2242, %get3A_2243] : memref<1x1xf32, #tpu.memory_space<vmem>>, vector<1x1xf32>
    %add3A_2245 = vector.broadcast %get3A_2244 : vector<1x1xf32> to vector<1024x1xf32>
    %add3A_2246 = arith.addf %add3A_2241, %add3A_2245 : vector<1024x1xf32>
    %jit3A_2247 = arith.constant 0.00999999977 : f32
    %ge3A_2248 = arith.constant 0.000000e+00 : f32
    %ge3A_2249 = vector.broadcast %ge3A_2248 : f32 to vector<1024x1xf32>
    %ge3A_2250 = arith.cmpf oge, %add3A_2246, %ge3A_2249 : vector<1024x1xf32>
    %mul3A_2251 = vector.broadcast %jit3A_2247 : f32 to vector<1024x1xf32>
    %mul3A_2252 = arith.mulf %mul3A_2251, %add3A_2246 : vector<1024x1xf32>
    %select_n3A_2253 = arith.select %ge3A_2250, %add3A_2246, %mul3A_2252 : vector<1024x1xi1>, vector<1024x1xf32>
    %add3A_2254 = arith.addf %select_n3A_2253, %select_n3A_2047 : vector<1024x1xf32>
    %slice3A_2255 = vector.extract_strided_slice %add3A_2254 {offsets = [0, 0], sizes = [128, 1], strides = [1, 1]} : vector<1024x1xf32> to vector<128x1xf32>
    %reduce_max3A_2256 = vector.shape_cast %slice3A_2255 : vector<128x1xf32> to vector<1x128x1xf32>
    %reduce_max3A_2257 = arith.constant dense<0xFF800000> : vector<1xf32>
    %reduce_max3A_2258 = vector.multi_reduction <maximumf>, %reduce_max3A_2256, %reduce_max3A_2257 [1, 2] : vector<1x128x1xf32> to vector<1xf32>
    %reduce_max3A_2259 = vector.shape_cast %reduce_max3A_2258 : vector<1xf32> to vector<1x1x1xf32>
    %reduce_max3A_2260 = vector.extract %reduce_max3A_2259[0, 0, 0] : f32 from vector<1x1x1xf32>
    %sub3A_2261 = vector.broadcast %reduce_max3A_2260 : f32 to vector<128x1xf32>
    %sub3A_2262 = arith.subf %slice3A_2255, %sub3A_2261 : vector<128x1xf32>
    %slice3A_2263 = vector.extract_strided_slice %add3A_2254 {offsets = [128, 0], sizes = [128, 1], strides = [1, 1]} : vector<1024x1xf32> to vector<128x1xf32>
    %reduce_max3A_2264 = vector.shape_cast %slice3A_2263 : vector<128x1xf32> to vector<1x128x1xf32>
    %reduce_max3A_2265 = arith.constant dense<0xFF800000> : vector<1xf32>
    %reduce_max3A_2266 = vector.multi_reduction <maximumf>, %reduce_max3A_2264, %reduce_max3A_2265 [1, 2] : vector<1x128x1xf32> to vector<1xf32>
    %reduce_max3A_2267 = vector.shape_cast %reduce_max3A_2266 : vector<1xf32> to vector<1x1x1xf32>
    %reduce_max3A_2268 = vector.extract %reduce_max3A_2267[0, 0, 0] : f32 from vector<1x1x1xf32>
    %sub3A_2269 = vector.broadcast %reduce_max3A_2268 : f32 to vector<128x1xf32>
    %sub3A_2270 = arith.subf %slice3A_2263, %sub3A_2269 : vector<128x1xf32>
    %slice3A_2271 = vector.extract_strided_slice %add3A_2254 {offsets = [256, 0], sizes = [128, 1], strides = [1, 1]} : vector<1024x1xf32> to vector<128x1xf32>
    %reduce_max3A_2272 = vector.shape_cast %slice3A_2271 : vector<128x1xf32> to vector<1x128x1xf32>
    %reduce_max3A_2273 = arith.constant dense<0xFF800000> : vector<1xf32>
    %reduce_max3A_2274 = vector.multi_reduction <maximumf>, %reduce_max3A_2272, %reduce_max3A_2273 [1, 2] : vector<1x128x1xf32> to vector<1xf32>
    %reduce_max3A_2275 = vector.shape_cast %reduce_max3A_2274 : vector<1xf32> to vector<1x1x1xf32>
    %reduce_max3A_2276 = vector.extract %reduce_max3A_2275[0, 0, 0] : f32 from vector<1x1x1xf32>
    %sub3A_2277 = vector.broadcast %reduce_max3A_2276 : f32 to vector<128x1xf32>
    %sub3A_2278 = arith.subf %slice3A_2271, %sub3A_2277 : vector<128x1xf32>
    %slice3A_2279 = vector.extract_strided_slice %add3A_2254 {offsets = [384, 0], sizes = [128, 1], strides = [1, 1]} : vector<1024x1xf32> to vector<128x1xf32>
    %reduce_max3A_2280 = vector.shape_cast %slice3A_2279 : vector<128x1xf32> to vector<1x128x1xf32>
    %reduce_max3A_2281 = arith.constant dense<0xFF800000> : vector<1xf32>
    %reduce_max3A_2282 = vector.multi_reduction <maximumf>, %reduce_max3A_2280, %reduce_max3A_2281 [1, 2] : vector<1x128x1xf32> to vector<1xf32>
    %reduce_max3A_2283 = vector.shape_cast %reduce_max3A_2282 : vector<1xf32> to vector<1x1x1xf32>
    %reduce_max3A_2284 = vector.extract %reduce_max3A_2283[0, 0, 0] : f32 from vector<1x1x1xf32>
    %sub3A_2285 = vector.broadcast %reduce_max3A_2284 : f32 to vector<128x1xf32>
    %sub3A_2286 = arith.subf %slice3A_2279, %sub3A_2285 : vector<128x1xf32>
    %slice3A_2287 = vector.extract_strided_slice %add3A_2254 {offsets = [512, 0], sizes = [128, 1], strides = [1, 1]} : vector<1024x1xf32> to vector<128x1xf32>
    %reduce_max3A_2288 = vector.shape_cast %slice3A_2287 : vector<128x1xf32> to vector<1x128x1xf32>
    %reduce_max3A_2289 = arith.constant dense<0xFF800000> : vector<1xf32>
    %reduce_max3A_2290 = vector.multi_reduction <maximumf>, %reduce_max3A_2288, %reduce_max3A_2289 [1, 2] : vector<1x128x1xf32> to vector<1xf32>
    %reduce_max3A_2291 = vector.shape_cast %reduce_max3A_2290 : vector<1xf32> to vector<1x1x1xf32>
    %reduce_max3A_2292 = vector.extract %reduce_max3A_2291[0, 0, 0] : f32 from vector<1x1x1xf32>
    %sub3A_2293 = vector.broadcast %reduce_max3A_2292 : f32 to vector<128x1xf32>
    %sub3A_2294 = arith.subf %slice3A_2287, %sub3A_2293 : vector<128x1xf32>
    %slice3A_2295 = vector.extract_strided_slice %add3A_2254 {offsets = [640, 0], sizes = [128, 1], strides = [1, 1]} : vector<1024x1xf32> to vector<128x1xf32>
    %reduce_max3A_2296 = vector.shape_cast %slice3A_2295 : vector<128x1xf32> to vector<1x128x1xf32>
    %reduce_max3A_2297 = arith.constant dense<0xFF800000> : vector<1xf32>
    %reduce_max3A_2298 = vector.multi_reduction <maximumf>, %reduce_max3A_2296, %reduce_max3A_2297 [1, 2] : vector<1x128x1xf32> to vector<1xf32>
    %reduce_max3A_2299 = vector.shape_cast %reduce_max3A_2298 : vector<1xf32> to vector<1x1x1xf32>
    %reduce_max3A_2300 = vector.extract %reduce_max3A_2299[0, 0, 0] : f32 from vector<1x1x1xf32>
    %sub3A_2301 = vector.broadcast %reduce_max3A_2300 : f32 to vector<128x1xf32>
    %sub3A_2302 = arith.subf %slice3A_2295, %sub3A_2301 : vector<128x1xf32>
    %slice3A_2303 = vector.extract_strided_slice %add3A_2254 {offsets = [768, 0], sizes = [128, 1], strides = [1, 1]} : vector<1024x1xf32> to vector<128x1xf32>
    %reduce_max3A_2304 = vector.shape_cast %slice3A_2303 : vector<128x1xf32> to vector<1x128x1xf32>
    %reduce_max3A_2305 = arith.constant dense<0xFF800000> : vector<1xf32>
    %reduce_max3A_2306 = vector.multi_reduction <maximumf>, %reduce_max3A_2304, %reduce_max3A_2305 [1, 2] : vector<1x128x1xf32> to vector<1xf32>
    %reduce_max3A_2307 = vector.shape_cast %reduce_max3A_2306 : vector<1xf32> to vector<1x1x1xf32>
    %reduce_max3A_2308 = vector.extract %reduce_max3A_2307[0, 0, 0] : f32 from vector<1x1x1xf32>
    %sub3A_2309 = vector.broadcast %reduce_max3A_2308 : f32 to vector<128x1xf32>
    %sub3A_2310 = arith.subf %slice3A_2303, %sub3A_2309 : vector<128x1xf32>
    %slice3A_2311 = vector.extract_strided_slice %add3A_2254 {offsets = [896, 0], sizes = [128, 1], strides = [1, 1]} : vector<1024x1xf32> to vector<128x1xf32>
    %reduce_max3A_2312 = vector.shape_cast %slice3A_2311 : vector<128x1xf32> to vector<1x128x1xf32>
    %reduce_max3A_2313 = arith.constant dense<0xFF800000> : vector<1xf32>
    %reduce_max3A_2314 = vector.multi_reduction <maximumf>, %reduce_max3A_2312, %reduce_max3A_2313 [1, 2] : vector<1x128x1xf32> to vector<1xf32>
    %reduce_max3A_2315 = vector.shape_cast %reduce_max3A_2314 : vector<1xf32> to vector<1x1x1xf32>
    %reduce_max3A_2316 = vector.extract %reduce_max3A_2315[0, 0, 0] : f32 from vector<1x1x1xf32>
    %sub3A_2317 = vector.broadcast %reduce_max3A_2316 : f32 to vector<128x1xf32>
    %sub3A_2318 = arith.subf %slice3A_2311, %sub3A_2317 : vector<128x1xf32>
    %concatenate3A_2319 = tpu.concatenate %sub3A_2262, %sub3A_2270, %sub3A_2278, %sub3A_2286, %sub3A_2294, %sub3A_2302, %sub3A_2310, %sub3A_2318 in 0 : vector<128x1xf32>, vector<128x1xf32>, vector<128x1xf32>, vector<128x1xf32>, vector<128x1xf32>, vector<128x1xf32>, vector<128x1xf32>, vector<128x1xf32> -> vector<1024x1xf32>
    %exp3A_2320 = math.exp %concatenate3A_2319 : vector<1024x1xf32>
    %mul3A_2321 = arith.mulf %exp3A_2320, %get3A_13 : vector<1024x1xf32>
    %mul3A_2322 = vector.broadcast %mul3A_2321 : vector<1024x1xf32> to vector<1024x64xf32>
    %mul3A_2323 = arith.mulf %mul3A_2322, %add3A_2062 : vector<1024x64xf32>
    %dot_general3A_2324 = arith.constant dense<0.000000e+00> : vector<8x64xf32>
    %dot_general3A_2325 = tpu.matmul %convert_element_type3A_2032, %mul3A_2323, %dot_general3A_2324 {dimension_numbers = #tpu.dot_dimension_numbers<[0], [0], [1], [1], [0, 1, 1, 1], [], []>, precision = #tpu.contract_precision<fp32>, transpose_lhs_hint = false} : vector<1024x8xf32>, vector<1024x64xf32>, vector<8x64xf32> -> vector<8x64xf32>
    %broadcast_in_dim3A_2326 = vector.shape_cast %mul3A_2321 : vector<1024x1xf32> to vector<1024x1xf32>
    %broadcast_in_dim3A_2327 = vector.broadcast %broadcast_in_dim3A_2326 : vector<1024x1xf32> to vector<1024x64xf32>
    %dot_general3A_2328 = arith.constant dense<0.000000e+00> : vector<8x64xf32>
    %dot_general3A_2329 = tpu.matmul %convert_element_type3A_2032, %broadcast_in_dim3A_2327, %dot_general3A_2328 {dimension_numbers = #tpu.dot_dimension_numbers<[0], [0], [1], [1], [0, 1, 1, 1], [], []>, precision = #tpu.contract_precision<fp32>, transpose_lhs_hint = false} : vector<1024x8xf32>, vector<1024x64xf32>, vector<8x64xf32> -> vector<8x64xf32>
    %div3A_2330 = arith.divf %dot_general3A_2325, %dot_general3A_2329 : vector<8x64xf32>
    %gt3A_2331 = arith.constant 0.000000e+00 : f32
    %gt3A_2332 = vector.broadcast %gt3A_2331 : f32 to vector<8x64xf32>
    %gt3A_2333 = arith.cmpf ogt, %div3A_2330, %gt3A_2332 : vector<8x64xf32>
    %min3A_2334 = arith.constant 0.000000e+00 : f32
    %min3A_2335 = vector.broadcast %min3A_2334 : f32 to vector<8x64xf32>
    %min3A_2336 = arith.minimumf %div3A_2330, %min3A_2335 : vector<8x64xf32>
    %exp3A_2337 = math.exp %min3A_2336 : vector<8x64xf32>
    %sub3A_2338 = arith.constant 1.000000e+00 : f32
    %sub3A_2339 = vector.broadcast %sub3A_2338 : f32 to vector<8x64xf32>
    %sub3A_2340 = arith.subf %exp3A_2337, %sub3A_2339 : vector<8x64xf32>
    %select_n3A_2341 = arith.select %gt3A_2333, %div3A_2330, %sub3A_2340 : vector<8x64xi1>, vector<8x64xf32>
    %get3A_2342 = arith.constant 0 : index
    %get3A_2343 = arith.constant 0 : index
    %get3A_2344 = vector.load %arg18[%get3A_2342, %get3A_2343] : memref<192x64xf32, #tpu.memory_space<vmem>>, vector<192x64xf32>
    %get3A_2345 = arith.constant 0 : index
    %get3A_2346 = arith.constant 0 : index
    %get3A_2347 = vector.load %arg20[%get3A_2345, %get3A_2346] : memref<192x64xf32, #tpu.memory_space<vmem>>, vector<192x64xf32>
    %get3A_2348 = arith.constant 0 : index
    %get3A_2349 = arith.constant 0 : index
    %get3A_2350 = vector.load %arg19[%get3A_2348, %get3A_2349] : memref<1x192xf32, #tpu.memory_space<vmem>>, vector<1x192xf32>
    %get3A_2351 = arith.constant 0 : index
    %get3A_2352 = arith.constant 0 : index
    %get3A_2353 = vector.load %arg21[%get3A_2351, %get3A_2352] : memref<1x192xf32, #tpu.memory_space<vmem>>, vector<1x192xf32>
    %transpose3A_2354 = tpu.transpose %get3A_2344, [1, 0] : vector<192x64xf32> -> vector<64x192xf32>
    %dot_general3A_2355 = arith.constant dense<0.000000e+00> : vector<8x192xf32>
    %dot_general3A_2356 = tpu.matmul %select_n3A_2341, %transpose3A_2354, %dot_general3A_2355 {dimension_numbers = #tpu.dot_dimension_numbers<[1], [0], [0], [1], [0, 0, 1, 1], [], []>, transpose_lhs_hint = false} : vector<8x64xf32>, vector<64x192xf32>, vector<8x192xf32> -> vector<8x192xf32>
    %add3A_2357 = vector.broadcast %get3A_2350 : vector<1x192xf32> to vector<8x192xf32>
    %add3A_2358 = arith.addf %dot_general3A_2356, %add3A_2357 : vector<8x192xf32>
    %transpose3A_2359 = tpu.transpose %get3A_2347, [1, 0] : vector<192x64xf32> -> vector<64x192xf32>
    %dot_general3A_2360 = arith.constant dense<0.000000e+00> : vector<8x192xf32>
    %dot_general3A_2361 = tpu.matmul %add3A_2225, %transpose3A_2359, %dot_general3A_2360 {dimension_numbers = #tpu.dot_dimension_numbers<[1], [0], [0], [1], [0, 0, 1, 1], [], []>, transpose_lhs_hint = false} : vector<8x64xf32>, vector<64x192xf32>, vector<8x192xf32> -> vector<8x192xf32>
    %add3A_2362 = vector.broadcast %get3A_2353 : vector<1x192xf32> to vector<8x192xf32>
    %add3A_2363 = arith.addf %dot_general3A_2361, %add3A_2362 : vector<8x192xf32>
    %split3A_2364 = vector.extract_strided_slice %add3A_2358 {offsets = [0, 0], sizes = [8, 64], strides = [1, 1]} : vector<8x192xf32> to vector<8x64xf32>
    %split3A_2365 = vector.extract_strided_slice %add3A_2358 {offsets = [0, 64], sizes = [8, 64], strides = [1, 1]} : vector<8x192xf32> to vector<8x64xf32>
    %split3A_2366 = vector.extract_strided_slice %add3A_2358 {offsets = [0, 128], sizes = [8, 64], strides = [1, 1]} : vector<8x192xf32> to vector<8x64xf32>
    %split3A_2367 = vector.extract_strided_slice %add3A_2363 {offsets = [0, 0], sizes = [8, 64], strides = [1, 1]} : vector<8x192xf32> to vector<8x64xf32>
    %split3A_2368 = vector.extract_strided_slice %add3A_2363 {offsets = [0, 64], sizes = [8, 64], strides = [1, 1]} : vector<8x192xf32> to vector<8x64xf32>
    %split3A_2369 = vector.extract_strided_slice %add3A_2363 {offsets = [0, 128], sizes = [8, 64], strides = [1, 1]} : vector<8x192xf32> to vector<8x64xf32>
    %add3A_2370 = arith.addf %split3A_2364, %split3A_2367 : vector<8x64xf32>
    %logistic3A_2371 = arith.negf %add3A_2370 : vector<8x64xf32>
    %logistic3A_2372 = math.exp %logistic3A_2371 : vector<8x64xf32>
    %logistic3A_2373 = arith.constant 1.000000e+00 : f32
    %logistic3A_2374 = vector.broadcast %logistic3A_2373 : f32 to vector<8x64xf32>
    %logistic3A_2375 = arith.addf %logistic3A_2374, %logistic3A_2372 : vector<8x64xf32>
    %logistic3A_2376 = arith.divf %logistic3A_2374, %logistic3A_2375 : vector<8x64xf32>
    %add3A_2377 = arith.addf %split3A_2365, %split3A_2368 : vector<8x64xf32>
    %logistic3A_2378 = arith.negf %add3A_2377 : vector<8x64xf32>
    %logistic3A_2379 = math.exp %logistic3A_2378 : vector<8x64xf32>
    %logistic3A_2380 = arith.constant 1.000000e+00 : f32
    %logistic3A_2381 = vector.broadcast %logistic3A_2380 : f32 to vector<8x64xf32>
    %logistic3A_2382 = arith.addf %logistic3A_2381, %logistic3A_2379 : vector<8x64xf32>
    %logistic3A_2383 = arith.divf %logistic3A_2381, %logistic3A_2382 : vector<8x64xf32>
    %mul3A_2384 = arith.mulf %logistic3A_2376, %split3A_2369 : vector<8x64xf32>
    %add3A_2385 = arith.addf %split3A_2366, %mul3A_2384 : vector<8x64xf32>
    %tanh3A_2386 = math.tanh %add3A_2385 : vector<8x64xf32>
    %sub3A_2387 = arith.constant 1.000000e+00 : f32
    %sub3A_2388 = vector.broadcast %sub3A_2387 : f32 to vector<8x64xf32>
    %sub3A_2389 = arith.subf %sub3A_2388, %logistic3A_2383 : vector<8x64xf32>
    %mul3A_2390 = arith.mulf %sub3A_2389, %tanh3A_2386 : vector<8x64xf32>
    %mul3A_2391 = arith.mulf %logistic3A_2383, %add3A_2225 : vector<8x64xf32>
    %add3A_2392 = arith.addf %mul3A_2390, %mul3A_2391 : vector<8x64xf32>
    %get3A_2393 = arith.constant 0 : index
    %get3A_2394 = arith.constant 0 : index
    %get3A_2395 = vector.load %arg26[%get3A_2393, %get3A_2394] : memref<1x64xf32, #tpu.memory_space<vmem>>, vector<1x64xf32>
    %mul3A_2396 = vector.broadcast %get3A_2395 : vector<1x64xf32> to vector<8x64xf32>
    %mul3A_2397 = arith.mulf %add3A_2392, %mul3A_2396 : vector<8x64xf32>
    %reduce_sum3A_2398 = arith.constant dense<0.000000e+00> : vector<8xf32>
    %reduce_sum3A_2399 = vector.multi_reduction <add>, %mul3A_2397, %reduce_sum3A_2398 [1] : vector<8x64xf32> to vector<8xf32>
    %broadcast_in_dim3A_2400 = vector.shape_cast %reduce_sum3A_2399 : vector<8xf32> to vector<8x1xf32>
    %get3A_2401 = arith.constant 0 : index
    %get3A_2402 = arith.constant 0 : index
    %get3A_2403 = vector.load %arg27[%get3A_2401, %get3A_2402] : memref<1x1xf32, #tpu.memory_space<vmem>>, vector<1x1xf32>
    %add3A_2404 = vector.broadcast %get3A_2403 : vector<1x1xf32> to vector<8x1xf32>
    %add3A_2405 = arith.addf %broadcast_in_dim3A_2400, %add3A_2404 : vector<8x1xf32>
    %swap3A_2406 = arith.constant 0 : index
    %swap3A_2407 = arith.constant 0 : index
    %swap3A_2408 = vector.load %arg29[%swap3A_2406, %swap3A_2407] : memref<8x1xf32, #tpu.memory_space<vmem>>, vector<8x1xf32>
    tpu.vector_store %arg29[%swap3A_2406, %swap3A_2407], %add3A_2405 {strides = array<i32>} : memref<8x1xf32, #tpu.memory_space<vmem>>, vector<8x1xf32>,
    return
  }
  func.func @transform_0(%arg0: i32) -> (i32, i32) {
    %c0_i32 = arith.constant 0 : i32
    %c0_i32_0 = arith.constant 0 : i32
    return %arg0, %c0_i32 : i32, i32
  }
  func.func @transform_1(%arg0: i32) -> (i32, i32) {
    %c0_i32 = arith.constant 0 : i32
    %c0_i32_0 = arith.constant 0 : i32
    return %arg0, %c0_i32 : i32, i32
  }
  func.func @transform_2(%arg0: i32) -> (i32, i32) {
    %c0_i32 = arith.constant 0 : i32
    %c0_i32_0 = arith.constant 0 : i32
    return %arg0, %c0_i32 : i32, i32
  }
  func.func @transform_3(%arg0: i32) -> (i32, i32) {
    %c0_i32 = arith.constant 0 : i32
    %c0_i32_0 = arith.constant 0 : i32
    return %arg0, %c0_i32 : i32, i32
  }
  func.func @transform_4(%arg0: i32) -> (i32, i32) {
    %c0_i32 = arith.constant 0 : i32
    %c0_i32_0 = arith.constant 0 : i32
    return %arg0, %c0_i32 : i32, i32
  }
  func.func @transform_5(%arg0: i32) -> (i32, i32) {
    %c0_i32 = arith.constant 0 : i32
    %c0_i32_0 = arith.constant 0 : i32
    %c0_i32_1 = arith.constant 0 : i32
    return %c0_i32, %c0_i32_0 : i32, i32
  }
  func.func @transform_6(%arg0: i32) -> (i32, i32) {
    %c0_i32 = arith.constant 0 : i32
    %c0_i32_0 = arith.constant 0 : i32
    %c0_i32_1 = arith.constant 0 : i32
    return %c0_i32, %c0_i32_0 : i32, i32
  }
  func.func @transform_7(%arg0: i32) -> (i32, i32) {
    %c0_i32 = arith.constant 0 : i32
    %c0_i32_0 = arith.constant 0 : i32
    %c0_i32_1 = arith.constant 0 : i32
    return %c0_i32, %c0_i32_0 : i32, i32
  }
  func.func @transform_8(%arg0: i32) -> (i32, i32) {
    %c0_i32 = arith.constant 0 : i32
    %c0_i32_0 = arith.constant 0 : i32
    %c0_i32_1 = arith.constant 0 : i32
    return %c0_i32, %c0_i32_0 : i32, i32
  }
  func.func @transform_9(%arg0: i32) -> (i32, i32, i32) {
    %c0_i32 = arith.constant 0 : i32
    %c0_i32_0 = arith.constant 0 : i32
    %c0_i32_1 = arith.constant 0 : i32
    %c0_i32_2 = arith.constant 0 : i32
    return %c0_i32, %c0_i32_0, %c0_i32_1 : i32, i32, i32
  }
  func.func @transform_10(%arg0: i32) -> (i32, i32, i32) {
    %c0_i32 = arith.constant 0 : i32
    %c0_i32_0 = arith.constant 0 : i32
    %c0_i32_1 = arith.constant 0 : i32
    %c0_i32_2 = arith.constant 0 : i32
    return %c0_i32, %c0_i32_0, %c0_i32_1 : i32, i32, i32
  }
  func.func @transform_11(%arg0: i32) -> (i32, i32, i32) {
    %c0_i32 = arith.constant 0 : i32
    %c0_i32_0 = arith.constant 0 : i32
    %c0_i32_1 = arith.constant 0 : i32
    %c0_i32_2 = arith.constant 0 : i32
    return %c0_i32, %c0_i32_0, %c0_i32_1 : i32, i32, i32
  }
  func.func @transform_12(%arg0: i32) -> (i32, i32, i32) {
    %c0_i32 = arith.constant 0 : i32
    %c0_i32_0 = arith.constant 0 : i32
    %c0_i32_1 = arith.constant 0 : i32
    %c0_i32_2 = arith.constant 0 : i32
    return %c0_i32, %c0_i32_0, %c0_i32_1 : i32, i32, i32
  }
  func.func @transform_13(%arg0: i32) -> (i32, i32, i32) {
    %c0_i32 = arith.constant 0 : i32
    %c0_i32_0 = arith.constant 0 : i32
    %c0_i32_1 = arith.constant 0 : i32
    %c0_i32_2 = arith.constant 0 : i32
    return %c0_i32, %c0_i32_0, %c0_i32_1 : i32, i32, i32
  }
  func.func @transform_14(%arg0: i32) -> (i32, i32, i32) {
    %c0_i32 = arith.constant 0 : i32
    %c0_i32_0 = arith.constant 0 : i32
    %c0_i32_1 = arith.constant 0 : i32
    %c0_i32_2 = arith.constant 0 : i32
    return %c0_i32, %c0_i32_0, %c0_i32_1 : i32, i32, i32
  }
  func.func @transform_15(%arg0: i32) -> (i32, i32, i32) {
    %c0_i32 = arith.constant 0 : i32
    %c0_i32_0 = arith.constant 0 : i32
    %c0_i32_1 = arith.constant 0 : i32
    %c0_i32_2 = arith.constant 0 : i32
    return %c0_i32, %c0_i32_0, %c0_i32_1 : i32, i32, i32
  }
  func.func @transform_16(%arg0: i32) -> (i32, i32, i32) {
    %c0_i32 = arith.constant 0 : i32
    %c0_i32_0 = arith.constant 0 : i32
    %c0_i32_1 = arith.constant 0 : i32
    %c0_i32_2 = arith.constant 0 : i32
    return %c0_i32, %c0_i32_0, %c0_i32_1 : i32, i32, i32
  }
  func.func @transform_17(%arg0: i32) -> (i32, i32) {
    %c0_i32 = arith.constant 0 : i32
    %c0_i32_0 = arith.constant 0 : i32
    %c0_i32_1 = arith.constant 0 : i32
    return %c0_i32, %c0_i32_0 : i32, i32
  }
  func.func @transform_18(%arg0: i32) -> (i32, i32) {
    %c0_i32 = arith.constant 0 : i32
    %c0_i32_0 = arith.constant 0 : i32
    %c0_i32_1 = arith.constant 0 : i32
    return %c0_i32, %c0_i32_0 : i32, i32
  }
  func.func @transform_19(%arg0: i32) -> (i32, i32) {
    %c0_i32 = arith.constant 0 : i32
    %c0_i32_0 = arith.constant 0 : i32
    %c0_i32_1 = arith.constant 0 : i32
    return %c0_i32, %c0_i32_0 : i32, i32
  }
  func.func @transform_20(%arg0: i32) -> (i32, i32) {
    %c0_i32 = arith.constant 0 : i32
    %c0_i32_0 = arith.constant 0 : i32
    %c0_i32_1 = arith.constant 0 : i32
    return %c0_i32, %c0_i32_0 : i32, i32
  }
  func.func @transform_21(%arg0: i32) -> (i32, i32) {
    %c0_i32 = arith.constant 0 : i32
    %c0_i32_0 = arith.constant 0 : i32
    %c0_i32_1 = arith.constant 0 : i32
    return %c0_i32, %c0_i32_0 : i32, i32
  }
  func.func @transform_22(%arg0: i32) -> (i32, i32) {
    %c0_i32 = arith.constant 0 : i32
    %c0_i32_0 = arith.constant 0 : i32
    %c0_i32_1 = arith.constant 0 : i32
    return %c0_i32, %c0_i32_0 : i32, i32
  }
  func.func @transform_23(%arg0: i32) -> (i32, i32) {
    %c0_i32 = arith.constant 0 : i32
    %c0_i32_0 = arith.constant 0 : i32
    %c0_i32_1 = arith.constant 0 : i32
    return %c0_i32, %c0_i32_0 : i32, i32
  }
  func.func @transform_24(%arg0: i32) -> (i32, i32) {
    %c0_i32 = arith.constant 0 : i32
    %c0_i32_0 = arith.constant 0 : i32
    %c0_i32_1 = arith.constant 0 : i32
    return %c0_i32, %c0_i32_0 : i32, i32
  }
  func.func @transform_25(%arg0: i32) -> (i32, i32) {
    %c0_i32 = arith.constant 0 : i32
    %c0_i32_0 = arith.constant 0 : i32
    %c0_i32_1 = arith.constant 0 : i32
    return %c0_i32, %c0_i32_0 : i32, i32
  }
  func.func @transform_26(%arg0: i32) -> (i32, i32) {
    %c0_i32 = arith.constant 0 : i32
    %c0_i32_0 = arith.constant 0 : i32
    %c0_i32_1 = arith.constant 0 : i32
    return %c0_i32, %c0_i32_0 : i32, i32
  }
  func.func @transform_27(%arg0: i32) -> (i32, i32) {
    %c0_i32 = arith.constant 0 : i32
    %c0_i32_0 = arith.constant 0 : i32
    return %arg0, %c0_i32 : i32, i32
  }
  func.func @transform_28(%arg0: i32) -> (i32, i32) {
    %c0_i32 = arith.constant 0 : i32
    %c0_i32_0 = arith.constant 0 : i32
    return %arg0, %c0_i32 : i32, i32
  }
}

</mosaic_0001>

<sc_bundles>
// kernel: sparse-core-data-format-call.cloned.1.call-start
scs
called_computation_lowered:
.L_overlay_start_0:
0x0: {  	s2 =	sld [smem:$0x3FD9]  }
0x1: {  	s3 =	sld [smem:$0x3FFE];
	_ =	sdelay $0x1  }
0x2: {  	s1 =	srdreg.scid  }
0x3: {  	s0 =	sand.u32 $0x1, s1  }
0x4: {  	s15 =	sshll.u32 s0, $0xA;
	s2 =	sadd.s32 s3, s2  }
0x5: {  	s2 =	sadd.s32 s2, s15  }
0x6: {  	[smem:$0x3FAD] =	sst s2  }
0x7: {  	_ = 	snop  }
0x8: {  	s2 =	sld [smem:$0x3FD0];
	_ =	sdelay $0x2  }
0x9: {  	s16 =	simm.s32 $0xA;
	s4 =	simm.s32 $0x10  }
0xa: {  	[smem:s4], [sflag:s16] =	dma.local [hbm:s2], $0x1  }
0xb: {  	_ =	swait.eq [sflag:s16], $0x1  }
0xc: {  	[sflag:s16] =	ssyncset.done $0x0  }
0xd: {  	[sflag:s16] =	ssyncadd.s32 $0xFFFFFFFF  }
0xe: {  	s17 =	sld [smem:$0x10];
	(tm) =	ssettm $0x1  }
0xf: {  	s18 =	sld [smem:$0x3FFB];
	_ =	sdelay $0x3  }
0x10: {  	_ =	strace s18  }
0x11: {  	s3 =	sld [smem:$0x3FFC];
	_ =	sdelay $0x3  }
0x12: {  	_ =	strace s3  }
0x13: {  	s3 =	sld [smem:$0x3FFD];
	_ =	sdelay $0x3  }
0x14: {  	_ =	strace s3  }
0x15: {  	_ =	strace $0x8FFFFFFF  }
0x16: {  	s19 =	sld [smem:$0x3FDB];
	_ =	sdelay $0x1  }
0x17: {  	s20 =	simm.s32 $_scs_section_size  }
0x18: {  	s5 =	simm.s32 $_size__tile_overlayer_lowered;
	s6 =	simm.s32 $_tile_overlayer_lowered  }
0x19: {  	s23 =	simm.s32 $0x1BFF;
	s22 =	sshll.u32 s6, $0x1;
	s3 =	sadd.s32 s20, s19  }
0x1a: {  	s7 =	simm.s32 $0x0;
	s21 =	sshll.u32 s5, $0x1;
	s5 =	sadd.s32 s22, s3  }
0x1b: {  	[timem:s7], [sflag:s23] =	dma.local [hbm:s5], s21  }
0x1c: {  	_ =	swait.ge [sflag:s23], s21  }
0x1d: {  	s4 =	ssub.s32 $0x0, s21;
	[sflag:s23] =	ssyncset.done $0x0  }
0x1e: {  	[sflag:s23] =	ssyncadd.s32 s4;
	_ =	sdelay $0x1  }
0x1f: {  	s24 =	simm.s32 $0x1B8B  }
0x20: {  	_ =	swait.ge [sflag:s24], $0x1  }
0x21: {  	[sflag:s24] =	ssyncset.done $0x0  }
0x22: {  	s26 =	simm.s32 $0x1B8E;
	s25 =	sld [smem:$0x3FFE];
	[sflag:s24] =	ssyncadd.s32 $0xFFFFFFFF  }
0x23: {  	s27 =	simm.s32 $execute0_lowered;
	[smem:$0x3FD2] =	sst s26  }
0x24: {  	s5 =	sshll.u32 s27, $0x1;
	_ =	strace $0x80000046;
	[dreg:$0x1] =	wrdreg $0xFFFFFFFF  }
0x25: {  	s28 =	simm.s32 $_size_execute0_lowered;
	s3 =	sadd.s32 s3, s5;
	[dreg:$0x0] =	wrdreg $0x0  }
0x26: {  	s5 =	sshll.u32 s28, $0x1;
	[dreg:$0x2] =	wrdreg s3  }
0x27: {  	[dreg:$0x3] =	wrdreg s5  }
0x28: {  	[dreg:$0x4] =	wrdreg $0xC0  }
0x29: {  	_ =	task [dreg:s7], $0x5FFFF  }
0x2a: {  	[dreg:$0x1] =	wrdreg $0xFFFFFFFF  }
0x2b: {  	[dreg:$0x0] =	wrdreg $0x60  }
0x2c: {  	[dreg:$0x2] =	wrdreg s25  }
0x2d: {  	[dreg:$0x3] =	wrdreg s17  }
0x2e: {  	[dreg:$0x4] =	wrdreg $0x9  }
0x2f: {  	_ =	task.clear_ibuf [dreg:s7], $0x5FFFF;
	_ =	strace $0x90000046  }
0x30: {  	s29 =	simm.s32 $0x9;
	_ =	strace $0x80000048  }
0x31: {  	_ =	swait.ge [sflag:s29], $0x1  }
0x32: {  	[sflag:s29] =	ssyncadd.s32 $0xFFFFFFFF  }
0x33: {  	_ =	strace $0x90000048  }
0x34: {  	_ =	sfence  }
0x35: {  	s30 =	sld [smem:$0x0];
	_ =	sdelay $0x2  }
0x36: {  	s31 =	sshll.u32 s1, $0xD;
	s1 =	sshrl.u32 s1, $0x2  }
0x37: {  	s3 =	sand.u32 $0x4000, s31;
	s1 =	sadd.s32 s1, s30  }
0x38: {  	s0 =	sor.u32 s3, s0;
	s1 =	sshll.u32 s1, $0x11  }
0x39: {  	s0 =	sor.u32 s1, s0  }
0x3a: {  	s0 =	sadd.s32 $0x8F2B, s0  }
0x3b: {  	[sflag:s0] =	ssyncadd.remote.s32 $0x1  }
0x3c: {  	_ =	sfence.sel $0xFFFF  }
0x3d: {  	[dreg:$0x0] =	wrdreg $0xFFFFFFFF;
	(pc) =	sbr.abs _section_cstart, $3  }
0x3e: {  	[dreg:$0x1] =	wrdreg $0xFFFFFFFF  }
0x3f: {  	_ =	task.clear_ibuf [dreg:s7], $0x2FFFF;
	_ =	strace $0x9FFFFFFF  }
0x40: {  	(tm) =	ssettm $0x7FFFFFFF  }
0x41: {  	_ =	shalt  }
tec
execute0_lowered:
.L_overlay_start_1:
0x0: {  	(tag) =	ssettag $0x1  }
0x1: {  	s0 =	srdreg.scid  }
0x2: {  	s1 =	sshll.u32 s0, $0x4  }
0x3: {  	s4 =	rddreg [dreg:$0x0];
	s0 =	stileid.u32;
	s1 =	sand.u32 $0x10, s1  }
0x4: {  	s2 =	rddreg [dreg:$0x1];
	s7 =	simm.s32 $0x1;
	s1 =	sor.u32 s0, s1  }
0x5: {  	s8 =	simm.s32 $0x2;
	s11 =	simm.s32 $0x0;
	s3 =	sshll.u32 s1, $0x1  }
0x6: {  	s10 =	simm.s32 $0x0;
	s4 =	sadd.s32 $0xA02A00, s4;
	s6 =	ssub.s32 $0x400, s3  }
.Ltmp0:
0x7: {  	s1 =	rddreg [dreg:$0x2];
	s5 =	sand.u32 $0x3E, s6;
	(pc) =	sbr.rel .LBB1_1-.Ltmp0, $4  }
0x8: {  	_ =	strace $0x80000047;
	s9 =	smov.u32 s3;
	p0 =	sne.s32 s5, $0x0  }
0x9: {  	s6 =	sshrl.u32 s6, $0x6;
	s5 =	simm.s32 $0x1;
	s7 =	simm.s32 @!p0 $0x0  }
0xa: {  	[sflag:s5] =	ssyncpa.u1 $0x0;
	p0 =	por $0x0, $0x0;
	s6 =	sadd.s32 s7, s6  }
0xb: {  	[sflag:s8] =	ssyncpa.u1 $0x0;
	s8 =	simm.s32 $0x0;
	s7 =	sadd.s32 $0x1, s6  }
.LBB1_7:
0xc: {  	s13 =	sadd.s32 $0x40, s9  }
0xd: {  	p2 =	sgt.s32 s13, $0x3FF  }
0xe: {  	s13 =	smov.u32 @p2 s3;
	p2 =	sne.s32 s10, s7  }
.Ltmp1:
0xf: {  	p1 =	slt.u32 s10, $0x2;
	(pc) =	sbr.rel @!p2 .LBB1_8-.Ltmp1, $4  }
0x10: {  	s12 =	simm.s32 @!p1 $0x2  }
0x11: {  	s14 =	sadd.s32 $0x1, s10;
	_ =	swait.ge @!p1 [sflag:s12], $0x4000  }
0x12: {  	s11 =	smov.u32 s9;
	p0 =	por !p0, !p0;
	[sflag:s12] =	ssyncset.done @!p1 $0x0  }
0x13: {  	s10 =	smov.u32 s14;
	s9 =	smov.u32 s13;
	[sflag:s12] =	ssyncadd.s32 @!p1 $0xFFFFC000  }
.LBB1_1:
0x14: {  	p1 =	sge.u32 s10, s6  }
0x15: {  	s31 =	sadd.s32 $0xFFFFFFFF, s10;
	s12 =	sxor.u32 @!p1 $0xFFFFFFFF, s10  }
0x16: {  	s13 =	sshll.u32 @!p1 s9, $0xB;
	s14 =	simm.s32 @!p1 $0x40;
	s12 =	sshll.u32 @!p1 s12, $0xE  }
0x17: {  	s15 =	simm.s32 @!p1 $0x80;
	s13 =	sadd.s32 @!p1 s4, s13;
	s12 =	sand.u32 @!p1 $0x4000, s12  }
0x18: {  	[tilespmem:s12], [sflag:$0x1] =	stream.strided.gather @!p1 [hbm4b:s13+s14], $0x4000, s15, s14, $0x38;
	[tilespmem:$0x10100] =	vst v63  }
0x19: {  	p1 =	sge.u32 s31, s6  }
.Ltmp2:
0x1a: {  	_ = 	snop;
	(pc) =	sbr.rel @p1 .LBB1_7-.Ltmp2, $1  }
0x1b: {  	_ =	sdelay $0x3  }
0x1c: {  	s12 =	simm.s32 $0x1;
	s14 =	sand.u32 $0x1, s10  }
0x1d: {  	_ =	swait.ge [sflag:s5], $0x4000;
	s12 =	simm.s32 @!p0 $0x0;
	s14 =	smul.u32 $0x10200, s14  }
0x1e: {  	p2 =	por $0x1, $0x1;
	[sflag:s5] =	ssyncset.done $0x0;
	s13 =	smul.u32 $0x10200, s12  }
0x1f: {  	s15 =	sshll.u32 s12, $0x10;
	[sflag:s5] =	ssyncadd.s32 $0xFFFFC000;
	s30 =	sshrl.u32 s14, $0x2  }
0x20: {  	s31 =	sshrl.u32 s15, $0x2;
	s15 =	simm.s32 $0x0;
	s13 =	sshrl.u32 s13, $0x2  }
0x21: {  	s12 =	sor.u32 $0x8000, s30;
	s14 =	sadd.s32 $0x20, s31;
	s13 =	sor.u32 $0x8000, s13  }
.LBB1_3:
0x22: {  	s16 =	sshll.u32 s15, $0xD  }
0x23: {  	s16 =	sand.u32 $0x3FFFE000, s16  }
0x24: {  	s18 =	sadd.s32 s16, s14  }
0x25: {  	s31 =	smul.u32 $0x8100, s15;
	v3 =	vld [tilespmem:s18+$0x10]  }
0x26: {  	v1 =	vld [tilespmem:s18+$0xFFFFFFF0]  }
0x27: {  	s15 =	sshra.s32 s31, $0x2;
	v0 =	vld [tilespmem:s18+$0x0]  }
0x28: {  	s15 =	sadd.s32 s15, s13;
	v2 =	vld [tilespmem:s18+$0xFFFFFFE0]  }
0x29: {  	s16 =	sadd.s32 $0x0, s15  }
0x2a: {  	p1 =	por p2, p2;
	s17 =	simm.s32 $0x4;
	s18 =	sadd.s32 $0x40, s18;
	[tilespmem:s16+$0x1830 ss:$0x81] =	vst.msk $0xffff, v3  }
.LBB1_4:
0x2b: {  	v3 =	vld [tilespmem:s18+$0x10];
	p2 =	sne.s32 s17, $0x1FC;
	[tilespmem:s16+$0x810 ss:$0x81] =	vst.msk $0xffff, v1;
	s19 =	smov.u32 s17;
	s17 =	sadd.s32 $0x4, s17  }
.Ltmp3:
0x2c: {  	v1 =	vld [tilespmem:s18+$0xFFFFFFF0];
	[tilespmem:s16+$0x1020 ss:$0x81] =	vst.msk $0xffff, v0;
	(pc) =	sbr.rel @p2 .LBB1_4-.Ltmp3, $4  }
0x2d: {  	v0 =	vld [tilespmem:s18+$0x0];
	[tilespmem:s16+$0x0 ss:$0x81] =	vst.msk $0xffff, v2  }
0x2e: {  	s16 =	sshra.s32 s19, $0x2;
	v2 =	vld [tilespmem:s18+$0xFFFFFFE0]  }
0x2f: {  	s16 =	sadd.s32 s16, s15  }
0x30: {  	s18 =	sadd.s32 $0x40, s18;
	[tilespmem:s16+$0x1830 ss:$0x81] =	vst.msk $0xffff, v3  }
.Ltmp4:
0x31: {  	(pc) =	sbr.rel @p1 .LBB1_3-.Ltmp4, $4  }
0x32: {  	_ = 	snop  }
0x33: {  	[tilespmem:s16+$0x810 ss:$0x81] =	vst.msk $0xffff, v1  }
0x34: {  	[tilespmem:s16+$0x1020 ss:$0x81] =	vst.msk $0xffff, v0  }
0x35: {  	s15 =	simm.s32 $0x1;
	p2 =	por $0x0, $0x0;
	[tilespmem:s16+$0x0 ss:$0x81] =	vst.msk $0xffff, v2  }
.Ltmp5:
0x36: {  	(pc) =	sbr.rel .LBB1_7-.Ltmp5, $4  }
0x37: {  	_ = 	snop  }
0x38: {  	s11 =	sshll.u32 s11, $0xA  }
0x39: {  	s11 =	sadd.s32 s2, s11  }
0x3a: {  	[hbm4b:s11+s8] =	stream.linear.scatter [tilespmem:s12], [sflag:$0x2], $0x4000, $0x20;
	[tilespmem:$0x10100] =	vst v63  }
.LBB1_8:
0x3b: {  	_ =	sfence.sel $0x180000  }
0x3c: {  	s2 =	simm.s32 $0x1;
	[bflag:$0x0] =	sbarrier.arrive $0xFFFF  }
0x3d: {  	s31 =	simm.s32 $0x2;
	[sflag:s2] =	ssyncpa.u1 $0x1  }
0x3e: {  	[sflag:s31] =	ssyncpa.u1 $0x1  }
0x3f: {  	p0 =	sne.s32 s0, $0x0;
	_ =	strace $0x90000047  }
0x40: {  	s0 =	sadd.s32 @!p0 $0x100000, s1;
	[bflag:$0x2] =	sbarrier.arrive $0xFFFF  }
0x41: {  	[sflag:s0] =	ssyncadd.tile.s32 @!p0 $0x1;
	_ =	shalt  }
.Lfunc_end1:
_tile_overlayer_lowered:
.L_overlay_start_2:
0x42: {  	(tag) =	ssettag $0x2  }
0x43: {  	s0 =	rddreg [dreg:$0x0];
	s2 =	stileid.u32  }
0x44: {  	s1 =	rddreg [dreg:$0x1];
	p0 =	sne.s32 s2, $0x0  }
0x45: {  	s3 =	rddreg [dreg:$0x2];
	[bflag:$0x3] =	sbarrier.arrive $0xFFFF;
	s2 =	simm.s32 @!p0 $0x1C01  }
0x46: {  	[timem:s3], [sflag:s2] =	dma.local @!p0 [hbm:s0], s1  }
0x47: {  	s0 =	simm.s32 @!p0 $0x1  }
0x48: {  	_ =	swait.ge @!p0 [sflag:s0], s1  }
0x49: {  	s1 =	ssub.s32 @!p0 $0x0, s1;
	[sflag:s0] =	ssyncset.done @!p0 $0x0  }
0x4a: {  	[sflag:s0] =	ssyncadd.s32 @!p0 s1  }
0x4b: {  	[bflag:$0x3] =	sbarrier.arrive $0xFFFF  }
0x4c: {  	_ =	shalt  }

</sc_bundles>
